<compile_context>
chip_gen: v7x
topology: tpu7x:2x2x1
jax: 0.10.2.dev20260603
libtpu: 0.0.44.dev20260713+nightly
codegen_flags: <defaults>
</compile_context>

<pallas_src>
import functools
import math

import jax
import jax.numpy as jnp
from jax import lax
from jax.experimental import pallas as pl
from jax.experimental.pallas import tpu as pltpu
from jax.experimental.pallas import tpu_sc as plsc

_D = 512
_SCALE = math.sqrt(512.0)
_CHUNK = 40
_NBUF = 5
_LEAD = 3
_LANES = 16


def _emb_body(idx_hbm, table_hbm, out_hbm, *refs, b_per_w, nc):
    idx_v = refs[0]
    bufs = refs[1:1 + _NBUF]
    sem_g = refs[1 + _NBUF:1 + 2 * _NBUF]
    sem_s = refs[1 + 2 * _NBUF:1 + 3 * _NBUF]

    wid = lax.axis_index("s") * nc + lax.axis_index("c")
    base = wid * b_per_w
    n_chunks = b_per_w // _CHUNK
    n_steps = n_chunks // _NBUF
    n_tail = n_chunks - n_steps * _NBUF

    def gather(ci, slot):
        isl = idx_v.at[pl.ds(ci * _CHUNK, _CHUNK)]
        return pltpu.make_async_copy(table_hbm.at[isl], bufs[slot], sem_g[slot])

    def store(ci, slot):
        osl = out_hbm.at[pl.ds(base + ci * _CHUNK, _CHUNK)]
        return pltpu.make_async_copy(bufs[slot], osl, sem_s[slot])

    def scale_chunk(buf):
        def row_body(r, c2):
            for j in range(_D // _LANES):
                sl = pl.ds(j * _LANES, _LANES)
                buf[r, sl] = buf[r, sl] * _SCALE
            return c2

        lax.fori_loop(0, _CHUNK, row_body, 0)

    pltpu.sync_copy(idx_hbm.at[pl.ds(base, b_per_w)], idx_v)

    for g in range(_LEAD):
        gather(g, g).start()

    def step(s, carry):
        for b in range(_NBUF):
            ci = s * _NBUF + b
            slot_next = (b + _LEAD) % _NBUF

            @pl.when(ci + _LEAD < n_chunks)
            def _issue():
                @pl.when(ci >= _NBUF - _LEAD)
                def _drain_store():
                    store(ci, slot_next).wait()
                gather(ci + _LEAD, slot_next).start()

            gather(ci, b).wait()
            scale_chunk(bufs[b])
            store(ci, b).start()
        return carry

    lax.fori_loop(0, n_steps, step, 0)

    for t in range(n_tail):
        ci = n_steps * _NBUF + t
        slot = ci % _NBUF
        gather(ci, slot).wait()
        scale_chunk(bufs[slot])
        store(ci, slot).start()

    for b in range(_NBUF):
        store(0, b).wait()


def kernel(x, table):
    rows, cols = x.shape
    b_total = rows * cols
    info = plsc.get_sparse_core_info()
    nc, ns = info.num_cores, info.num_subcores
    nw = nc * ns
    b_per_w = b_total // nw

    mesh = plsc.VectorSubcoreMesh(core_axis_name="c", subcore_axis_name="s")
    body = functools.partial(_emb_body, b_per_w=b_per_w, nc=nc)
    run = pl.kernel(
        body,
        mesh=mesh,
        out_type=jax.ShapeDtypeStruct((b_total, _D), jnp.float32),
        scratch_types=(
            [pltpu.VMEM((b_per_w,), jnp.int32)]
            + [pltpu.VMEM((_CHUNK, _D), jnp.float32) for _ in range(_NBUF)]
            + [pltpu.SemaphoreType.DMA for _ in range(2 * _NBUF)]
        ),
    )
    idx = x.reshape(-1).astype(jnp.int32)
    out = run(idx, table)
    return out.reshape(rows, cols, _D)

# --- scband reference (transcript-rebuilt; emitter-appended) ---
"""Pipeline reference for scband-input-embeddings-46961172414583 (READ-ONLY COPY).

The authoritative reference and input builder live on the scoring server;
editing this copy changes nothing except your own understanding.
"""

import jax, jax.numpy as jnp
import numpy as np
import math

D_MODEL = 512
DICT_SIZE = 1000000
EMBED_DIM = 512  # hardcoded in the original module

def setup_inputs(seed: int = 0) -> dict:
    key = jax.random.key(seed)
    k1, k2 = jax.random.split(key)
    x = jax.random.randint(k1, (1024, 200), 0, DICT_SIZE, dtype=jnp.int64)
    table = jax.random.normal(k2, (DICT_SIZE, EMBED_DIM), dtype=jnp.float32)
    return {"x": x, "table": table}

def reference(x, table):
    # InputEmbeddings.forward: embed(x) * sqrt(d_model)
    emb = jnp.take(table, x, axis=0)
    return emb * math.sqrt(D_MODEL)

if __name__ == "__main__":
    import jax
    _d = setup_inputs()
    print(jax.jit(kernel)(*tuple(_d.values())))

</pallas_src>

<mosaic_0001>
#map = affine_map<(d0, d1) -> (0)>
#map1 = affine_map<(d0, d1) -> (0, 0)>
module attributes {stable_mosaic.version = 14 : i64} {
  func.func @_emb_body(%arg0: i32, %arg1: i32, %arg2: memref<204800xi32, #tpu.memory_space<hbm>>, %arg3: memref<1000000x512xf32, #tpu.memory_space<hbm>>, %arg4: memref<204800x512xf32, #tpu.memory_space<hbm>>, %arg5: memref<6400xi32, #tpu.memory_space<vmem>>, %arg6: memref<40x512xf32, #tpu.memory_space<vmem>>, %arg7: memref<40x512xf32, #tpu.memory_space<vmem>>, %arg8: memref<40x512xf32, #tpu.memory_space<vmem>>, %arg9: memref<40x512xf32, #tpu.memory_space<vmem>>, %arg10: memref<40x512xf32, #tpu.memory_space<vmem>>, %arg11: memref<!tpu.dma_semaphore, #tpu.memory_space<semaphore_mem>>, %arg12: memref<!tpu.dma_semaphore, #tpu.memory_space<semaphore_mem>>, %arg13: memref<!tpu.dma_semaphore, #tpu.memory_space<semaphore_mem>>, %arg14: memref<!tpu.dma_semaphore, #tpu.memory_space<semaphore_mem>>, %arg15: memref<!tpu.dma_semaphore, #tpu.memory_space<semaphore_mem>>, %arg16: memref<!tpu.dma_semaphore, #tpu.memory_space<semaphore_mem>>, %arg17: memref<!tpu.dma_semaphore, #tpu.memory_space<semaphore_mem>>, %arg18: memref<!tpu.dma_semaphore, #tpu.memory_space<semaphore_mem>>, %arg19: memref<!tpu.dma_semaphore, #tpu.memory_space<semaphore_mem>>, %arg20: memref<!tpu.dma_semaphore, #tpu.memory_space<semaphore_mem>>) attributes {dimension_semantics = [#tpu.dimension_semantics<core_parallel>, #tpu.dimension_semantics<subcore_parallel>], iteration_bounds = array<i64: 2, 16>, scalar_prefetch = 0 : i64, scratch_operands = 16 : i64, tpu.core_type = #tpu.core_type<sc_vector_subcore>, window_params = [{transform_indices = #map}, {transform_indices = #map1}, {transform_indices = #map1}]} {
    %mul3A = arith.constant 2 : i32
    %mul3A_0 = arith.muli %arg1, %mul3A : i32
    %add3A = arith.addi %mul3A_0, %arg0 : i32
    %mul3A_1 = arith.constant 6400 : i32
    %mul3A_2 = arith.muli %add3A, %mul3A_1 : i32
    "tpu.region"() ({
      %run_scoped3A = tpu.sem_alloc : memref<!tpu.dma_semaphore, #tpu.memory_space<semaphore_mem>>
      %dma_start3A_51 = tpu.memref_slice %arg2[%mul3A_2] : memref<204800xi32, #tpu.memory_space<hbm>> -> memref<6400xi32, #tpu.memory_space<hbm>>
      %dma_start3A_52 = tpu.memref_slice %arg2[%mul3A_2] : memref<204800xi32, #tpu.memory_space<hbm>> -> memref<6400xi32, #tpu.memory_space<hbm>>
      tpu.enqueue_dma source(%dma_start3A_52 : memref<6400xi32, #tpu.memory_space<hbm>>) target(%arg5 : memref<6400xi32, #tpu.memory_space<vmem>>) target_semaphore(%run_scoped3A : memref<!tpu.dma_semaphore, #tpu.memory_space<semaphore_mem>>)
      %dma_wait3A_53 = tpu.memref_slice %arg2[%mul3A_2] : memref<204800xi32, #tpu.memory_space<hbm>> -> memref<6400xi32, #tpu.memory_space<hbm>>
      %dma_wait3A_54 = tpu.memref_slice %arg2[%mul3A_2] : memref<204800xi32, #tpu.memory_space<hbm>> -> memref<6400xi32, #tpu.memory_space<hbm>>
      tpu.wait_dma2 semaphore(%run_scoped3A : memref<!tpu.dma_semaphore, #tpu.memory_space<semaphore_mem>>) src(%dma_wait3A_54 : memref<6400xi32, #tpu.memory_space<hbm>>) dst(%arg5 : memref<6400xi32, #tpu.memory_space<vmem>>)
      tpu.yield
    }) : () -> ()
    %dma_start3A = arith.constant 0 : i32
    %dma_start3A_3 = tpu.memref_slice %arg5[%dma_start3A] : memref<6400xi32, #tpu.memory_space<vmem>> -> memref<40xi32, #tpu.memory_space<vmem>>
    %dma_start3A_4 = arith.constant 0 : i32
    %dma_start3A_5 = arith.constant 0 : i32
    %dma_start3A_6 = tpu.memref_slice %arg3[%dma_start3A_4, %dma_start3A_5] : memref<1000000x512xf32, #tpu.memory_space<hbm>> -> memref<1000000x512xf32, #tpu.memory_space<hbm>>
    tpu.enqueue_indirect_dma source(%dma_start3A_6 : memref<1000000x512xf32, #tpu.memory_space<hbm>>) target(%arg6 : memref<40x512xf32, #tpu.memory_space<vmem>>) offsets(%dma_start3A_3 : memref<40xi32, #tpu.memory_space<vmem>>) semaphore(%arg11 : memref<!tpu.dma_semaphore, #tpu.memory_space<semaphore_mem>>)
    %dma_start3A_7 = arith.constant 40 : i32
    %dma_start3A_8 = tpu.memref_slice %arg5[%dma_start3A_7] : memref<6400xi32, #tpu.memory_space<vmem>> -> memref<40xi32, #tpu.memory_space<vmem>>
    %dma_start3A_9 = arith.constant 0 : i32
    %dma_start3A_10 = arith.constant 0 : i32
    %dma_start3A_11 = tpu.memref_slice %arg3[%dma_start3A_9, %dma_start3A_10] : memref<1000000x512xf32, #tpu.memory_space<hbm>> -> memref<1000000x512xf32, #tpu.memory_space<hbm>>
    tpu.enqueue_indirect_dma source(%dma_start3A_11 : memref<1000000x512xf32, #tpu.memory_space<hbm>>) target(%arg7 : memref<40x512xf32, #tpu.memory_space<vmem>>) offsets(%dma_start3A_8 : memref<40xi32, #tpu.memory_space<vmem>>) semaphore(%arg12 : memref<!tpu.dma_semaphore, #tpu.memory_space<semaphore_mem>>)
    %dma_start3A_12 = arith.constant 80 : i32
    %dma_start3A_13 = tpu.memref_slice %arg5[%dma_start3A_12] : memref<6400xi32, #tpu.memory_space<vmem>> -> memref<40xi32, #tpu.memory_space<vmem>>
    %dma_start3A_14 = arith.constant 0 : i32
    %dma_start3A_15 = arith.constant 0 : i32
    %dma_start3A_16 = tpu.memref_slice %arg3[%dma_start3A_14, %dma_start3A_15] : memref<1000000x512xf32, #tpu.memory_space<hbm>> -> memref<1000000x512xf32, #tpu.memory_space<hbm>>
    tpu.enqueue_indirect_dma source(%dma_start3A_16 : memref<1000000x512xf32, #tpu.memory_space<hbm>>) target(%arg8 : memref<40x512xf32, #tpu.memory_space<vmem>>) offsets(%dma_start3A_13 : memref<40xi32, #tpu.memory_space<vmem>>) semaphore(%arg13 : memref<!tpu.dma_semaphore, #tpu.memory_space<semaphore_mem>>)
    %scan3A = arith.constant 0 : i32
    %scan3A_17 = arith.constant 0 : i32
    %scan3A_18 = arith.constant 32 : i32
    %scan3A_19 = arith.addi %scan3A_17, %scan3A_18 : i32
    %scan3A_20 = arith.constant 1 : i32
    scf.for %scan3A_51 = %scan3A_17 to %scan3A_19 step %scan3A_20  : i32 {
      %mul3A_52 = arith.constant 5 : i32
      %mul3A_53 = arith.muli %scan3A_51, %mul3A_52 : i32
      %add3A_54 = arith.constant 0 : i32
      %add3A_55 = arith.addi %mul3A_53, %add3A_54 : i32
      %add3A_56 = arith.constant 3 : i32
      %add3A_57 = arith.addi %add3A_55, %add3A_56 : i32
      %lt3A = arith.constant 160 : i32
      %lt3A_58 = arith.cmpi slt, %add3A_57, %lt3A : i32
      %convert_element_type3A = arith.extui %lt3A_58 : i1 to i32
      %cond3A = arith.constant 0 : i32
      %cond3A_59 = arith.cmpi ne, %convert_element_type3A, %cond3A : i32
      scf.if %cond3A_59 {
        %ge3A = arith.constant 2 : i32
        %ge3A_199 = arith.cmpi sge, %add3A_55, %ge3A : i32
        %convert_element_type3A_200 = arith.extui %ge3A_199 : i1 to i32
        %cond3A_201 = arith.constant 0 : i32
        %cond3A_202 = arith.cmpi ne, %convert_element_type3A_200, %cond3A_201 : i32
        scf.if %cond3A_202 {
          %mul3A_211 = arith.constant 40 : i32
          %mul3A_212 = arith.muli %add3A_55, %mul3A_211 : i32
          %add3A_213 = arith.addi %mul3A_2, %mul3A_212 : i32
          %dma_wait3A_214 = arith.constant 0 : i32
          %dma_wait3A_215 = tpu.memref_slice %arg4[%add3A_213, %dma_wait3A_214] : memref<204800x512xf32, #tpu.memory_space<hbm>> -> memref<40x512xf32, #tpu.memory_space<hbm>>
          %dma_wait3A_216 = arith.constant 0 : i32
          %dma_wait3A_217 = tpu.memref_slice %arg4[%add3A_213, %dma_wait3A_216] : memref<204800x512xf32, #tpu.memory_space<hbm>> -> memref<40x512xf32, #tpu.memory_space<hbm>>
          tpu.wait_dma2 semaphore(%arg19 : memref<!tpu.dma_semaphore, #tpu.memory_space<semaphore_mem>>) src(%arg9 : memref<40x512xf32, #tpu.memory_space<vmem>>) dst(%dma_wait3A_217 : memref<40x512xf32, #tpu.memory_space<hbm>>)
        } else {
        }
        %add3A_203 = arith.constant 3 : i32
        %add3A_204 = arith.addi %add3A_55, %add3A_203 : i32
        %mul3A_205 = arith.constant 40 : i32
        %mul3A_206 = arith.muli %add3A_204, %mul3A_205 : i32
        %dma_start3A_207 = tpu.memref_slice %arg5[%mul3A_206] : memref<6400xi32, #tpu.memory_space<vmem>> -> memref<40xi32, #tpu.memory_space<vmem>>
        %dma_start3A_208 = arith.constant 0 : i32
        %dma_start3A_209 = arith.constant 0 : i32
        %dma_start3A_210 = tpu.memref_slice %arg3[%dma_start3A_208, %dma_start3A_209] : memref<1000000x512xf32, #tpu.memory_space<hbm>> -> memref<1000000x512xf32, #tpu.memory_space<hbm>>
        tpu.enqueue_indirect_dma source(%dma_start3A_210 : memref<1000000x512xf32, #tpu.memory_space<hbm>>) target(%arg9 : memref<40x512xf32, #tpu.memory_space<vmem>>) offsets(%dma_start3A_207 : memref<40xi32, #tpu.memory_space<vmem>>) semaphore(%arg14 : memref<!tpu.dma_semaphore, #tpu.memory_space<semaphore_mem>>)
      } else {
      }
      %mul3A_60 = arith.constant 40 : i32
      %mul3A_61 = arith.muli %add3A_55, %mul3A_60 : i32
      %dma_wait3A_62 = tpu.memref_slice %arg5[%mul3A_61] : memref<6400xi32, #tpu.memory_space<vmem>> -> memref<40xi32, #tpu.memory_space<vmem>>
      %dma_wait3A_63 = arith.constant 0 : i32
      %dma_wait3A_64 = arith.constant 0 : i32
      %dma_wait3A_65 = tpu.memref_slice %arg3[%dma_wait3A_63, %dma_wait3A_64] : memref<1000000x512xf32, #tpu.memory_space<hbm>> -> memref<1000000x512xf32, #tpu.memory_space<hbm>>
      tpu.wait_indirect_dma semaphore(%arg11 : memref<!tpu.dma_semaphore, #tpu.memory_space<semaphore_mem>>) src(%dma_wait3A_65 : memref<1000000x512xf32, #tpu.memory_space<hbm>>) dst(%arg6 : memref<40x512xf32, #tpu.memory_space<vmem>>)
      %scan3A_66 = arith.constant 0 : i32
      %scan3A_67 = arith.constant 0 : i32
      %scan3A_68 = arith.constant 40 : i32
      %scan3A_69 = arith.addi %scan3A_67, %scan3A_68 : i32
      %scan3A_70 = arith.constant 1 : i32
      scf.for %scan3A_199 = %scan3A_67 to %scan3A_69 step %scan3A_70  : i32 {
        %get3A = arith.index_cast %scan3A_199 : i32 to index
        %get3A_200 = arith.constant 0 : index
        %get3A_201 = tpu.vector_load %arg6[%get3A, %get3A_200] {strides = array<i32>} : memref<40x512xf32, #tpu.memory_space<vmem>>, vector<1x16xf32>,
        %get3A_202 = vector.shape_cast %get3A_201 : vector<1x16xf32> to vector<16xf32>
        %mul3A_203 = arith.constant 22.6274166 : f32
        %mul3A_204 = vector.broadcast %mul3A_203 : f32 to vector<16xf32>
        %mul3A_205 = arith.mulf %get3A_202, %mul3A_204 : vector<16xf32>
        %swap3A = arith.index_cast %scan3A_199 : i32 to index
        %swap3A_206 = arith.constant 0 : index
        %swap3A_207 = tpu.vector_load %arg6[%swap3A, %swap3A_206] {strides = array<i32>} : memref<40x512xf32, #tpu.memory_space<vmem>>, vector<1x16xf32>,
        %swap3A_208 = vector.shape_cast %swap3A_207 : vector<1x16xf32> to vector<16xf32>
        %swap3A_209 = vector.shape_cast %mul3A_205 : vector<16xf32> to vector<1x16xf32>
        tpu.vector_store %arg6[%swap3A, %swap3A_206], %swap3A_209 {strides = array<i32>} : memref<40x512xf32, #tpu.memory_space<vmem>>, vector<1x16xf32>,
        %get3A_210 = arith.index_cast %scan3A_199 : i32 to index
        %get3A_211 = arith.constant 16 : index
        %get3A_212 = tpu.vector_load %arg6[%get3A_210, %get3A_211] {strides = array<i32>} : memref<40x512xf32, #tpu.memory_space<vmem>>, vector<1x16xf32>,
        %get3A_213 = vector.shape_cast %get3A_212 : vector<1x16xf32> to vector<16xf32>
        %mul3A_214 = arith.constant 22.6274166 : f32
        %mul3A_215 = vector.broadcast %mul3A_214 : f32 to vector<16xf32>
        %mul3A_216 = arith.mulf %get3A_213, %mul3A_215 : vector<16xf32>
        %swap3A_217 = arith.index_cast %scan3A_199 : i32 to index
        %swap3A_218 = arith.constant 16 : index
        %swap3A_219 = tpu.vector_load %arg6[%swap3A_217, %swap3A_218] {strides = array<i32>} : memref<40x512xf32, #tpu.memory_space<vmem>>, vector<1x16xf32>,
        %swap3A_220 = vector.shape_cast %swap3A_219 : vector<1x16xf32> to vector<16xf32>
        %swap3A_221 = vector.shape_cast %mul3A_216 : vector<16xf32> to vector<1x16xf32>
        tpu.vector_store %arg6[%swap3A_217, %swap3A_218], %swap3A_221 {strides = array<i32>} : memref<40x512xf32, #tpu.memory_space<vmem>>, vector<1x16xf32>,
        %get3A_222 = arith.index_cast %scan3A_199 : i32 to index
        %get3A_223 = arith.constant 32 : index
        %get3A_224 = tpu.vector_load %arg6[%get3A_222, %get3A_223] {strides = array<i32>} : memref<40x512xf32, #tpu.memory_space<vmem>>, vector<1x16xf32>,
        %get3A_225 = vector.shape_cast %get3A_224 : vector<1x16xf32> to vector<16xf32>
        %mul3A_226 = arith.constant 22.6274166 : f32
        %mul3A_227 = vector.broadcast %mul3A_226 : f32 to vector<16xf32>
        %mul3A_228 = arith.mulf %get3A_225, %mul3A_227 : vector<16xf32>
        %swap3A_229 = arith.index_cast %scan3A_199 : i32 to index
        %swap3A_230 = arith.constant 32 : index
        %swap3A_231 = tpu.vector_load %arg6[%swap3A_229, %swap3A_230] {strides = array<i32>} : memref<40x512xf32, #tpu.memory_space<vmem>>, vector<1x16xf32>,
        %swap3A_232 = vector.shape_cast %swap3A_231 : vector<1x16xf32> to vector<16xf32>
        %swap3A_233 = vector.shape_cast %mul3A_228 : vector<16xf32> to vector<1x16xf32>
        tpu.vector_store %arg6[%swap3A_229, %swap3A_230], %swap3A_233 {strides = array<i32>} : memref<40x512xf32, #tpu.memory_space<vmem>>, vector<1x16xf32>,
        %get3A_234 = arith.index_cast %scan3A_199 : i32 to index
        %get3A_235 = arith.constant 48 : index
        %get3A_236 = tpu.vector_load %arg6[%get3A_234, %get3A_235] {strides = array<i32>} : memref<40x512xf32, #tpu.memory_space<vmem>>, vector<1x16xf32>,
        %get3A_237 = vector.shape_cast %get3A_236 : vector<1x16xf32> to vector<16xf32>
        %mul3A_238 = arith.constant 22.6274166 : f32
        %mul3A_239 = vector.broadcast %mul3A_238 : f32 to vector<16xf32>
        %mul3A_240 = arith.mulf %get3A_237, %mul3A_239 : vector<16xf32>
        %swap3A_241 = arith.index_cast %scan3A_199 : i32 to index
        %swap3A_242 = arith.constant 48 : index
        %swap3A_243 = tpu.vector_load %arg6[%swap3A_241, %swap3A_242] {strides = array<i32>} : memref<40x512xf32, #tpu.memory_space<vmem>>, vector<1x16xf32>,
        %swap3A_244 = vector.shape_cast %swap3A_243 : vector<1x16xf32> to vector<16xf32>
        %swap3A_245 = vector.shape_cast %mul3A_240 : vector<16xf32> to vector<1x16xf32>
        tpu.vector_store %arg6[%swap3A_241, %swap3A_242], %swap3A_245 {strides = array<i32>} : memref<40x512xf32, #tpu.memory_space<vmem>>, vector<1x16xf32>,
        %get3A_246 = arith.index_cast %scan3A_199 : i32 to index
        %get3A_247 = arith.constant 64 : index
        %get3A_248 = tpu.vector_load %arg6[%get3A_246, %get3A_247] {strides = array<i32>} : memref<40x512xf32, #tpu.memory_space<vmem>>, vector<1x16xf32>,
        %get3A_249 = vector.shape_cast %get3A_248 : vector<1x16xf32> to vector<16xf32>
        %mul3A_250 = arith.constant 22.6274166 : f32
        %mul3A_251 = vector.broadcast %mul3A_250 : f32 to vector<16xf32>
        %mul3A_252 = arith.mulf %get3A_249, %mul3A_251 : vector<16xf32>
        %swap3A_253 = arith.index_cast %scan3A_199 : i32 to index
        %swap3A_254 = arith.constant 64 : index
        %swap3A_255 = tpu.vector_load %arg6[%swap3A_253, %swap3A_254] {strides = array<i32>} : memref<40x512xf32, #tpu.memory_space<vmem>>, vector<1x16xf32>,
        %swap3A_256 = vector.shape_cast %swap3A_255 : vector<1x16xf32> to vector<16xf32>
        %swap3A_257 = vector.shape_cast %mul3A_252 : vector<16xf32> to vector<1x16xf32>
        tpu.vector_store %arg6[%swap3A_253, %swap3A_254], %swap3A_257 {strides = array<i32>} : memref<40x512xf32, #tpu.memory_space<vmem>>, vector<1x16xf32>,
        %get3A_258 = arith.index_cast %scan3A_199 : i32 to index
        %get3A_259 = arith.constant 80 : index
        %get3A_260 = tpu.vector_load %arg6[%get3A_258, %get3A_259] {strides = array<i32>} : memref<40x512xf32, #tpu.memory_space<vmem>>, vector<1x16xf32>,
        %get3A_261 = vector.shape_cast %get3A_260 : vector<1x16xf32> to vector<16xf32>
        %mul3A_262 = arith.constant 22.6274166 : f32
        %mul3A_263 = vector.broadcast %mul3A_262 : f32 to vector<16xf32>
        %mul3A_264 = arith.mulf %get3A_261, %mul3A_263 : vector<16xf32>
        %swap3A_265 = arith.index_cast %scan3A_199 : i32 to index
        %swap3A_266 = arith.constant 80 : index
        %swap3A_267 = tpu.vector_load %arg6[%swap3A_265, %swap3A_266] {strides = array<i32>} : memref<40x512xf32, #tpu.memory_space<vmem>>, vector<1x16xf32>,
        %swap3A_268 = vector.shape_cast %swap3A_267 : vector<1x16xf32> to vector<16xf32>
        %swap3A_269 = vector.shape_cast %mul3A_264 : vector<16xf32> to vector<1x16xf32>
        tpu.vector_store %arg6[%swap3A_265, %swap3A_266], %swap3A_269 {strides = array<i32>} : memref<40x512xf32, #tpu.memory_space<vmem>>, vector<1x16xf32>,
        %get3A_270 = arith.index_cast %scan3A_199 : i32 to index
        %get3A_271 = arith.constant 96 : index
        %get3A_272 = tpu.vector_load %arg6[%get3A_270, %get3A_271] {strides = array<i32>} : memref<40x512xf32, #tpu.memory_space<vmem>>, vector<1x16xf32>,
        %get3A_273 = vector.shape_cast %get3A_272 : vector<1x16xf32> to vector<16xf32>
        %mul3A_274 = arith.constant 22.6274166 : f32
        %mul3A_275 = vector.broadcast %mul3A_274 : f32 to vector<16xf32>
        %mul3A_276 = arith.mulf %get3A_273, %mul3A_275 : vector<16xf32>
        %swap3A_277 = arith.index_cast %scan3A_199 : i32 to index
        %swap3A_278 = arith.constant 96 : index
        %swap3A_279 = tpu.vector_load %arg6[%swap3A_277, %swap3A_278] {strides = array<i32>} : memref<40x512xf32, #tpu.memory_space<vmem>>, vector<1x16xf32>,
        %swap3A_280 = vector.shape_cast %swap3A_279 : vector<1x16xf32> to vector<16xf32>
        %swap3A_281 = vector.shape_cast %mul3A_276 : vector<16xf32> to vector<1x16xf32>
        tpu.vector_store %arg6[%swap3A_277, %swap3A_278], %swap3A_281 {strides = array<i32>} : memref<40x512xf32, #tpu.memory_space<vmem>>, vector<1x16xf32>,
        %get3A_282 = arith.index_cast %scan3A_199 : i32 to index
        %get3A_283 = arith.constant 112 : index
        %get3A_284 = tpu.vector_load %arg6[%get3A_282, %get3A_283] {strides = array<i32>} : memref<40x512xf32, #tpu.memory_space<vmem>>, vector<1x16xf32>,
        %get3A_285 = vector.shape_cast %get3A_284 : vector<1x16xf32> to vector<16xf32>
        %mul3A_286 = arith.constant 22.6274166 : f32
        %mul3A_287 = vector.broadcast %mul3A_286 : f32 to vector<16xf32>
        %mul3A_288 = arith.mulf %get3A_285, %mul3A_287 : vector<16xf32>
        %swap3A_289 = arith.index_cast %scan3A_199 : i32 to index
        %swap3A_290 = arith.constant 112 : index
        %swap3A_291 = tpu.vector_load %arg6[%swap3A_289, %swap3A_290] {strides = array<i32>} : memref<40x512xf32, #tpu.memory_space<vmem>>, vector<1x16xf32>,
        %swap3A_292 = vector.shape_cast %swap3A_291 : vector<1x16xf32> to vector<16xf32>
        %swap3A_293 = vector.shape_cast %mul3A_288 : vector<16xf32> to vector<1x16xf32>
        tpu.vector_store %arg6[%swap3A_289, %swap3A_290], %swap3A_293 {strides = array<i32>} : memref<40x512xf32, #tpu.memory_space<vmem>>, vector<1x16xf32>,
        %get3A_294 = arith.index_cast %scan3A_199 : i32 to index
        %get3A_295 = arith.constant 128 : index
        %get3A_296 = tpu.vector_load %arg6[%get3A_294, %get3A_295] {strides = array<i32>} : memref<40x512xf32, #tpu.memory_space<vmem>>, vector<1x16xf32>,
        %get3A_297 = vector.shape_cast %get3A_296 : vector<1x16xf32> to vector<16xf32>
        %mul3A_298 = arith.constant 22.6274166 : f32
        %mul3A_299 = vector.broadcast %mul3A_298 : f32 to vector<16xf32>
        %mul3A_300 = arith.mulf %get3A_297, %mul3A_299 : vector<16xf32>
        %swap3A_301 = arith.index_cast %scan3A_199 : i32 to index
        %swap3A_302 = arith.constant 128 : index
        %swap3A_303 = tpu.vector_load %arg6[%swap3A_301, %swap3A_302] {strides = array<i32>} : memref<40x512xf32, #tpu.memory_space<vmem>>, vector<1x16xf32>,
        %swap3A_304 = vector.shape_cast %swap3A_303 : vector<1x16xf32> to vector<16xf32>
        %swap3A_305 = vector.shape_cast %mul3A_300 : vector<16xf32> to vector<1x16xf32>
        tpu.vector_store %arg6[%swap3A_301, %swap3A_302], %swap3A_305 {strides = array<i32>} : memref<40x512xf32, #tpu.memory_space<vmem>>, vector<1x16xf32>,
        %get3A_306 = arith.index_cast %scan3A_199 : i32 to index
        %get3A_307 = arith.constant 144 : index
        %get3A_308 = tpu.vector_load %arg6[%get3A_306, %get3A_307] {strides = array<i32>} : memref<40x512xf32, #tpu.memory_space<vmem>>, vector<1x16xf32>,
        %get3A_309 = vector.shape_cast %get3A_308 : vector<1x16xf32> to vector<16xf32>
        %mul3A_310 = arith.constant 22.6274166 : f32
        %mul3A_311 = vector.broadcast %mul3A_310 : f32 to vector<16xf32>
        %mul3A_312 = arith.mulf %get3A_309, %mul3A_311 : vector<16xf32>
        %swap3A_313 = arith.index_cast %scan3A_199 : i32 to index
        %swap3A_314 = arith.constant 144 : index
        %swap3A_315 = tpu.vector_load %arg6[%swap3A_313, %swap3A_314] {strides = array<i32>} : memref<40x512xf32, #tpu.memory_space<vmem>>, vector<1x16xf32>,
        %swap3A_316 = vector.shape_cast %swap3A_315 : vector<1x16xf32> to vector<16xf32>
        %swap3A_317 = vector.shape_cast %mul3A_312 : vector<16xf32> to vector<1x16xf32>
        tpu.vector_store %arg6[%swap3A_313, %swap3A_314], %swap3A_317 {strides = array<i32>} : memref<40x512xf32, #tpu.memory_space<vmem>>, vector<1x16xf32>,
        %get3A_318 = arith.index_cast %scan3A_199 : i32 to index
        %get3A_319 = arith.constant 160 : index
        %get3A_320 = tpu.vector_load %arg6[%get3A_318, %get3A_319] {strides = array<i32>} : memref<40x512xf32, #tpu.memory_space<vmem>>, vector<1x16xf32>,
        %get3A_321 = vector.shape_cast %get3A_320 : vector<1x16xf32> to vector<16xf32>
        %mul3A_322 = arith.constant 22.6274166 : f32
        %mul3A_323 = vector.broadcast %mul3A_322 : f32 to vector<16xf32>
        %mul3A_324 = arith.mulf %get3A_321, %mul3A_323 : vector<16xf32>
        %swap3A_325 = arith.index_cast %scan3A_199 : i32 to index
        %swap3A_326 = arith.constant 160 : index
        %swap3A_327 = tpu.vector_load %arg6[%swap3A_325, %swap3A_326] {strides = array<i32>} : memref<40x512xf32, #tpu.memory_space<vmem>>, vector<1x16xf32>,
        %swap3A_328 = vector.shape_cast %swap3A_327 : vector<1x16xf32> to vector<16xf32>
        %swap3A_329 = vector.shape_cast %mul3A_324 : vector<16xf32> to vector<1x16xf32>
        tpu.vector_store %arg6[%swap3A_325, %swap3A_326], %swap3A_329 {strides = array<i32>} : memref<40x512xf32, #tpu.memory_space<vmem>>, vector<1x16xf32>,
        %get3A_330 = arith.index_cast %scan3A_199 : i32 to index
        %get3A_331 = arith.constant 176 : index
        %get3A_332 = tpu.vector_load %arg6[%get3A_330, %get3A_331] {strides = array<i32>} : memref<40x512xf32, #tpu.memory_space<vmem>>, vector<1x16xf32>,
        %get3A_333 = vector.shape_cast %get3A_332 : vector<1x16xf32> to vector<16xf32>
        %mul3A_334 = arith.constant 22.6274166 : f32
        %mul3A_335 = vector.broadcast %mul3A_334 : f32 to vector<16xf32>
        %mul3A_336 = arith.mulf %get3A_333, %mul3A_335 : vector<16xf32>
        %swap3A_337 = arith.index_cast %scan3A_199 : i32 to index
        %swap3A_338 = arith.constant 176 : index
        %swap3A_339 = tpu.vector_load %arg6[%swap3A_337, %swap3A_338] {strides = array<i32>} : memref<40x512xf32, #tpu.memory_space<vmem>>, vector<1x16xf32>,
        %swap3A_340 = vector.shape_cast %swap3A_339 : vector<1x16xf32> to vector<16xf32>
        %swap3A_341 = vector.shape_cast %mul3A_336 : vector<16xf32> to vector<1x16xf32>
        tpu.vector_store %arg6[%swap3A_337, %swap3A_338], %swap3A_341 {strides = array<i32>} : memref<40x512xf32, #tpu.memory_space<vmem>>, vector<1x16xf32>,
        %get3A_342 = arith.index_cast %scan3A_199 : i32 to index
        %get3A_343 = arith.constant 192 : index
        %get3A_344 = tpu.vector_load %arg6[%get3A_342, %get3A_343] {strides = array<i32>} : memref<40x512xf32, #tpu.memory_space<vmem>>, vector<1x16xf32>,
        %get3A_345 = vector.shape_cast %get3A_344 : vector<1x16xf32> to vector<16xf32>
        %mul3A_346 = arith.constant 22.6274166 : f32
        %mul3A_347 = vector.broadcast %mul3A_346 : f32 to vector<16xf32>
        %mul3A_348 = arith.mulf %get3A_345, %mul3A_347 : vector<16xf32>
        %swap3A_349 = arith.index_cast %scan3A_199 : i32 to index
        %swap3A_350 = arith.constant 192 : index
        %swap3A_351 = tpu.vector_load %arg6[%swap3A_349, %swap3A_350] {strides = array<i32>} : memref<40x512xf32, #tpu.memory_space<vmem>>, vector<1x16xf32>,
        %swap3A_352 = vector.shape_cast %swap3A_351 : vector<1x16xf32> to vector<16xf32>
        %swap3A_353 = vector.shape_cast %mul3A_348 : vector<16xf32> to vector<1x16xf32>
        tpu.vector_store %arg6[%swap3A_349, %swap3A_350], %swap3A_353 {strides = array<i32>} : memref<40x512xf32, #tpu.memory_space<vmem>>, vector<1x16xf32>,
        %get3A_354 = arith.index_cast %scan3A_199 : i32 to index
        %get3A_355 = arith.constant 208 : index
        %get3A_356 = tpu.vector_load %arg6[%get3A_354, %get3A_355] {strides = array<i32>} : memref<40x512xf32, #tpu.memory_space<vmem>>, vector<1x16xf32>,
        %get3A_357 = vector.shape_cast %get3A_356 : vector<1x16xf32> to vector<16xf32>
        %mul3A_358 = arith.constant 22.6274166 : f32
        %mul3A_359 = vector.broadcast %mul3A_358 : f32 to vector<16xf32>
        %mul3A_360 = arith.mulf %get3A_357, %mul3A_359 : vector<16xf32>
        %swap3A_361 = arith.index_cast %scan3A_199 : i32 to index
        %swap3A_362 = arith.constant 208 : index
        %swap3A_363 = tpu.vector_load %arg6[%swap3A_361, %swap3A_362] {strides = array<i32>} : memref<40x512xf32, #tpu.memory_space<vmem>>, vector<1x16xf32>,
        %swap3A_364 = vector.shape_cast %swap3A_363 : vector<1x16xf32> to vector<16xf32>
        %swap3A_365 = vector.shape_cast %mul3A_360 : vector<16xf32> to vector<1x16xf32>
        tpu.vector_store %arg6[%swap3A_361, %swap3A_362], %swap3A_365 {strides = array<i32>} : memref<40x512xf32, #tpu.memory_space<vmem>>, vector<1x16xf32>,
        %get3A_366 = arith.index_cast %scan3A_199 : i32 to index
        %get3A_367 = arith.constant 224 : index
        %get3A_368 = tpu.vector_load %arg6[%get3A_366, %get3A_367] {strides = array<i32>} : memref<40x512xf32, #tpu.memory_space<vmem>>, vector<1x16xf32>,
        %get3A_369 = vector.shape_cast %get3A_368 : vector<1x16xf32> to vector<16xf32>
        %mul3A_370 = arith.constant 22.6274166 : f32
        %mul3A_371 = vector.broadcast %mul3A_370 : f32 to vector<16xf32>
        %mul3A_372 = arith.mulf %get3A_369, %mul3A_371 : vector<16xf32>
        %swap3A_373 = arith.index_cast %scan3A_199 : i32 to index
        %swap3A_374 = arith.constant 224 : index
        %swap3A_375 = tpu.vector_load %arg6[%swap3A_373, %swap3A_374] {strides = array<i32>} : memref<40x512xf32, #tpu.memory_space<vmem>>, vector<1x16xf32>,
        %swap3A_376 = vector.shape_cast %swap3A_375 : vector<1x16xf32> to vector<16xf32>
        %swap3A_377 = vector.shape_cast %mul3A_372 : vector<16xf32> to vector<1x16xf32>
        tpu.vector_store %arg6[%swap3A_373, %swap3A_374], %swap3A_377 {strides = array<i32>} : memref<40x512xf32, #tpu.memory_space<vmem>>, vector<1x16xf32>,
        %get3A_378 = arith.index_cast %scan3A_199 : i32 to index
        %get3A_379 = arith.constant 240 : index
        %get3A_380 = tpu.vector_load %arg6[%get3A_378, %get3A_379] {strides = array<i32>} : memref<40x512xf32, #tpu.memory_space<vmem>>, vector<1x16xf32>,
        %get3A_381 = vector.shape_cast %get3A_380 : vector<1x16xf32> to vector<16xf32>
        %mul3A_382 = arith.constant 22.6274166 : f32
        %mul3A_383 = vector.broadcast %mul3A_382 : f32 to vector<16xf32>
        %mul3A_384 = arith.mulf %get3A_381, %mul3A_383 : vector<16xf32>
        %swap3A_385 = arith.index_cast %scan3A_199 : i32 to index
        %swap3A_386 = arith.constant 240 : index
        %swap3A_387 = tpu.vector_load %arg6[%swap3A_385, %swap3A_386] {strides = array<i32>} : memref<40x512xf32, #tpu.memory_space<vmem>>, vector<1x16xf32>,
        %swap3A_388 = vector.shape_cast %swap3A_387 : vector<1x16xf32> to vector<16xf32>
        %swap3A_389 = vector.shape_cast %mul3A_384 : vector<16xf32> to vector<1x16xf32>
        tpu.vector_store %arg6[%swap3A_385, %swap3A_386], %swap3A_389 {strides = array<i32>} : memref<40x512xf32, #tpu.memory_space<vmem>>, vector<1x16xf32>,
        %get3A_390 = arith.index_cast %scan3A_199 : i32 to index
        %get3A_391 = arith.constant 256 : index
        %get3A_392 = tpu.vector_load %arg6[%get3A_390, %get3A_391] {strides = array<i32>} : memref<40x512xf32, #tpu.memory_space<vmem>>, vector<1x16xf32>,
        %get3A_393 = vector.shape_cast %get3A_392 : vector<1x16xf32> to vector<16xf32>
        %mul3A_394 = arith.constant 22.6274166 : f32
        %mul3A_395 = vector.broadcast %mul3A_394 : f32 to vector<16xf32>
        %mul3A_396 = arith.mulf %get3A_393, %mul3A_395 : vector<16xf32>
        %swap3A_397 = arith.index_cast %scan3A_199 : i32 to index
        %swap3A_398 = arith.constant 256 : index
        %swap3A_399 = tpu.vector_load %arg6[%swap3A_397, %swap3A_398] {strides = array<i32>} : memref<40x512xf32, #tpu.memory_space<vmem>>, vector<1x16xf32>,
        %swap3A_400 = vector.shape_cast %swap3A_399 : vector<1x16xf32> to vector<16xf32>
        %swap3A_401 = vector.shape_cast %mul3A_396 : vector<16xf32> to vector<1x16xf32>
        tpu.vector_store %arg6[%swap3A_397, %swap3A_398], %swap3A_401 {strides = array<i32>} : memref<40x512xf32, #tpu.memory_space<vmem>>, vector<1x16xf32>,
        %get3A_402 = arith.index_cast %scan3A_199 : i32 to index
        %get3A_403 = arith.constant 272 : index
        %get3A_404 = tpu.vector_load %arg6[%get3A_402, %get3A_403] {strides = array<i32>} : memref<40x512xf32, #tpu.memory_space<vmem>>, vector<1x16xf32>,
        %get3A_405 = vector.shape_cast %get3A_404 : vector<1x16xf32> to vector<16xf32>
        %mul3A_406 = arith.constant 22.6274166 : f32
        %mul3A_407 = vector.broadcast %mul3A_406 : f32 to vector<16xf32>
        %mul3A_408 = arith.mulf %get3A_405, %mul3A_407 : vector<16xf32>
        %swap3A_409 = arith.index_cast %scan3A_199 : i32 to index
        %swap3A_410 = arith.constant 272 : index
        %swap3A_411 = tpu.vector_load %arg6[%swap3A_409, %swap3A_410] {strides = array<i32>} : memref<40x512xf32, #tpu.memory_space<vmem>>, vector<1x16xf32>,
        %swap3A_412 = vector.shape_cast %swap3A_411 : vector<1x16xf32> to vector<16xf32>
        %swap3A_413 = vector.shape_cast %mul3A_408 : vector<16xf32> to vector<1x16xf32>
        tpu.vector_store %arg6[%swap3A_409, %swap3A_410], %swap3A_413 {strides = array<i32>} : memref<40x512xf32, #tpu.memory_space<vmem>>, vector<1x16xf32>,
        %get3A_414 = arith.index_cast %scan3A_199 : i32 to index
        %get3A_415 = arith.constant 288 : index
        %get3A_416 = tpu.vector_load %arg6[%get3A_414, %get3A_415] {strides = array<i32>} : memref<40x512xf32, #tpu.memory_space<vmem>>, vector<1x16xf32>,
        %get3A_417 = vector.shape_cast %get3A_416 : vector<1x16xf32> to vector<16xf32>
        %mul3A_418 = arith.constant 22.6274166 : f32
        %mul3A_419 = vector.broadcast %mul3A_418 : f32 to vector<16xf32>
        %mul3A_420 = arith.mulf %get3A_417, %mul3A_419 : vector<16xf32>
        %swap3A_421 = arith.index_cast %scan3A_199 : i32 to index
        %swap3A_422 = arith.constant 288 : index
        %swap3A_423 = tpu.vector_load %arg6[%swap3A_421, %swap3A_422] {strides = array<i32>} : memref<40x512xf32, #tpu.memory_space<vmem>>, vector<1x16xf32>,
        %swap3A_424 = vector.shape_cast %swap3A_423 : vector<1x16xf32> to vector<16xf32>
        %swap3A_425 = vector.shape_cast %mul3A_420 : vector<16xf32> to vector<1x16xf32>
        tpu.vector_store %arg6[%swap3A_421, %swap3A_422], %swap3A_425 {strides = array<i32>} : memref<40x512xf32, #tpu.memory_space<vmem>>, vector<1x16xf32>,
        %get3A_426 = arith.index_cast %scan3A_199 : i32 to index
        %get3A_427 = arith.constant 304 : index
        %get3A_428 = tpu.vector_load %arg6[%get3A_426, %get3A_427] {strides = array<i32>} : memref<40x512xf32, #tpu.memory_space<vmem>>, vector<1x16xf32>,
        %get3A_429 = vector.shape_cast %get3A_428 : vector<1x16xf32> to vector<16xf32>
        %mul3A_430 = arith.constant 22.6274166 : f32
        %mul3A_431 = vector.broadcast %mul3A_430 : f32 to vector<16xf32>
        %mul3A_432 = arith.mulf %get3A_429, %mul3A_431 : vector<16xf32>
        %swap3A_433 = arith.index_cast %scan3A_199 : i32 to index
        %swap3A_434 = arith.constant 304 : index
        %swap3A_435 = tpu.vector_load %arg6[%swap3A_433, %swap3A_434] {strides = array<i32>} : memref<40x512xf32, #tpu.memory_space<vmem>>, vector<1x16xf32>,
        %swap3A_436 = vector.shape_cast %swap3A_435 : vector<1x16xf32> to vector<16xf32>
        %swap3A_437 = vector.shape_cast %mul3A_432 : vector<16xf32> to vector<1x16xf32>
        tpu.vector_store %arg6[%swap3A_433, %swap3A_434], %swap3A_437 {strides = array<i32>} : memref<40x512xf32, #tpu.memory_space<vmem>>, vector<1x16xf32>,
        %get3A_438 = arith.index_cast %scan3A_199 : i32 to index
        %get3A_439 = arith.constant 320 : index
        %get3A_440 = tpu.vector_load %arg6[%get3A_438, %get3A_439] {strides = array<i32>} : memref<40x512xf32, #tpu.memory_space<vmem>>, vector<1x16xf32>,
        %get3A_441 = vector.shape_cast %get3A_440 : vector<1x16xf32> to vector<16xf32>
        %mul3A_442 = arith.constant 22.6274166 : f32
        %mul3A_443 = vector.broadcast %mul3A_442 : f32 to vector<16xf32>
        %mul3A_444 = arith.mulf %get3A_441, %mul3A_443 : vector<16xf32>
        %swap3A_445 = arith.index_cast %scan3A_199 : i32 to index
        %swap3A_446 = arith.constant 320 : index
        %swap3A_447 = tpu.vector_load %arg6[%swap3A_445, %swap3A_446] {strides = array<i32>} : memref<40x512xf32, #tpu.memory_space<vmem>>, vector<1x16xf32>,
        %swap3A_448 = vector.shape_cast %swap3A_447 : vector<1x16xf32> to vector<16xf32>
        %swap3A_449 = vector.shape_cast %mul3A_444 : vector<16xf32> to vector<1x16xf32>
        tpu.vector_store %arg6[%swap3A_445, %swap3A_446], %swap3A_449 {strides = array<i32>} : memref<40x512xf32, #tpu.memory_space<vmem>>, vector<1x16xf32>,
        %get3A_450 = arith.index_cast %scan3A_199 : i32 to index
        %get3A_451 = arith.constant 336 : index
        %get3A_452 = tpu.vector_load %arg6[%get3A_450, %get3A_451] {strides = array<i32>} : memref<40x512xf32, #tpu.memory_space<vmem>>, vector<1x16xf32>,
        %get3A_453 = vector.shape_cast %get3A_452 : vector<1x16xf32> to vector<16xf32>
        %mul3A_454 = arith.constant 22.6274166 : f32
        %mul3A_455 = vector.broadcast %mul3A_454 : f32 to vector<16xf32>
        %mul3A_456 = arith.mulf %get3A_453, %mul3A_455 : vector<16xf32>
        %swap3A_457 = arith.index_cast %scan3A_199 : i32 to index
        %swap3A_458 = arith.constant 336 : index
        %swap3A_459 = tpu.vector_load %arg6[%swap3A_457, %swap3A_458] {strides = array<i32>} : memref<40x512xf32, #tpu.memory_space<vmem>>, vector<1x16xf32>,
        %swap3A_460 = vector.shape_cast %swap3A_459 : vector<1x16xf32> to vector<16xf32>
        %swap3A_461 = vector.shape_cast %mul3A_456 : vector<16xf32> to vector<1x16xf32>
        tpu.vector_store %arg6[%swap3A_457, %swap3A_458], %swap3A_461 {strides = array<i32>} : memref<40x512xf32, #tpu.memory_space<vmem>>, vector<1x16xf32>,
        %get3A_462 = arith.index_cast %scan3A_199 : i32 to index
        %get3A_463 = arith.constant 352 : index
        %get3A_464 = tpu.vector_load %arg6[%get3A_462, %get3A_463] {strides = array<i32>} : memref<40x512xf32, #tpu.memory_space<vmem>>, vector<1x16xf32>,
        %get3A_465 = vector.shape_cast %get3A_464 : vector<1x16xf32> to vector<16xf32>
        %mul3A_466 = arith.constant 22.6274166 : f32
        %mul3A_467 = vector.broadcast %mul3A_466 : f32 to vector<16xf32>
        %mul3A_468 = arith.mulf %get3A_465, %mul3A_467 : vector<16xf32>
        %swap3A_469 = arith.index_cast %scan3A_199 : i32 to index
        %swap3A_470 = arith.constant 352 : index
        %swap3A_471 = tpu.vector_load %arg6[%swap3A_469, %swap3A_470] {strides = array<i32>} : memref<40x512xf32, #tpu.memory_space<vmem>>, vector<1x16xf32>,
        %swap3A_472 = vector.shape_cast %swap3A_471 : vector<1x16xf32> to vector<16xf32>
        %swap3A_473 = vector.shape_cast %mul3A_468 : vector<16xf32> to vector<1x16xf32>
        tpu.vector_store %arg6[%swap3A_469, %swap3A_470], %swap3A_473 {strides = array<i32>} : memref<40x512xf32, #tpu.memory_space<vmem>>, vector<1x16xf32>,
        %get3A_474 = arith.index_cast %scan3A_199 : i32 to index
        %get3A_475 = arith.constant 368 : index
        %get3A_476 = tpu.vector_load %arg6[%get3A_474, %get3A_475] {strides = array<i32>} : memref<40x512xf32, #tpu.memory_space<vmem>>, vector<1x16xf32>,
        %get3A_477 = vector.shape_cast %get3A_476 : vector<1x16xf32> to vector<16xf32>
        %mul3A_478 = arith.constant 22.6274166 : f32
        %mul3A_479 = vector.broadcast %mul3A_478 : f32 to vector<16xf32>
        %mul3A_480 = arith.mulf %get3A_477, %mul3A_479 : vector<16xf32>
        %swap3A_481 = arith.index_cast %scan3A_199 : i32 to index
        %swap3A_482 = arith.constant 368 : index
        %swap3A_483 = tpu.vector_load %arg6[%swap3A_481, %swap3A_482] {strides = array<i32>} : memref<40x512xf32, #tpu.memory_space<vmem>>, vector<1x16xf32>,
        %swap3A_484 = vector.shape_cast %swap3A_483 : vector<1x16xf32> to vector<16xf32>
        %swap3A_485 = vector.shape_cast %mul3A_480 : vector<16xf32> to vector<1x16xf32>
        tpu.vector_store %arg6[%swap3A_481, %swap3A_482], %swap3A_485 {strides = array<i32>} : memref<40x512xf32, #tpu.memory_space<vmem>>, vector<1x16xf32>,
        %get3A_486 = arith.index_cast %scan3A_199 : i32 to index
        %get3A_487 = arith.constant 384 : index
        %get3A_488 = tpu.vector_load %arg6[%get3A_486, %get3A_487] {strides = array<i32>} : memref<40x512xf32, #tpu.memory_space<vmem>>, vector<1x16xf32>,
        %get3A_489 = vector.shape_cast %get3A_488 : vector<1x16xf32> to vector<16xf32>
        %mul3A_490 = arith.constant 22.6274166 : f32
        %mul3A_491 = vector.broadcast %mul3A_490 : f32 to vector<16xf32>
        %mul3A_492 = arith.mulf %get3A_489, %mul3A_491 : vector<16xf32>
        %swap3A_493 = arith.index_cast %scan3A_199 : i32 to index
        %swap3A_494 = arith.constant 384 : index
        %swap3A_495 = tpu.vector_load %arg6[%swap3A_493, %swap3A_494] {strides = array<i32>} : memref<40x512xf32, #tpu.memory_space<vmem>>, vector<1x16xf32>,
        %swap3A_496 = vector.shape_cast %swap3A_495 : vector<1x16xf32> to vector<16xf32>
        %swap3A_497 = vector.shape_cast %mul3A_492 : vector<16xf32> to vector<1x16xf32>
        tpu.vector_store %arg6[%swap3A_493, %swap3A_494], %swap3A_497 {strides = array<i32>} : memref<40x512xf32, #tpu.memory_space<vmem>>, vector<1x16xf32>,
        %get3A_498 = arith.index_cast %scan3A_199 : i32 to index
        %get3A_499 = arith.constant 400 : index
        %get3A_500 = tpu.vector_load %arg6[%get3A_498, %get3A_499] {strides = array<i32>} : memref<40x512xf32, #tpu.memory_space<vmem>>, vector<1x16xf32>,
        %get3A_501 = vector.shape_cast %get3A_500 : vector<1x16xf32> to vector<16xf32>
        %mul3A_502 = arith.constant 22.6274166 : f32
        %mul3A_503 = vector.broadcast %mul3A_502 : f32 to vector<16xf32>
        %mul3A_504 = arith.mulf %get3A_501, %mul3A_503 : vector<16xf32>
        %swap3A_505 = arith.index_cast %scan3A_199 : i32 to index
        %swap3A_506 = arith.constant 400 : index
        %swap3A_507 = tpu.vector_load %arg6[%swap3A_505, %swap3A_506] {strides = array<i32>} : memref<40x512xf32, #tpu.memory_space<vmem>>, vector<1x16xf32>,
        %swap3A_508 = vector.shape_cast %swap3A_507 : vector<1x16xf32> to vector<16xf32>
        %swap3A_509 = vector.shape_cast %mul3A_504 : vector<16xf32> to vector<1x16xf32>
        tpu.vector_store %arg6[%swap3A_505, %swap3A_506], %swap3A_509 {strides = array<i32>} : memref<40x512xf32, #tpu.memory_space<vmem>>, vector<1x16xf32>,
        %get3A_510 = arith.index_cast %scan3A_199 : i32 to index
        %get3A_511 = arith.constant 416 : index
        %get3A_512 = tpu.vector_load %arg6[%get3A_510, %get3A_511] {strides = array<i32>} : memref<40x512xf32, #tpu.memory_space<vmem>>, vector<1x16xf32>,
        %get3A_513 = vector.shape_cast %get3A_512 : vector<1x16xf32> to vector<16xf32>
        %mul3A_514 = arith.constant 22.6274166 : f32
        %mul3A_515 = vector.broadcast %mul3A_514 : f32 to vector<16xf32>
        %mul3A_516 = arith.mulf %get3A_513, %mul3A_515 : vector<16xf32>
        %swap3A_517 = arith.index_cast %scan3A_199 : i32 to index
        %swap3A_518 = arith.constant 416 : index
        %swap3A_519 = tpu.vector_load %arg6[%swap3A_517, %swap3A_518] {strides = array<i32>} : memref<40x512xf32, #tpu.memory_space<vmem>>, vector<1x16xf32>,
        %swap3A_520 = vector.shape_cast %swap3A_519 : vector<1x16xf32> to vector<16xf32>
        %swap3A_521 = vector.shape_cast %mul3A_516 : vector<16xf32> to vector<1x16xf32>
        tpu.vector_store %arg6[%swap3A_517, %swap3A_518], %swap3A_521 {strides = array<i32>} : memref<40x512xf32, #tpu.memory_space<vmem>>, vector<1x16xf32>,
        %get3A_522 = arith.index_cast %scan3A_199 : i32 to index
        %get3A_523 = arith.constant 432 : index
        %get3A_524 = tpu.vector_load %arg6[%get3A_522, %get3A_523] {strides = array<i32>} : memref<40x512xf32, #tpu.memory_space<vmem>>, vector<1x16xf32>,
        %get3A_525 = vector.shape_cast %get3A_524 : vector<1x16xf32> to vector<16xf32>
        %mul3A_526 = arith.constant 22.6274166 : f32
        %mul3A_527 = vector.broadcast %mul3A_526 : f32 to vector<16xf32>
        %mul3A_528 = arith.mulf %get3A_525, %mul3A_527 : vector<16xf32>
        %swap3A_529 = arith.index_cast %scan3A_199 : i32 to index
        %swap3A_530 = arith.constant 432 : index
        %swap3A_531 = tpu.vector_load %arg6[%swap3A_529, %swap3A_530] {strides = array<i32>} : memref<40x512xf32, #tpu.memory_space<vmem>>, vector<1x16xf32>,
        %swap3A_532 = vector.shape_cast %swap3A_531 : vector<1x16xf32> to vector<16xf32>
        %swap3A_533 = vector.shape_cast %mul3A_528 : vector<16xf32> to vector<1x16xf32>
        tpu.vector_store %arg6[%swap3A_529, %swap3A_530], %swap3A_533 {strides = array<i32>} : memref<40x512xf32, #tpu.memory_space<vmem>>, vector<1x16xf32>,
        %get3A_534 = arith.index_cast %scan3A_199 : i32 to index
        %get3A_535 = arith.constant 448 : index
        %get3A_536 = tpu.vector_load %arg6[%get3A_534, %get3A_535] {strides = array<i32>} : memref<40x512xf32, #tpu.memory_space<vmem>>, vector<1x16xf32>,
        %get3A_537 = vector.shape_cast %get3A_536 : vector<1x16xf32> to vector<16xf32>
        %mul3A_538 = arith.constant 22.6274166 : f32
        %mul3A_539 = vector.broadcast %mul3A_538 : f32 to vector<16xf32>
        %mul3A_540 = arith.mulf %get3A_537, %mul3A_539 : vector<16xf32>
        %swap3A_541 = arith.index_cast %scan3A_199 : i32 to index
        %swap3A_542 = arith.constant 448 : index
        %swap3A_543 = tpu.vector_load %arg6[%swap3A_541, %swap3A_542] {strides = array<i32>} : memref<40x512xf32, #tpu.memory_space<vmem>>, vector<1x16xf32>,
        %swap3A_544 = vector.shape_cast %swap3A_543 : vector<1x16xf32> to vector<16xf32>
        %swap3A_545 = vector.shape_cast %mul3A_540 : vector<16xf32> to vector<1x16xf32>
        tpu.vector_store %arg6[%swap3A_541, %swap3A_542], %swap3A_545 {strides = array<i32>} : memref<40x512xf32, #tpu.memory_space<vmem>>, vector<1x16xf32>,
        %get3A_546 = arith.index_cast %scan3A_199 : i32 to index
        %get3A_547 = arith.constant 464 : index
        %get3A_548 = tpu.vector_load %arg6[%get3A_546, %get3A_547] {strides = array<i32>} : memref<40x512xf32, #tpu.memory_space<vmem>>, vector<1x16xf32>,
        %get3A_549 = vector.shape_cast %get3A_548 : vector<1x16xf32> to vector<16xf32>
        %mul3A_550 = arith.constant 22.6274166 : f32
        %mul3A_551 = vector.broadcast %mul3A_550 : f32 to vector<16xf32>
        %mul3A_552 = arith.mulf %get3A_549, %mul3A_551 : vector<16xf32>
        %swap3A_553 = arith.index_cast %scan3A_199 : i32 to index
        %swap3A_554 = arith.constant 464 : index
        %swap3A_555 = tpu.vector_load %arg6[%swap3A_553, %swap3A_554] {strides = array<i32>} : memref<40x512xf32, #tpu.memory_space<vmem>>, vector<1x16xf32>,
        %swap3A_556 = vector.shape_cast %swap3A_555 : vector<1x16xf32> to vector<16xf32>
        %swap3A_557 = vector.shape_cast %mul3A_552 : vector<16xf32> to vector<1x16xf32>
        tpu.vector_store %arg6[%swap3A_553, %swap3A_554], %swap3A_557 {strides = array<i32>} : memref<40x512xf32, #tpu.memory_space<vmem>>, vector<1x16xf32>,
        %get3A_558 = arith.index_cast %scan3A_199 : i32 to index
        %get3A_559 = arith.constant 480 : index
        %get3A_560 = tpu.vector_load %arg6[%get3A_558, %get3A_559] {strides = array<i32>} : memref<40x512xf32, #tpu.memory_space<vmem>>, vector<1x16xf32>,
        %get3A_561 = vector.shape_cast %get3A_560 : vector<1x16xf32> to vector<16xf32>
        %mul3A_562 = arith.constant 22.6274166 : f32
        %mul3A_563 = vector.broadcast %mul3A_562 : f32 to vector<16xf32>
        %mul3A_564 = arith.mulf %get3A_561, %mul3A_563 : vector<16xf32>
        %swap3A_565 = arith.index_cast %scan3A_199 : i32 to index
        %swap3A_566 = arith.constant 480 : index
        %swap3A_567 = tpu.vector_load %arg6[%swap3A_565, %swap3A_566] {strides = array<i32>} : memref<40x512xf32, #tpu.memory_space<vmem>>, vector<1x16xf32>,
        %swap3A_568 = vector.shape_cast %swap3A_567 : vector<1x16xf32> to vector<16xf32>
        %swap3A_569 = vector.shape_cast %mul3A_564 : vector<16xf32> to vector<1x16xf32>
        tpu.vector_store %arg6[%swap3A_565, %swap3A_566], %swap3A_569 {strides = array<i32>} : memref<40x512xf32, #tpu.memory_space<vmem>>, vector<1x16xf32>,
        %get3A_570 = arith.index_cast %scan3A_199 : i32 to index
        %get3A_571 = arith.constant 496 : index
        %get3A_572 = tpu.vector_load %arg6[%get3A_570, %get3A_571] {strides = array<i32>} : memref<40x512xf32, #tpu.memory_space<vmem>>, vector<1x16xf32>,
        %get3A_573 = vector.shape_cast %get3A_572 : vector<1x16xf32> to vector<16xf32>
        %mul3A_574 = arith.constant 22.6274166 : f32
        %mul3A_575 = vector.broadcast %mul3A_574 : f32 to vector<16xf32>
        %mul3A_576 = arith.mulf %get3A_573, %mul3A_575 : vector<16xf32>
        %swap3A_577 = arith.index_cast %scan3A_199 : i32 to index
        %swap3A_578 = arith.constant 496 : index
        %swap3A_579 = tpu.vector_load %arg6[%swap3A_577, %swap3A_578] {strides = array<i32>} : memref<40x512xf32, #tpu.memory_space<vmem>>, vector<1x16xf32>,
        %swap3A_580 = vector.shape_cast %swap3A_579 : vector<1x16xf32> to vector<16xf32>
        %swap3A_581 = vector.shape_cast %mul3A_576 : vector<16xf32> to vector<1x16xf32>
        tpu.vector_store %arg6[%swap3A_577, %swap3A_578], %swap3A_581 {strides = array<i32>} : memref<40x512xf32, #tpu.memory_space<vmem>>, vector<1x16xf32>,
      }
      %scan3A_71 = arith.constant 40 : i32
      %mul3A_72 = arith.constant 40 : i32
      %mul3A_73 = arith.muli %add3A_55, %mul3A_72 : i32
      %add3A_74 = arith.addi %mul3A_2, %mul3A_73 : i32
      %dma_start3A_75 = arith.constant 0 : i32
      %dma_start3A_76 = tpu.memref_slice %arg4[%add3A_74, %dma_start3A_75] : memref<204800x512xf32, #tpu.memory_space<hbm>> -> memref<40x512xf32, #tpu.memory_space<hbm>>
      %dma_start3A_77 = arith.constant 0 : i32
      %dma_start3A_78 = tpu.memref_slice %arg4[%add3A_74, %dma_start3A_77] : memref<204800x512xf32, #tpu.memory_space<hbm>> -> memref<40x512xf32, #tpu.memory_space<hbm>>
      tpu.enqueue_dma source(%arg6 : memref<40x512xf32, #tpu.memory_space<vmem>>) target(%dma_start3A_78 : memref<40x512xf32, #tpu.memory_space<hbm>>) target_semaphore(%arg16 : memref<!tpu.dma_semaphore, #tpu.memory_space<semaphore_mem>>)
      %mul3A_79 = arith.constant 5 : i32
      %mul3A_80 = arith.muli %scan3A_51, %mul3A_79 : i32
      %add3A_81 = arith.constant 1 : i32
      %add3A_82 = arith.addi %mul3A_80, %add3A_81 : i32
      %add3A_83 = arith.constant 3 : i32
      %add3A_84 = arith.addi %add3A_82, %add3A_83 : i32
      %lt3A_85 = arith.constant 160 : i32
      %lt3A_86 = arith.cmpi slt, %add3A_84, %lt3A_85 : i32
      %convert_element_type3A_87 = arith.extui %lt3A_86 : i1 to i32
      %cond3A_88 = arith.constant 0 : i32
      %cond3A_89 = arith.cmpi ne, %convert_element_type3A_87, %cond3A_88 : i32
      scf.if %cond3A_89 {
        %ge3A = arith.constant 2 : i32
        %ge3A_199 = arith.cmpi sge, %add3A_82, %ge3A : i32
        %convert_element_type3A_200 = arith.extui %ge3A_199 : i1 to i32
        %cond3A_201 = arith.constant 0 : i32
        %cond3A_202 = arith.cmpi ne, %convert_element_type3A_200, %cond3A_201 : i32
        scf.if %cond3A_202 {
          %mul3A_211 = arith.constant 40 : i32
          %mul3A_212 = arith.muli %add3A_82, %mul3A_211 : i32
          %add3A_213 = arith.addi %mul3A_2, %mul3A_212 : i32
          %dma_wait3A_214 = arith.constant 0 : i32
          %dma_wait3A_215 = tpu.memref_slice %arg4[%add3A_213, %dma_wait3A_214] : memref<204800x512xf32, #tpu.memory_space<hbm>> -> memref<40x512xf32, #tpu.memory_space<hbm>>
          %dma_wait3A_216 = arith.constant 0 : i32
          %dma_wait3A_217 = tpu.memref_slice %arg4[%add3A_213, %dma_wait3A_216] : memref<204800x512xf32, #tpu.memory_space<hbm>> -> memref<40x512xf32, #tpu.memory_space<hbm>>
          tpu.wait_dma2 semaphore(%arg20 : memref<!tpu.dma_semaphore, #tpu.memory_space<semaphore_mem>>) src(%arg10 : memref<40x512xf32, #tpu.memory_space<vmem>>) dst(%dma_wait3A_217 : memref<40x512xf32, #tpu.memory_space<hbm>>)
        } else {
        }
        %add3A_203 = arith.constant 3 : i32
        %add3A_204 = arith.addi %add3A_82, %add3A_203 : i32
        %mul3A_205 = arith.constant 40 : i32
        %mul3A_206 = arith.muli %add3A_204, %mul3A_205 : i32
        %dma_start3A_207 = tpu.memref_slice %arg5[%mul3A_206] : memref<6400xi32, #tpu.memory_space<vmem>> -> memref<40xi32, #tpu.memory_space<vmem>>
        %dma_start3A_208 = arith.constant 0 : i32
        %dma_start3A_209 = arith.constant 0 : i32
        %dma_start3A_210 = tpu.memref_slice %arg3[%dma_start3A_208, %dma_start3A_209] : memref<1000000x512xf32, #tpu.memory_space<hbm>> -> memref<1000000x512xf32, #tpu.memory_space<hbm>>
        tpu.enqueue_indirect_dma source(%dma_start3A_210 : memref<1000000x512xf32, #tpu.memory_space<hbm>>) target(%arg10 : memref<40x512xf32, #tpu.memory_space<vmem>>) offsets(%dma_start3A_207 : memref<40xi32, #tpu.memory_space<vmem>>) semaphore(%arg15 : memref<!tpu.dma_semaphore, #tpu.memory_space<semaphore_mem>>)
      } else {
      }
      %mul3A_90 = arith.constant 40 : i32
      %mul3A_91 = arith.muli %add3A_82, %mul3A_90 : i32
      %dma_wait3A_92 = tpu.memref_slice %arg5[%mul3A_91] : memref<6400xi32, #tpu.memory_space<vmem>> -> memref<40xi32, #tpu.memory_space<vmem>>
      %dma_wait3A_93 = arith.constant 0 : i32
      %dma_wait3A_94 = arith.constant 0 : i32
      %dma_wait3A_95 = tpu.memref_slice %arg3[%dma_wait3A_93, %dma_wait3A_94] : memref<1000000x512xf32, #tpu.memory_space<hbm>> -> memref<1000000x512xf32, #tpu.memory_space<hbm>>
      tpu.wait_indirect_dma semaphore(%arg12 : memref<!tpu.dma_semaphore, #tpu.memory_space<semaphore_mem>>) src(%dma_wait3A_95 : memref<1000000x512xf32, #tpu.memory_space<hbm>>) dst(%arg7 : memref<40x512xf32, #tpu.memory_space<vmem>>)
      %scan3A_96 = arith.constant 0 : i32
      %scan3A_97 = arith.constant 0 : i32
      %scan3A_98 = arith.constant 40 : i32
      %scan3A_99 = arith.addi %scan3A_97, %scan3A_98 : i32
      %scan3A_100 = arith.constant 1 : i32
      scf.for %scan3A_199 = %scan3A_97 to %scan3A_99 step %scan3A_100  : i32 {
        %get3A = arith.index_cast %scan3A_199 : i32 to index
        %get3A_200 = arith.constant 0 : index
        %get3A_201 = tpu.vector_load %arg7[%get3A, %get3A_200] {strides = array<i32>} : memref<40x512xf32, #tpu.memory_space<vmem>>, vector<1x16xf32>,
        %get3A_202 = vector.shape_cast %get3A_201 : vector<1x16xf32> to vector<16xf32>
        %mul3A_203 = arith.constant 22.6274166 : f32
        %mul3A_204 = vector.broadcast %mul3A_203 : f32 to vector<16xf32>
        %mul3A_205 = arith.mulf %get3A_202, %mul3A_204 : vector<16xf32>
        %swap3A = arith.index_cast %scan3A_199 : i32 to index
        %swap3A_206 = arith.constant 0 : index
        %swap3A_207 = tpu.vector_load %arg7[%swap3A, %swap3A_206] {strides = array<i32>} : memref<40x512xf32, #tpu.memory_space<vmem>>, vector<1x16xf32>,
        %swap3A_208 = vector.shape_cast %swap3A_207 : vector<1x16xf32> to vector<16xf32>
        %swap3A_209 = vector.shape_cast %mul3A_205 : vector<16xf32> to vector<1x16xf32>
        tpu.vector_store %arg7[%swap3A, %swap3A_206], %swap3A_209 {strides = array<i32>} : memref<40x512xf32, #tpu.memory_space<vmem>>, vector<1x16xf32>,
        %get3A_210 = arith.index_cast %scan3A_199 : i32 to index
        %get3A_211 = arith.constant 16 : index
        %get3A_212 = tpu.vector_load %arg7[%get3A_210, %get3A_211] {strides = array<i32>} : memref<40x512xf32, #tpu.memory_space<vmem>>, vector<1x16xf32>,
        %get3A_213 = vector.shape_cast %get3A_212 : vector<1x16xf32> to vector<16xf32>
        %mul3A_214 = arith.constant 22.6274166 : f32
        %mul3A_215 = vector.broadcast %mul3A_214 : f32 to vector<16xf32>
        %mul3A_216 = arith.mulf %get3A_213, %mul3A_215 : vector<16xf32>
        %swap3A_217 = arith.index_cast %scan3A_199 : i32 to index
        %swap3A_218 = arith.constant 16 : index
        %swap3A_219 = tpu.vector_load %arg7[%swap3A_217, %swap3A_218] {strides = array<i32>} : memref<40x512xf32, #tpu.memory_space<vmem>>, vector<1x16xf32>,
        %swap3A_220 = vector.shape_cast %swap3A_219 : vector<1x16xf32> to vector<16xf32>
        %swap3A_221 = vector.shape_cast %mul3A_216 : vector<16xf32> to vector<1x16xf32>
        tpu.vector_store %arg7[%swap3A_217, %swap3A_218], %swap3A_221 {strides = array<i32>} : memref<40x512xf32, #tpu.memory_space<vmem>>, vector<1x16xf32>,
        %get3A_222 = arith.index_cast %scan3A_199 : i32 to index
        %get3A_223 = arith.constant 32 : index
        %get3A_224 = tpu.vector_load %arg7[%get3A_222, %get3A_223] {strides = array<i32>} : memref<40x512xf32, #tpu.memory_space<vmem>>, vector<1x16xf32>,
        %get3A_225 = vector.shape_cast %get3A_224 : vector<1x16xf32> to vector<16xf32>
        %mul3A_226 = arith.constant 22.6274166 : f32
        %mul3A_227 = vector.broadcast %mul3A_226 : f32 to vector<16xf32>
        %mul3A_228 = arith.mulf %get3A_225, %mul3A_227 : vector<16xf32>
        %swap3A_229 = arith.index_cast %scan3A_199 : i32 to index
        %swap3A_230 = arith.constant 32 : index
        %swap3A_231 = tpu.vector_load %arg7[%swap3A_229, %swap3A_230] {strides = array<i32>} : memref<40x512xf32, #tpu.memory_space<vmem>>, vector<1x16xf32>,
        %swap3A_232 = vector.shape_cast %swap3A_231 : vector<1x16xf32> to vector<16xf32>
        %swap3A_233 = vector.shape_cast %mul3A_228 : vector<16xf32> to vector<1x16xf32>
        tpu.vector_store %arg7[%swap3A_229, %swap3A_230], %swap3A_233 {strides = array<i32>} : memref<40x512xf32, #tpu.memory_space<vmem>>, vector<1x16xf32>,
        %get3A_234 = arith.index_cast %scan3A_199 : i32 to index
        %get3A_235 = arith.constant 48 : index
        %get3A_236 = tpu.vector_load %arg7[%get3A_234, %get3A_235] {strides = array<i32>} : memref<40x512xf32, #tpu.memory_space<vmem>>, vector<1x16xf32>,
        %get3A_237 = vector.shape_cast %get3A_236 : vector<1x16xf32> to vector<16xf32>
        %mul3A_238 = arith.constant 22.6274166 : f32
        %mul3A_239 = vector.broadcast %mul3A_238 : f32 to vector<16xf32>
        %mul3A_240 = arith.mulf %get3A_237, %mul3A_239 : vector<16xf32>
        %swap3A_241 = arith.index_cast %scan3A_199 : i32 to index
        %swap3A_242 = arith.constant 48 : index
        %swap3A_243 = tpu.vector_load %arg7[%swap3A_241, %swap3A_242] {strides = array<i32>} : memref<40x512xf32, #tpu.memory_space<vmem>>, vector<1x16xf32>,
        %swap3A_244 = vector.shape_cast %swap3A_243 : vector<1x16xf32> to vector<16xf32>
        %swap3A_245 = vector.shape_cast %mul3A_240 : vector<16xf32> to vector<1x16xf32>
        tpu.vector_store %arg7[%swap3A_241, %swap3A_242], %swap3A_245 {strides = array<i32>} : memref<40x512xf32, #tpu.memory_space<vmem>>, vector<1x16xf32>,
        %get3A_246 = arith.index_cast %scan3A_199 : i32 to index
        %get3A_247 = arith.constant 64 : index
        %get3A_248 = tpu.vector_load %arg7[%get3A_246, %get3A_247] {strides = array<i32>} : memref<40x512xf32, #tpu.memory_space<vmem>>, vector<1x16xf32>,
        %get3A_249 = vector.shape_cast %get3A_248 : vector<1x16xf32> to vector<16xf32>
        %mul3A_250 = arith.constant 22.6274166 : f32
        %mul3A_251 = vector.broadcast %mul3A_250 : f32 to vector<16xf32>
        %mul3A_252 = arith.mulf %get3A_249, %mul3A_251 : vector<16xf32>
        %swap3A_253 = arith.index_cast %scan3A_199 : i32 to index
        %swap3A_254 = arith.constant 64 : index
        %swap3A_255 = tpu.vector_load %arg7[%swap3A_253, %swap3A_254] {strides = array<i32>} : memref<40x512xf32, #tpu.memory_space<vmem>>, vector<1x16xf32>,
        %swap3A_256 = vector.shape_cast %swap3A_255 : vector<1x16xf32> to vector<16xf32>
        %swap3A_257 = vector.shape_cast %mul3A_252 : vector<16xf32> to vector<1x16xf32>
        tpu.vector_store %arg7[%swap3A_253, %swap3A_254], %swap3A_257 {strides = array<i32>} : memref<40x512xf32, #tpu.memory_space<vmem>>, vector<1x16xf32>,
        %get3A_258 = arith.index_cast %scan3A_199 : i32 to index
        %get3A_259 = arith.constant 80 : index
        %get3A_260 = tpu.vector_load %arg7[%get3A_258, %get3A_259] {strides = array<i32>} : memref<40x512xf32, #tpu.memory_space<vmem>>, vector<1x16xf32>,
        %get3A_261 = vector.shape_cast %get3A_260 : vector<1x16xf32> to vector<16xf32>
        %mul3A_262 = arith.constant 22.6274166 : f32
        %mul3A_263 = vector.broadcast %mul3A_262 : f32 to vector<16xf32>
        %mul3A_264 = arith.mulf %get3A_261, %mul3A_263 : vector<16xf32>
        %swap3A_265 = arith.index_cast %scan3A_199 : i32 to index
        %swap3A_266 = arith.constant 80 : index
        %swap3A_267 = tpu.vector_load %arg7[%swap3A_265, %swap3A_266] {strides = array<i32>} : memref<40x512xf32, #tpu.memory_space<vmem>>, vector<1x16xf32>,
        %swap3A_268 = vector.shape_cast %swap3A_267 : vector<1x16xf32> to vector<16xf32>
        %swap3A_269 = vector.shape_cast %mul3A_264 : vector<16xf32> to vector<1x16xf32>
        tpu.vector_store %arg7[%swap3A_265, %swap3A_266], %swap3A_269 {strides = array<i32>} : memref<40x512xf32, #tpu.memory_space<vmem>>, vector<1x16xf32>,
        %get3A_270 = arith.index_cast %scan3A_199 : i32 to index
        %get3A_271 = arith.constant 96 : index
        %get3A_272 = tpu.vector_load %arg7[%get3A_270, %get3A_271] {strides = array<i32>} : memref<40x512xf32, #tpu.memory_space<vmem>>, vector<1x16xf32>,
        %get3A_273 = vector.shape_cast %get3A_272 : vector<1x16xf32> to vector<16xf32>
        %mul3A_274 = arith.constant 22.6274166 : f32
        %mul3A_275 = vector.broadcast %mul3A_274 : f32 to vector<16xf32>
        %mul3A_276 = arith.mulf %get3A_273, %mul3A_275 : vector<16xf32>
        %swap3A_277 = arith.index_cast %scan3A_199 : i32 to index
        %swap3A_278 = arith.constant 96 : index
        %swap3A_279 = tpu.vector_load %arg7[%swap3A_277, %swap3A_278] {strides = array<i32>} : memref<40x512xf32, #tpu.memory_space<vmem>>, vector<1x16xf32>,
        %swap3A_280 = vector.shape_cast %swap3A_279 : vector<1x16xf32> to vector<16xf32>
        %swap3A_281 = vector.shape_cast %mul3A_276 : vector<16xf32> to vector<1x16xf32>
        tpu.vector_store %arg7[%swap3A_277, %swap3A_278], %swap3A_281 {strides = array<i32>} : memref<40x512xf32, #tpu.memory_space<vmem>>, vector<1x16xf32>,
        %get3A_282 = arith.index_cast %scan3A_199 : i32 to index
        %get3A_283 = arith.constant 112 : index
        %get3A_284 = tpu.vector_load %arg7[%get3A_282, %get3A_283] {strides = array<i32>} : memref<40x512xf32, #tpu.memory_space<vmem>>, vector<1x16xf32>,
        %get3A_285 = vector.shape_cast %get3A_284 : vector<1x16xf32> to vector<16xf32>
        %mul3A_286 = arith.constant 22.6274166 : f32
        %mul3A_287 = vector.broadcast %mul3A_286 : f32 to vector<16xf32>
        %mul3A_288 = arith.mulf %get3A_285, %mul3A_287 : vector<16xf32>
        %swap3A_289 = arith.index_cast %scan3A_199 : i32 to index
        %swap3A_290 = arith.constant 112 : index
        %swap3A_291 = tpu.vector_load %arg7[%swap3A_289, %swap3A_290] {strides = array<i32>} : memref<40x512xf32, #tpu.memory_space<vmem>>, vector<1x16xf32>,
        %swap3A_292 = vector.shape_cast %swap3A_291 : vector<1x16xf32> to vector<16xf32>
        %swap3A_293 = vector.shape_cast %mul3A_288 : vector<16xf32> to vector<1x16xf32>
        tpu.vector_store %arg7[%swap3A_289, %swap3A_290], %swap3A_293 {strides = array<i32>} : memref<40x512xf32, #tpu.memory_space<vmem>>, vector<1x16xf32>,
        %get3A_294 = arith.index_cast %scan3A_199 : i32 to index
        %get3A_295 = arith.constant 128 : index
        %get3A_296 = tpu.vector_load %arg7[%get3A_294, %get3A_295] {strides = array<i32>} : memref<40x512xf32, #tpu.memory_space<vmem>>, vector<1x16xf32>,
        %get3A_297 = vector.shape_cast %get3A_296 : vector<1x16xf32> to vector<16xf32>
        %mul3A_298 = arith.constant 22.6274166 : f32
        %mul3A_299 = vector.broadcast %mul3A_298 : f32 to vector<16xf32>
        %mul3A_300 = arith.mulf %get3A_297, %mul3A_299 : vector<16xf32>
        %swap3A_301 = arith.index_cast %scan3A_199 : i32 to index
        %swap3A_302 = arith.constant 128 : index
        %swap3A_303 = tpu.vector_load %arg7[%swap3A_301, %swap3A_302] {strides = array<i32>} : memref<40x512xf32, #tpu.memory_space<vmem>>, vector<1x16xf32>,
        %swap3A_304 = vector.shape_cast %swap3A_303 : vector<1x16xf32> to vector<16xf32>
        %swap3A_305 = vector.shape_cast %mul3A_300 : vector<16xf32> to vector<1x16xf32>
        tpu.vector_store %arg7[%swap3A_301, %swap3A_302], %swap3A_305 {strides = array<i32>} : memref<40x512xf32, #tpu.memory_space<vmem>>, vector<1x16xf32>,
        %get3A_306 = arith.index_cast %scan3A_199 : i32 to index
        %get3A_307 = arith.constant 144 : index
        %get3A_308 = tpu.vector_load %arg7[%get3A_306, %get3A_307] {strides = array<i32>} : memref<40x512xf32, #tpu.memory_space<vmem>>, vector<1x16xf32>,
        %get3A_309 = vector.shape_cast %get3A_308 : vector<1x16xf32> to vector<16xf32>
        %mul3A_310 = arith.constant 22.6274166 : f32
        %mul3A_311 = vector.broadcast %mul3A_310 : f32 to vector<16xf32>
        %mul3A_312 = arith.mulf %get3A_309, %mul3A_311 : vector<16xf32>
        %swap3A_313 = arith.index_cast %scan3A_199 : i32 to index
        %swap3A_314 = arith.constant 144 : index
        %swap3A_315 = tpu.vector_load %arg7[%swap3A_313, %swap3A_314] {strides = array<i32>} : memref<40x512xf32, #tpu.memory_space<vmem>>, vector<1x16xf32>,
        %swap3A_316 = vector.shape_cast %swap3A_315 : vector<1x16xf32> to vector<16xf32>
        %swap3A_317 = vector.shape_cast %mul3A_312 : vector<16xf32> to vector<1x16xf32>
        tpu.vector_store %arg7[%swap3A_313, %swap3A_314], %swap3A_317 {strides = array<i32>} : memref<40x512xf32, #tpu.memory_space<vmem>>, vector<1x16xf32>,
        %get3A_318 = arith.index_cast %scan3A_199 : i32 to index
        %get3A_319 = arith.constant 160 : index
        %get3A_320 = tpu.vector_load %arg7[%get3A_318, %get3A_319] {strides = array<i32>} : memref<40x512xf32, #tpu.memory_space<vmem>>, vector<1x16xf32>,
        %get3A_321 = vector.shape_cast %get3A_320 : vector<1x16xf32> to vector<16xf32>
        %mul3A_322 = arith.constant 22.6274166 : f32
        %mul3A_323 = vector.broadcast %mul3A_322 : f32 to vector<16xf32>
        %mul3A_324 = arith.mulf %get3A_321, %mul3A_323 : vector<16xf32>
        %swap3A_325 = arith.index_cast %scan3A_199 : i32 to index
        %swap3A_326 = arith.constant 160 : index
        %swap3A_327 = tpu.vector_load %arg7[%swap3A_325, %swap3A_326] {strides = array<i32>} : memref<40x512xf32, #tpu.memory_space<vmem>>, vector<1x16xf32>,
        %swap3A_328 = vector.shape_cast %swap3A_327 : vector<1x16xf32> to vector<16xf32>
        %swap3A_329 = vector.shape_cast %mul3A_324 : vector<16xf32> to vector<1x16xf32>
        tpu.vector_store %arg7[%swap3A_325, %swap3A_326], %swap3A_329 {strides = array<i32>} : memref<40x512xf32, #tpu.memory_space<vmem>>, vector<1x16xf32>,
        %get3A_330 = arith.index_cast %scan3A_199 : i32 to index
        %get3A_331 = arith.constant 176 : index
        %get3A_332 = tpu.vector_load %arg7[%get3A_330, %get3A_331] {strides = array<i32>} : memref<40x512xf32, #tpu.memory_space<vmem>>, vector<1x16xf32>,
        %get3A_333 = vector.shape_cast %get3A_332 : vector<1x16xf32> to vector<16xf32>
        %mul3A_334 = arith.constant 22.6274166 : f32
        %mul3A_335 = vector.broadcast %mul3A_334 : f32 to vector<16xf32>
        %mul3A_336 = arith.mulf %get3A_333, %mul3A_335 : vector<16xf32>
        %swap3A_337 = arith.index_cast %scan3A_199 : i32 to index
        %swap3A_338 = arith.constant 176 : index
        %swap3A_339 = tpu.vector_load %arg7[%swap3A_337, %swap3A_338] {strides = array<i32>} : memref<40x512xf32, #tpu.memory_space<vmem>>, vector<1x16xf32>,
        %swap3A_340 = vector.shape_cast %swap3A_339 : vector<1x16xf32> to vector<16xf32>
        %swap3A_341 = vector.shape_cast %mul3A_336 : vector<16xf32> to vector<1x16xf32>
        tpu.vector_store %arg7[%swap3A_337, %swap3A_338], %swap3A_341 {strides = array<i32>} : memref<40x512xf32, #tpu.memory_space<vmem>>, vector<1x16xf32>,
        %get3A_342 = arith.index_cast %scan3A_199 : i32 to index
        %get3A_343 = arith.constant 192 : index
        %get3A_344 = tpu.vector_load %arg7[%get3A_342, %get3A_343] {strides = array<i32>} : memref<40x512xf32, #tpu.memory_space<vmem>>, vector<1x16xf32>,
        %get3A_345 = vector.shape_cast %get3A_344 : vector<1x16xf32> to vector<16xf32>
        %mul3A_346 = arith.constant 22.6274166 : f32
        %mul3A_347 = vector.broadcast %mul3A_346 : f32 to vector<16xf32>
        %mul3A_348 = arith.mulf %get3A_345, %mul3A_347 : vector<16xf32>
        %swap3A_349 = arith.index_cast %scan3A_199 : i32 to index
        %swap3A_350 = arith.constant 192 : index
        %swap3A_351 = tpu.vector_load %arg7[%swap3A_349, %swap3A_350] {strides = array<i32>} : memref<40x512xf32, #tpu.memory_space<vmem>>, vector<1x16xf32>,
        %swap3A_352 = vector.shape_cast %swap3A_351 : vector<1x16xf32> to vector<16xf32>
        %swap3A_353 = vector.shape_cast %mul3A_348 : vector<16xf32> to vector<1x16xf32>
        tpu.vector_store %arg7[%swap3A_349, %swap3A_350], %swap3A_353 {strides = array<i32>} : memref<40x512xf32, #tpu.memory_space<vmem>>, vector<1x16xf32>,
        %get3A_354 = arith.index_cast %scan3A_199 : i32 to index
        %get3A_355 = arith.constant 208 : index
        %get3A_356 = tpu.vector_load %arg7[%get3A_354, %get3A_355] {strides = array<i32>} : memref<40x512xf32, #tpu.memory_space<vmem>>, vector<1x16xf32>,
        %get3A_357 = vector.shape_cast %get3A_356 : vector<1x16xf32> to vector<16xf32>
        %mul3A_358 = arith.constant 22.6274166 : f32
        %mul3A_359 = vector.broadcast %mul3A_358 : f32 to vector<16xf32>
        %mul3A_360 = arith.mulf %get3A_357, %mul3A_359 : vector<16xf32>
        %swap3A_361 = arith.index_cast %scan3A_199 : i32 to index
        %swap3A_362 = arith.constant 208 : index
        %swap3A_363 = tpu.vector_load %arg7[%swap3A_361, %swap3A_362] {strides = array<i32>} : memref<40x512xf32, #tpu.memory_space<vmem>>, vector<1x16xf32>,
        %swap3A_364 = vector.shape_cast %swap3A_363 : vector<1x16xf32> to vector<16xf32>
        %swap3A_365 = vector.shape_cast %mul3A_360 : vector<16xf32> to vector<1x16xf32>
        tpu.vector_store %arg7[%swap3A_361, %swap3A_362], %swap3A_365 {strides = array<i32>} : memref<40x512xf32, #tpu.memory_space<vmem>>, vector<1x16xf32>,
        %get3A_366 = arith.index_cast %scan3A_199 : i32 to index
        %get3A_367 = arith.constant 224 : index
        %get3A_368 = tpu.vector_load %arg7[%get3A_366, %get3A_367] {strides = array<i32>} : memref<40x512xf32, #tpu.memory_space<vmem>>, vector<1x16xf32>,
        %get3A_369 = vector.shape_cast %get3A_368 : vector<1x16xf32> to vector<16xf32>
        %mul3A_370 = arith.constant 22.6274166 : f32
        %mul3A_371 = vector.broadcast %mul3A_370 : f32 to vector<16xf32>
        %mul3A_372 = arith.mulf %get3A_369, %mul3A_371 : vector<16xf32>
        %swap3A_373 = arith.index_cast %scan3A_199 : i32 to index
        %swap3A_374 = arith.constant 224 : index
        %swap3A_375 = tpu.vector_load %arg7[%swap3A_373, %swap3A_374] {strides = array<i32>} : memref<40x512xf32, #tpu.memory_space<vmem>>, vector<1x16xf32>,
        %swap3A_376 = vector.shape_cast %swap3A_375 : vector<1x16xf32> to vector<16xf32>
        %swap3A_377 = vector.shape_cast %mul3A_372 : vector<16xf32> to vector<1x16xf32>
        tpu.vector_store %arg7[%swap3A_373, %swap3A_374], %swap3A_377 {strides = array<i32>} : memref<40x512xf32, #tpu.memory_space<vmem>>, vector<1x16xf32>,
        %get3A_378 = arith.index_cast %scan3A_199 : i32 to index
        %get3A_379 = arith.constant 240 : index
        %get3A_380 = tpu.vector_load %arg7[%get3A_378, %get3A_379] {strides = array<i32>} : memref<40x512xf32, #tpu.memory_space<vmem>>, vector<1x16xf32>,
        %get3A_381 = vector.shape_cast %get3A_380 : vector<1x16xf32> to vector<16xf32>
        %mul3A_382 = arith.constant 22.6274166 : f32
        %mul3A_383 = vector.broadcast %mul3A_382 : f32 to vector<16xf32>
        %mul3A_384 = arith.mulf %get3A_381, %mul3A_383 : vector<16xf32>
        %swap3A_385 = arith.index_cast %scan3A_199 : i32 to index
        %swap3A_386 = arith.constant 240 : index
        %swap3A_387 = tpu.vector_load %arg7[%swap3A_385, %swap3A_386] {strides = array<i32>} : memref<40x512xf32, #tpu.memory_space<vmem>>, vector<1x16xf32>,
        %swap3A_388 = vector.shape_cast %swap3A_387 : vector<1x16xf32> to vector<16xf32>
        %swap3A_389 = vector.shape_cast %mul3A_384 : vector<16xf32> to vector<1x16xf32>
        tpu.vector_store %arg7[%swap3A_385, %swap3A_386], %swap3A_389 {strides = array<i32>} : memref<40x512xf32, #tpu.memory_space<vmem>>, vector<1x16xf32>,
        %get3A_390 = arith.index_cast %scan3A_199 : i32 to index
        %get3A_391 = arith.constant 256 : index
        %get3A_392 = tpu.vector_load %arg7[%get3A_390, %get3A_391] {strides = array<i32>} : memref<40x512xf32, #tpu.memory_space<vmem>>, vector<1x16xf32>,
        %get3A_393 = vector.shape_cast %get3A_392 : vector<1x16xf32> to vector<16xf32>
        %mul3A_394 = arith.constant 22.6274166 : f32
        %mul3A_395 = vector.broadcast %mul3A_394 : f32 to vector<16xf32>
        %mul3A_396 = arith.mulf %get3A_393, %mul3A_395 : vector<16xf32>
        %swap3A_397 = arith.index_cast %scan3A_199 : i32 to index
        %swap3A_398 = arith.constant 256 : index
        %swap3A_399 = tpu.vector_load %arg7[%swap3A_397, %swap3A_398] {strides = array<i32>} : memref<40x512xf32, #tpu.memory_space<vmem>>, vector<1x16xf32>,
        %swap3A_400 = vector.shape_cast %swap3A_399 : vector<1x16xf32> to vector<16xf32>
        %swap3A_401 = vector.shape_cast %mul3A_396 : vector<16xf32> to vector<1x16xf32>
        tpu.vector_store %arg7[%swap3A_397, %swap3A_398], %swap3A_401 {strides = array<i32>} : memref<40x512xf32, #tpu.memory_space<vmem>>, vector<1x16xf32>,
        %get3A_402 = arith.index_cast %scan3A_199 : i32 to index
        %get3A_403 = arith.constant 272 : index
        %get3A_404 = tpu.vector_load %arg7[%get3A_402, %get3A_403] {strides = array<i32>} : memref<40x512xf32, #tpu.memory_space<vmem>>, vector<1x16xf32>,
        %get3A_405 = vector.shape_cast %get3A_404 : vector<1x16xf32> to vector<16xf32>
        %mul3A_406 = arith.constant 22.6274166 : f32
        %mul3A_407 = vector.broadcast %mul3A_406 : f32 to vector<16xf32>
        %mul3A_408 = arith.mulf %get3A_405, %mul3A_407 : vector<16xf32>
        %swap3A_409 = arith.index_cast %scan3A_199 : i32 to index
        %swap3A_410 = arith.constant 272 : index
        %swap3A_411 = tpu.vector_load %arg7[%swap3A_409, %swap3A_410] {strides = array<i32>} : memref<40x512xf32, #tpu.memory_space<vmem>>, vector<1x16xf32>,
        %swap3A_412 = vector.shape_cast %swap3A_411 : vector<1x16xf32> to vector<16xf32>
        %swap3A_413 = vector.shape_cast %mul3A_408 : vector<16xf32> to vector<1x16xf32>
        tpu.vector_store %arg7[%swap3A_409, %swap3A_410], %swap3A_413 {strides = array<i32>} : memref<40x512xf32, #tpu.memory_space<vmem>>, vector<1x16xf32>,
        %get3A_414 = arith.index_cast %scan3A_199 : i32 to index
        %get3A_415 = arith.constant 288 : index
        %get3A_416 = tpu.vector_load %arg7[%get3A_414, %get3A_415] {strides = array<i32>} : memref<40x512xf32, #tpu.memory_space<vmem>>, vector<1x16xf32>,
        %get3A_417 = vector.shape_cast %get3A_416 : vector<1x16xf32> to vector<16xf32>
        %mul3A_418 = arith.constant 22.6274166 : f32
        %mul3A_419 = vector.broadcast %mul3A_418 : f32 to vector<16xf32>
        %mul3A_420 = arith.mulf %get3A_417, %mul3A_419 : vector<16xf32>
        %swap3A_421 = arith.index_cast %scan3A_199 : i32 to index
        %swap3A_422 = arith.constant 288 : index
        %swap3A_423 = tpu.vector_load %arg7[%swap3A_421, %swap3A_422] {strides = array<i32>} : memref<40x512xf32, #tpu.memory_space<vmem>>, vector<1x16xf32>,
        %swap3A_424 = vector.shape_cast %swap3A_423 : vector<1x16xf32> to vector<16xf32>
        %swap3A_425 = vector.shape_cast %mul3A_420 : vector<16xf32> to vector<1x16xf32>
        tpu.vector_store %arg7[%swap3A_421, %swap3A_422], %swap3A_425 {strides = array<i32>} : memref<40x512xf32, #tpu.memory_space<vmem>>, vector<1x16xf32>,
        %get3A_426 = arith.index_cast %scan3A_199 : i32 to index
        %get3A_427 = arith.constant 304 : index
        %get3A_428 = tpu.vector_load %arg7[%get3A_426, %get3A_427] {strides = array<i32>} : memref<40x512xf32, #tpu.memory_space<vmem>>, vector<1x16xf32>,
        %get3A_429 = vector.shape_cast %get3A_428 : vector<1x16xf32> to vector<16xf32>
        %mul3A_430 = arith.constant 22.6274166 : f32
        %mul3A_431 = vector.broadcast %mul3A_430 : f32 to vector<16xf32>
        %mul3A_432 = arith.mulf %get3A_429, %mul3A_431 : vector<16xf32>
        %swap3A_433 = arith.index_cast %scan3A_199 : i32 to index
        %swap3A_434 = arith.constant 304 : index
        %swap3A_435 = tpu.vector_load %arg7[%swap3A_433, %swap3A_434] {strides = array<i32>} : memref<40x512xf32, #tpu.memory_space<vmem>>, vector<1x16xf32>,
        %swap3A_436 = vector.shape_cast %swap3A_435 : vector<1x16xf32> to vector<16xf32>
        %swap3A_437 = vector.shape_cast %mul3A_432 : vector<16xf32> to vector<1x16xf32>
        tpu.vector_store %arg7[%swap3A_433, %swap3A_434], %swap3A_437 {strides = array<i32>} : memref<40x512xf32, #tpu.memory_space<vmem>>, vector<1x16xf32>,
        %get3A_438 = arith.index_cast %scan3A_199 : i32 to index
        %get3A_439 = arith.constant 320 : index
        %get3A_440 = tpu.vector_load %arg7[%get3A_438, %get3A_439] {strides = array<i32>} : memref<40x512xf32, #tpu.memory_space<vmem>>, vector<1x16xf32>,
        %get3A_441 = vector.shape_cast %get3A_440 : vector<1x16xf32> to vector<16xf32>
        %mul3A_442 = arith.constant 22.6274166 : f32
        %mul3A_443 = vector.broadcast %mul3A_442 : f32 to vector<16xf32>
        %mul3A_444 = arith.mulf %get3A_441, %mul3A_443 : vector<16xf32>
        %swap3A_445 = arith.index_cast %scan3A_199 : i32 to index
        %swap3A_446 = arith.constant 320 : index
        %swap3A_447 = tpu.vector_load %arg7[%swap3A_445, %swap3A_446] {strides = array<i32>} : memref<40x512xf32, #tpu.memory_space<vmem>>, vector<1x16xf32>,
        %swap3A_448 = vector.shape_cast %swap3A_447 : vector<1x16xf32> to vector<16xf32>
        %swap3A_449 = vector.shape_cast %mul3A_444 : vector<16xf32> to vector<1x16xf32>
        tpu.vector_store %arg7[%swap3A_445, %swap3A_446], %swap3A_449 {strides = array<i32>} : memref<40x512xf32, #tpu.memory_space<vmem>>, vector<1x16xf32>,
        %get3A_450 = arith.index_cast %scan3A_199 : i32 to index
        %get3A_451 = arith.constant 336 : index
        %get3A_452 = tpu.vector_load %arg7[%get3A_450, %get3A_451] {strides = array<i32>} : memref<40x512xf32, #tpu.memory_space<vmem>>, vector<1x16xf32>,
        %get3A_453 = vector.shape_cast %get3A_452 : vector<1x16xf32> to vector<16xf32>
        %mul3A_454 = arith.constant 22.6274166 : f32
        %mul3A_455 = vector.broadcast %mul3A_454 : f32 to vector<16xf32>
        %mul3A_456 = arith.mulf %get3A_453, %mul3A_455 : vector<16xf32>
        %swap3A_457 = arith.index_cast %scan3A_199 : i32 to index
        %swap3A_458 = arith.constant 336 : index
        %swap3A_459 = tpu.vector_load %arg7[%swap3A_457, %swap3A_458] {strides = array<i32>} : memref<40x512xf32, #tpu.memory_space<vmem>>, vector<1x16xf32>,
        %swap3A_460 = vector.shape_cast %swap3A_459 : vector<1x16xf32> to vector<16xf32>
        %swap3A_461 = vector.shape_cast %mul3A_456 : vector<16xf32> to vector<1x16xf32>
        tpu.vector_store %arg7[%swap3A_457, %swap3A_458], %swap3A_461 {strides = array<i32>} : memref<40x512xf32, #tpu.memory_space<vmem>>, vector<1x16xf32>,
        %get3A_462 = arith.index_cast %scan3A_199 : i32 to index
        %get3A_463 = arith.constant 352 : index
        %get3A_464 = tpu.vector_load %arg7[%get3A_462, %get3A_463] {strides = array<i32>} : memref<40x512xf32, #tpu.memory_space<vmem>>, vector<1x16xf32>,
        %get3A_465 = vector.shape_cast %get3A_464 : vector<1x16xf32> to vector<16xf32>
        %mul3A_466 = arith.constant 22.6274166 : f32
        %mul3A_467 = vector.broadcast %mul3A_466 : f32 to vector<16xf32>
        %mul3A_468 = arith.mulf %get3A_465, %mul3A_467 : vector<16xf32>
        %swap3A_469 = arith.index_cast %scan3A_199 : i32 to index
        %swap3A_470 = arith.constant 352 : index
        %swap3A_471 = tpu.vector_load %arg7[%swap3A_469, %swap3A_470] {strides = array<i32>} : memref<40x512xf32, #tpu.memory_space<vmem>>, vector<1x16xf32>,
        %swap3A_472 = vector.shape_cast %swap3A_471 : vector<1x16xf32> to vector<16xf32>
        %swap3A_473 = vector.shape_cast %mul3A_468 : vector<16xf32> to vector<1x16xf32>
        tpu.vector_store %arg7[%swap3A_469, %swap3A_470], %swap3A_473 {strides = array<i32>} : memref<40x512xf32, #tpu.memory_space<vmem>>, vector<1x16xf32>,
        %get3A_474 = arith.index_cast %scan3A_199 : i32 to index
        %get3A_475 = arith.constant 368 : index
        %get3A_476 = tpu.vector_load %arg7[%get3A_474, %get3A_475] {strides = array<i32>} : memref<40x512xf32, #tpu.memory_space<vmem>>, vector<1x16xf32>,
        %get3A_477 = vector.shape_cast %get3A_476 : vector<1x16xf32> to vector<16xf32>
        %mul3A_478 = arith.constant 22.6274166 : f32
        %mul3A_479 = vector.broadcast %mul3A_478 : f32 to vector<16xf32>
        %mul3A_480 = arith.mulf %get3A_477, %mul3A_479 : vector<16xf32>
        %swap3A_481 = arith.index_cast %scan3A_199 : i32 to index
        %swap3A_482 = arith.constant 368 : index
        %swap3A_483 = tpu.vector_load %arg7[%swap3A_481, %swap3A_482] {strides = array<i32>} : memref<40x512xf32, #tpu.memory_space<vmem>>, vector<1x16xf32>,
        %swap3A_484 = vector.shape_cast %swap3A_483 : vector<1x16xf32> to vector<16xf32>
        %swap3A_485 = vector.shape_cast %mul3A_480 : vector<16xf32> to vector<1x16xf32>
        tpu.vector_store %arg7[%swap3A_481, %swap3A_482], %swap3A_485 {strides = array<i32>} : memref<40x512xf32, #tpu.memory_space<vmem>>, vector<1x16xf32>,
        %get3A_486 = arith.index_cast %scan3A_199 : i32 to index
        %get3A_487 = arith.constant 384 : index
        %get3A_488 = tpu.vector_load %arg7[%get3A_486, %get3A_487] {strides = array<i32>} : memref<40x512xf32, #tpu.memory_space<vmem>>, vector<1x16xf32>,
        %get3A_489 = vector.shape_cast %get3A_488 : vector<1x16xf32> to vector<16xf32>
        %mul3A_490 = arith.constant 22.6274166 : f32
        %mul3A_491 = vector.broadcast %mul3A_490 : f32 to vector<16xf32>
        %mul3A_492 = arith.mulf %get3A_489, %mul3A_491 : vector<16xf32>
        %swap3A_493 = arith.index_cast %scan3A_199 : i32 to index
        %swap3A_494 = arith.constant 384 : index
        %swap3A_495 = tpu.vector_load %arg7[%swap3A_493, %swap3A_494] {strides = array<i32>} : memref<40x512xf32, #tpu.memory_space<vmem>>, vector<1x16xf32>,
        %swap3A_496 = vector.shape_cast %swap3A_495 : vector<1x16xf32> to vector<16xf32>
        %swap3A_497 = vector.shape_cast %mul3A_492 : vector<16xf32> to vector<1x16xf32>
        tpu.vector_store %arg7[%swap3A_493, %swap3A_494], %swap3A_497 {strides = array<i32>} : memref<40x512xf32, #tpu.memory_space<vmem>>, vector<1x16xf32>,
        %get3A_498 = arith.index_cast %scan3A_199 : i32 to index
        %get3A_499 = arith.constant 400 : index
        %get3A_500 = tpu.vector_load %arg7[%get3A_498, %get3A_499] {strides = array<i32>} : memref<40x512xf32, #tpu.memory_space<vmem>>, vector<1x16xf32>,
        %get3A_501 = vector.shape_cast %get3A_500 : vector<1x16xf32> to vector<16xf32>
        %mul3A_502 = arith.constant 22.6274166 : f32
        %mul3A_503 = vector.broadcast %mul3A_502 : f32 to vector<16xf32>
        %mul3A_504 = arith.mulf %get3A_501, %mul3A_503 : vector<16xf32>
        %swap3A_505 = arith.index_cast %scan3A_199 : i32 to index
        %swap3A_506 = arith.constant 400 : index
        %swap3A_507 = tpu.vector_load %arg7[%swap3A_505, %swap3A_506] {strides = array<i32>} : memref<40x512xf32, #tpu.memory_space<vmem>>, vector<1x16xf32>,
        %swap3A_508 = vector.shape_cast %swap3A_507 : vector<1x16xf32> to vector<16xf32>
        %swap3A_509 = vector.shape_cast %mul3A_504 : vector<16xf32> to vector<1x16xf32>
        tpu.vector_store %arg7[%swap3A_505, %swap3A_506], %swap3A_509 {strides = array<i32>} : memref<40x512xf32, #tpu.memory_space<vmem>>, vector<1x16xf32>,
        %get3A_510 = arith.index_cast %scan3A_199 : i32 to index
        %get3A_511 = arith.constant 416 : index
        %get3A_512 = tpu.vector_load %arg7[%get3A_510, %get3A_511] {strides = array<i32>} : memref<40x512xf32, #tpu.memory_space<vmem>>, vector<1x16xf32>,
        %get3A_513 = vector.shape_cast %get3A_512 : vector<1x16xf32> to vector<16xf32>
        %mul3A_514 = arith.constant 22.6274166 : f32
        %mul3A_515 = vector.broadcast %mul3A_514 : f32 to vector<16xf32>
        %mul3A_516 = arith.mulf %get3A_513, %mul3A_515 : vector<16xf32>
        %swap3A_517 = arith.index_cast %scan3A_199 : i32 to index
        %swap3A_518 = arith.constant 416 : index
        %swap3A_519 = tpu.vector_load %arg7[%swap3A_517, %swap3A_518] {strides = array<i32>} : memref<40x512xf32, #tpu.memory_space<vmem>>, vector<1x16xf32>,
        %swap3A_520 = vector.shape_cast %swap3A_519 : vector<1x16xf32> to vector<16xf32>
        %swap3A_521 = vector.shape_cast %mul3A_516 : vector<16xf32> to vector<1x16xf32>
        tpu.vector_store %arg7[%swap3A_517, %swap3A_518], %swap3A_521 {strides = array<i32>} : memref<40x512xf32, #tpu.memory_space<vmem>>, vector<1x16xf32>,
        %get3A_522 = arith.index_cast %scan3A_199 : i32 to index
        %get3A_523 = arith.constant 432 : index
        %get3A_524 = tpu.vector_load %arg7[%get3A_522, %get3A_523] {strides = array<i32>} : memref<40x512xf32, #tpu.memory_space<vmem>>, vector<1x16xf32>,
        %get3A_525 = vector.shape_cast %get3A_524 : vector<1x16xf32> to vector<16xf32>
        %mul3A_526 = arith.constant 22.6274166 : f32
        %mul3A_527 = vector.broadcast %mul3A_526 : f32 to vector<16xf32>
        %mul3A_528 = arith.mulf %get3A_525, %mul3A_527 : vector<16xf32>
        %swap3A_529 = arith.index_cast %scan3A_199 : i32 to index
        %swap3A_530 = arith.constant 432 : index
        %swap3A_531 = tpu.vector_load %arg7[%swap3A_529, %swap3A_530] {strides = array<i32>} : memref<40x512xf32, #tpu.memory_space<vmem>>, vector<1x16xf32>,
        %swap3A_532 = vector.shape_cast %swap3A_531 : vector<1x16xf32> to vector<16xf32>
        %swap3A_533 = vector.shape_cast %mul3A_528 : vector<16xf32> to vector<1x16xf32>
        tpu.vector_store %arg7[%swap3A_529, %swap3A_530], %swap3A_533 {strides = array<i32>} : memref<40x512xf32, #tpu.memory_space<vmem>>, vector<1x16xf32>,
        %get3A_534 = arith.index_cast %scan3A_199 : i32 to index
        %get3A_535 = arith.constant 448 : index
        %get3A_536 = tpu.vector_load %arg7[%get3A_534, %get3A_535] {strides = array<i32>} : memref<40x512xf32, #tpu.memory_space<vmem>>, vector<1x16xf32>,
        %get3A_537 = vector.shape_cast %get3A_536 : vector<1x16xf32> to vector<16xf32>
        %mul3A_538 = arith.constant 22.6274166 : f32
        %mul3A_539 = vector.broadcast %mul3A_538 : f32 to vector<16xf32>
        %mul3A_540 = arith.mulf %get3A_537, %mul3A_539 : vector<16xf32>
        %swap3A_541 = arith.index_cast %scan3A_199 : i32 to index
        %swap3A_542 = arith.constant 448 : index
        %swap3A_543 = tpu.vector_load %arg7[%swap3A_541, %swap3A_542] {strides = array<i32>} : memref<40x512xf32, #tpu.memory_space<vmem>>, vector<1x16xf32>,
        %swap3A_544 = vector.shape_cast %swap3A_543 : vector<1x16xf32> to vector<16xf32>
        %swap3A_545 = vector.shape_cast %mul3A_540 : vector<16xf32> to vector<1x16xf32>
        tpu.vector_store %arg7[%swap3A_541, %swap3A_542], %swap3A_545 {strides = array<i32>} : memref<40x512xf32, #tpu.memory_space<vmem>>, vector<1x16xf32>,
        %get3A_546 = arith.index_cast %scan3A_199 : i32 to index
        %get3A_547 = arith.constant 464 : index
        %get3A_548 = tpu.vector_load %arg7[%get3A_546, %get3A_547] {strides = array<i32>} : memref<40x512xf32, #tpu.memory_space<vmem>>, vector<1x16xf32>,
        %get3A_549 = vector.shape_cast %get3A_548 : vector<1x16xf32> to vector<16xf32>
        %mul3A_550 = arith.constant 22.6274166 : f32
        %mul3A_551 = vector.broadcast %mul3A_550 : f32 to vector<16xf32>
        %mul3A_552 = arith.mulf %get3A_549, %mul3A_551 : vector<16xf32>
        %swap3A_553 = arith.index_cast %scan3A_199 : i32 to index
        %swap3A_554 = arith.constant 464 : index
        %swap3A_555 = tpu.vector_load %arg7[%swap3A_553, %swap3A_554] {strides = array<i32>} : memref<40x512xf32, #tpu.memory_space<vmem>>, vector<1x16xf32>,
        %swap3A_556 = vector.shape_cast %swap3A_555 : vector<1x16xf32> to vector<16xf32>
        %swap3A_557 = vector.shape_cast %mul3A_552 : vector<16xf32> to vector<1x16xf32>
        tpu.vector_store %arg7[%swap3A_553, %swap3A_554], %swap3A_557 {strides = array<i32>} : memref<40x512xf32, #tpu.memory_space<vmem>>, vector<1x16xf32>,
        %get3A_558 = arith.index_cast %scan3A_199 : i32 to index
        %get3A_559 = arith.constant 480 : index
        %get3A_560 = tpu.vector_load %arg7[%get3A_558, %get3A_559] {strides = array<i32>} : memref<40x512xf32, #tpu.memory_space<vmem>>, vector<1x16xf32>,
        %get3A_561 = vector.shape_cast %get3A_560 : vector<1x16xf32> to vector<16xf32>
        %mul3A_562 = arith.constant 22.6274166 : f32
        %mul3A_563 = vector.broadcast %mul3A_562 : f32 to vector<16xf32>
        %mul3A_564 = arith.mulf %get3A_561, %mul3A_563 : vector<16xf32>
        %swap3A_565 = arith.index_cast %scan3A_199 : i32 to index
        %swap3A_566 = arith.constant 480 : index
        %swap3A_567 = tpu.vector_load %arg7[%swap3A_565, %swap3A_566] {strides = array<i32>} : memref<40x512xf32, #tpu.memory_space<vmem>>, vector<1x16xf32>,
        %swap3A_568 = vector.shape_cast %swap3A_567 : vector<1x16xf32> to vector<16xf32>
        %swap3A_569 = vector.shape_cast %mul3A_564 : vector<16xf32> to vector<1x16xf32>
        tpu.vector_store %arg7[%swap3A_565, %swap3A_566], %swap3A_569 {strides = array<i32>} : memref<40x512xf32, #tpu.memory_space<vmem>>, vector<1x16xf32>,
        %get3A_570 = arith.index_cast %scan3A_199 : i32 to index
        %get3A_571 = arith.constant 496 : index
        %get3A_572 = tpu.vector_load %arg7[%get3A_570, %get3A_571] {strides = array<i32>} : memref<40x512xf32, #tpu.memory_space<vmem>>, vector<1x16xf32>,
        %get3A_573 = vector.shape_cast %get3A_572 : vector<1x16xf32> to vector<16xf32>
        %mul3A_574 = arith.constant 22.6274166 : f32
        %mul3A_575 = vector.broadcast %mul3A_574 : f32 to vector<16xf32>
        %mul3A_576 = arith.mulf %get3A_573, %mul3A_575 : vector<16xf32>
        %swap3A_577 = arith.index_cast %scan3A_199 : i32 to index
        %swap3A_578 = arith.constant 496 : index
        %swap3A_579 = tpu.vector_load %arg7[%swap3A_577, %swap3A_578] {strides = array<i32>} : memref<40x512xf32, #tpu.memory_space<vmem>>, vector<1x16xf32>,
        %swap3A_580 = vector.shape_cast %swap3A_579 : vector<1x16xf32> to vector<16xf32>
        %swap3A_581 = vector.shape_cast %mul3A_576 : vector<16xf32> to vector<1x16xf32>
        tpu.vector_store %arg7[%swap3A_577, %swap3A_578], %swap3A_581 {strides = array<i32>} : memref<40x512xf32, #tpu.memory_space<vmem>>, vector<1x16xf32>,
      }
      %scan3A_101 = arith.constant 40 : i32
      %mul3A_102 = arith.constant 40 : i32
      %mul3A_103 = arith.muli %add3A_82, %mul3A_102 : i32
      %add3A_104 = arith.addi %mul3A_2, %mul3A_103 : i32
      %dma_start3A_105 = arith.constant 0 : i32
      %dma_start3A_106 = tpu.memref_slice %arg4[%add3A_104, %dma_start3A_105] : memref<204800x512xf32, #tpu.memory_space<hbm>> -> memref<40x512xf32, #tpu.memory_space<hbm>>
      %dma_start3A_107 = arith.constant 0 : i32
      %dma_start3A_108 = tpu.memref_slice %arg4[%add3A_104, %dma_start3A_107] : memref<204800x512xf32, #tpu.memory_space<hbm>> -> memref<40x512xf32, #tpu.memory_space<hbm>>
      tpu.enqueue_dma source(%arg7 : memref<40x512xf32, #tpu.memory_space<vmem>>) target(%dma_start3A_108 : memref<40x512xf32, #tpu.memory_space<hbm>>) target_semaphore(%arg17 : memref<!tpu.dma_semaphore, #tpu.memory_space<semaphore_mem>>)
      %mul3A_109 = arith.constant 5 : i32
      %mul3A_110 = arith.muli %scan3A_51, %mul3A_109 : i32
      %add3A_111 = arith.constant 2 : i32
      %add3A_112 = arith.addi %mul3A_110, %add3A_111 : i32
      %add3A_113 = arith.constant 3 : i32
      %add3A_114 = arith.addi %add3A_112, %add3A_113 : i32
      %lt3A_115 = arith.constant 160 : i32
      %lt3A_116 = arith.cmpi slt, %add3A_114, %lt3A_115 : i32
      %convert_element_type3A_117 = arith.extui %lt3A_116 : i1 to i32
      %cond3A_118 = arith.constant 0 : i32
      %cond3A_119 = arith.cmpi ne, %convert_element_type3A_117, %cond3A_118 : i32
      scf.if %cond3A_119 {
        %ge3A = arith.constant 2 : i32
        %ge3A_199 = arith.cmpi sge, %add3A_112, %ge3A : i32
        %convert_element_type3A_200 = arith.extui %ge3A_199 : i1 to i32
        %cond3A_201 = arith.constant 0 : i32
        %cond3A_202 = arith.cmpi ne, %convert_element_type3A_200, %cond3A_201 : i32
        scf.if %cond3A_202 {
          %mul3A_211 = arith.constant 40 : i32
          %mul3A_212 = arith.muli %add3A_112, %mul3A_211 : i32
          %add3A_213 = arith.addi %mul3A_2, %mul3A_212 : i32
          %dma_wait3A_214 = arith.constant 0 : i32
          %dma_wait3A_215 = tpu.memref_slice %arg4[%add3A_213, %dma_wait3A_214] : memref<204800x512xf32, #tpu.memory_space<hbm>> -> memref<40x512xf32, #tpu.memory_space<hbm>>
          %dma_wait3A_216 = arith.constant 0 : i32
          %dma_wait3A_217 = tpu.memref_slice %arg4[%add3A_213, %dma_wait3A_216] : memref<204800x512xf32, #tpu.memory_space<hbm>> -> memref<40x512xf32, #tpu.memory_space<hbm>>
          tpu.wait_dma2 semaphore(%arg16 : memref<!tpu.dma_semaphore, #tpu.memory_space<semaphore_mem>>) src(%arg6 : memref<40x512xf32, #tpu.memory_space<vmem>>) dst(%dma_wait3A_217 : memref<40x512xf32, #tpu.memory_space<hbm>>)
        } else {
        }
        %add3A_203 = arith.constant 3 : i32
        %add3A_204 = arith.addi %add3A_112, %add3A_203 : i32
        %mul3A_205 = arith.constant 40 : i32
        %mul3A_206 = arith.muli %add3A_204, %mul3A_205 : i32
        %dma_start3A_207 = tpu.memref_slice %arg5[%mul3A_206] : memref<6400xi32, #tpu.memory_space<vmem>> -> memref<40xi32, #tpu.memory_space<vmem>>
        %dma_start3A_208 = arith.constant 0 : i32
        %dma_start3A_209 = arith.constant 0 : i32
        %dma_start3A_210 = tpu.memref_slice %arg3[%dma_start3A_208, %dma_start3A_209] : memref<1000000x512xf32, #tpu.memory_space<hbm>> -> memref<1000000x512xf32, #tpu.memory_space<hbm>>
        tpu.enqueue_indirect_dma source(%dma_start3A_210 : memref<1000000x512xf32, #tpu.memory_space<hbm>>) target(%arg6 : memref<40x512xf32, #tpu.memory_space<vmem>>) offsets(%dma_start3A_207 : memref<40xi32, #tpu.memory_space<vmem>>) semaphore(%arg11 : memref<!tpu.dma_semaphore, #tpu.memory_space<semaphore_mem>>)
      } else {
      }
      %mul3A_120 = arith.constant 40 : i32
      %mul3A_121 = arith.muli %add3A_112, %mul3A_120 : i32
      %dma_wait3A_122 = tpu.memref_slice %arg5[%mul3A_121] : memref<6400xi32, #tpu.memory_space<vmem>> -> memref<40xi32, #tpu.memory_space<vmem>>
      %dma_wait3A_123 = arith.constant 0 : i32
      %dma_wait3A_124 = arith.constant 0 : i32
      %dma_wait3A_125 = tpu.memref_slice %arg3[%dma_wait3A_123, %dma_wait3A_124] : memref<1000000x512xf32, #tpu.memory_space<hbm>> -> memref<1000000x512xf32, #tpu.memory_space<hbm>>
      tpu.wait_indirect_dma semaphore(%arg13 : memref<!tpu.dma_semaphore, #tpu.memory_space<semaphore_mem>>) src(%dma_wait3A_125 : memref<1000000x512xf32, #tpu.memory_space<hbm>>) dst(%arg8 : memref<40x512xf32, #tpu.memory_space<vmem>>)
      %scan3A_126 = arith.constant 0 : i32
      %scan3A_127 = arith.constant 0 : i32
      %scan3A_128 = arith.constant 40 : i32
      %scan3A_129 = arith.addi %scan3A_127, %scan3A_128 : i32
      %scan3A_130 = arith.constant 1 : i32
      scf.for %scan3A_199 = %scan3A_127 to %scan3A_129 step %scan3A_130  : i32 {
        %get3A = arith.index_cast %scan3A_199 : i32 to index
        %get3A_200 = arith.constant 0 : index
        %get3A_201 = tpu.vector_load %arg8[%get3A, %get3A_200] {strides = array<i32>} : memref<40x512xf32, #tpu.memory_space<vmem>>, vector<1x16xf32>,
        %get3A_202 = vector.shape_cast %get3A_201 : vector<1x16xf32> to vector<16xf32>
        %mul3A_203 = arith.constant 22.6274166 : f32
        %mul3A_204 = vector.broadcast %mul3A_203 : f32 to vector<16xf32>
        %mul3A_205 = arith.mulf %get3A_202, %mul3A_204 : vector<16xf32>
        %swap3A = arith.index_cast %scan3A_199 : i32 to index
        %swap3A_206 = arith.constant 0 : index
        %swap3A_207 = tpu.vector_load %arg8[%swap3A, %swap3A_206] {strides = array<i32>} : memref<40x512xf32, #tpu.memory_space<vmem>>, vector<1x16xf32>,
        %swap3A_208 = vector.shape_cast %swap3A_207 : vector<1x16xf32> to vector<16xf32>
        %swap3A_209 = vector.shape_cast %mul3A_205 : vector<16xf32> to vector<1x16xf32>
        tpu.vector_store %arg8[%swap3A, %swap3A_206], %swap3A_209 {strides = array<i32>} : memref<40x512xf32, #tpu.memory_space<vmem>>, vector<1x16xf32>,
        %get3A_210 = arith.index_cast %scan3A_199 : i32 to index
        %get3A_211 = arith.constant 16 : index
        %get3A_212 = tpu.vector_load %arg8[%get3A_210, %get3A_211] {strides = array<i32>} : memref<40x512xf32, #tpu.memory_space<vmem>>, vector<1x16xf32>,
        %get3A_213 = vector.shape_cast %get3A_212 : vector<1x16xf32> to vector<16xf32>
        %mul3A_214 = arith.constant 22.6274166 : f32
        %mul3A_215 = vector.broadcast %mul3A_214 : f32 to vector<16xf32>
        %mul3A_216 = arith.mulf %get3A_213, %mul3A_215 : vector<16xf32>
        %swap3A_217 = arith.index_cast %scan3A_199 : i32 to index
        %swap3A_218 = arith.constant 16 : index
        %swap3A_219 = tpu.vector_load %arg8[%swap3A_217, %swap3A_218] {strides = array<i32>} : memref<40x512xf32, #tpu.memory_space<vmem>>, vector<1x16xf32>,
        %swap3A_220 = vector.shape_cast %swap3A_219 : vector<1x16xf32> to vector<16xf32>
        %swap3A_221 = vector.shape_cast %mul3A_216 : vector<16xf32> to vector<1x16xf32>
        tpu.vector_store %arg8[%swap3A_217, %swap3A_218], %swap3A_221 {strides = array<i32>} : memref<40x512xf32, #tpu.memory_space<vmem>>, vector<1x16xf32>,
        %get3A_222 = arith.index_cast %scan3A_199 : i32 to index
        %get3A_223 = arith.constant 32 : index
        %get3A_224 = tpu.vector_load %arg8[%get3A_222, %get3A_223] {strides = array<i32>} : memref<40x512xf32, #tpu.memory_space<vmem>>, vector<1x16xf32>,
        %get3A_225 = vector.shape_cast %get3A_224 : vector<1x16xf32> to vector<16xf32>
        %mul3A_226 = arith.constant 22.6274166 : f32
        %mul3A_227 = vector.broadcast %mul3A_226 : f32 to vector<16xf32>
        %mul3A_228 = arith.mulf %get3A_225, %mul3A_227 : vector<16xf32>
        %swap3A_229 = arith.index_cast %scan3A_199 : i32 to index
        %swap3A_230 = arith.constant 32 : index
        %swap3A_231 = tpu.vector_load %arg8[%swap3A_229, %swap3A_230] {strides = array<i32>} : memref<40x512xf32, #tpu.memory_space<vmem>>, vector<1x16xf32>,
        %swap3A_232 = vector.shape_cast %swap3A_231 : vector<1x16xf32> to vector<16xf32>
        %swap3A_233 = vector.shape_cast %mul3A_228 : vector<16xf32> to vector<1x16xf32>
        tpu.vector_store %arg8[%swap3A_229, %swap3A_230], %swap3A_233 {strides = array<i32>} : memref<40x512xf32, #tpu.memory_space<vmem>>, vector<1x16xf32>,
        %get3A_234 = arith.index_cast %scan3A_199 : i32 to index
        %get3A_235 = arith.constant 48 : index
        %get3A_236 = tpu.vector_load %arg8[%get3A_234, %get3A_235] {strides = array<i32>} : memref<40x512xf32, #tpu.memory_space<vmem>>, vector<1x16xf32>,
        %get3A_237 = vector.shape_cast %get3A_236 : vector<1x16xf32> to vector<16xf32>
        %mul3A_238 = arith.constant 22.6274166 : f32
        %mul3A_239 = vector.broadcast %mul3A_238 : f32 to vector<16xf32>
        %mul3A_240 = arith.mulf %get3A_237, %mul3A_239 : vector<16xf32>
        %swap3A_241 = arith.index_cast %scan3A_199 : i32 to index
        %swap3A_242 = arith.constant 48 : index
        %swap3A_243 = tpu.vector_load %arg8[%swap3A_241, %swap3A_242] {strides = array<i32>} : memref<40x512xf32, #tpu.memory_space<vmem>>, vector<1x16xf32>,
        %swap3A_244 = vector.shape_cast %swap3A_243 : vector<1x16xf32> to vector<16xf32>
        %swap3A_245 = vector.shape_cast %mul3A_240 : vector<16xf32> to vector<1x16xf32>
        tpu.vector_store %arg8[%swap3A_241, %swap3A_242], %swap3A_245 {strides = array<i32>} : memref<40x512xf32, #tpu.memory_space<vmem>>, vector<1x16xf32>,
        %get3A_246 = arith.index_cast %scan3A_199 : i32 to index
        %get3A_247 = arith.constant 64 : index
        %get3A_248 = tpu.vector_load %arg8[%get3A_246, %get3A_247] {strides = array<i32>} : memref<40x512xf32, #tpu.memory_space<vmem>>, vector<1x16xf32>,
        %get3A_249 = vector.shape_cast %get3A_248 : vector<1x16xf32> to vector<16xf32>
        %mul3A_250 = arith.constant 22.6274166 : f32
        %mul3A_251 = vector.broadcast %mul3A_250 : f32 to vector<16xf32>
        %mul3A_252 = arith.mulf %get3A_249, %mul3A_251 : vector<16xf32>
        %swap3A_253 = arith.index_cast %scan3A_199 : i32 to index
        %swap3A_254 = arith.constant 64 : index
        %swap3A_255 = tpu.vector_load %arg8[%swap3A_253, %swap3A_254] {strides = array<i32>} : memref<40x512xf32, #tpu.memory_space<vmem>>, vector<1x16xf32>,
        %swap3A_256 = vector.shape_cast %swap3A_255 : vector<1x16xf32> to vector<16xf32>
        %swap3A_257 = vector.shape_cast %mul3A_252 : vector<16xf32> to vector<1x16xf32>
        tpu.vector_store %arg8[%swap3A_253, %swap3A_254], %swap3A_257 {strides = array<i32>} : memref<40x512xf32, #tpu.memory_space<vmem>>, vector<1x16xf32>,
        %get3A_258 = arith.index_cast %scan3A_199 : i32 to index
        %get3A_259 = arith.constant 80 : index
        %get3A_260 = tpu.vector_load %arg8[%get3A_258, %get3A_259] {strides = array<i32>} : memref<40x512xf32, #tpu.memory_space<vmem>>, vector<1x16xf32>,
        %get3A_261 = vector.shape_cast %get3A_260 : vector<1x16xf32> to vector<16xf32>
        %mul3A_262 = arith.constant 22.6274166 : f32
        %mul3A_263 = vector.broadcast %mul3A_262 : f32 to vector<16xf32>
        %mul3A_264 = arith.mulf %get3A_261, %mul3A_263 : vector<16xf32>
        %swap3A_265 = arith.index_cast %scan3A_199 : i32 to index
        %swap3A_266 = arith.constant 80 : index
        %swap3A_267 = tpu.vector_load %arg8[%swap3A_265, %swap3A_266] {strides = array<i32>} : memref<40x512xf32, #tpu.memory_space<vmem>>, vector<1x16xf32>,
        %swap3A_268 = vector.shape_cast %swap3A_267 : vector<1x16xf32> to vector<16xf32>
        %swap3A_269 = vector.shape_cast %mul3A_264 : vector<16xf32> to vector<1x16xf32>
        tpu.vector_store %arg8[%swap3A_265, %swap3A_266], %swap3A_269 {strides = array<i32>} : memref<40x512xf32, #tpu.memory_space<vmem>>, vector<1x16xf32>,
        %get3A_270 = arith.index_cast %scan3A_199 : i32 to index
        %get3A_271 = arith.constant 96 : index
        %get3A_272 = tpu.vector_load %arg8[%get3A_270, %get3A_271] {strides = array<i32>} : memref<40x512xf32, #tpu.memory_space<vmem>>, vector<1x16xf32>,
        %get3A_273 = vector.shape_cast %get3A_272 : vector<1x16xf32> to vector<16xf32>
        %mul3A_274 = arith.constant 22.6274166 : f32
        %mul3A_275 = vector.broadcast %mul3A_274 : f32 to vector<16xf32>
        %mul3A_276 = arith.mulf %get3A_273, %mul3A_275 : vector<16xf32>
        %swap3A_277 = arith.index_cast %scan3A_199 : i32 to index
        %swap3A_278 = arith.constant 96 : index
        %swap3A_279 = tpu.vector_load %arg8[%swap3A_277, %swap3A_278] {strides = array<i32>} : memref<40x512xf32, #tpu.memory_space<vmem>>, vector<1x16xf32>,
        %swap3A_280 = vector.shape_cast %swap3A_279 : vector<1x16xf32> to vector<16xf32>
        %swap3A_281 = vector.shape_cast %mul3A_276 : vector<16xf32> to vector<1x16xf32>
        tpu.vector_store %arg8[%swap3A_277, %swap3A_278], %swap3A_281 {strides = array<i32>} : memref<40x512xf32, #tpu.memory_space<vmem>>, vector<1x16xf32>,
        %get3A_282 = arith.index_cast %scan3A_199 : i32 to index
        %get3A_283 = arith.constant 112 : index
        %get3A_284 = tpu.vector_load %arg8[%get3A_282, %get3A_283] {strides = array<i32>} : memref<40x512xf32, #tpu.memory_space<vmem>>, vector<1x16xf32>,
        %get3A_285 = vector.shape_cast %get3A_284 : vector<1x16xf32> to vector<16xf32>
        %mul3A_286 = arith.constant 22.6274166 : f32
        %mul3A_287 = vector.broadcast %mul3A_286 : f32 to vector<16xf32>
        %mul3A_288 = arith.mulf %get3A_285, %mul3A_287 : vector<16xf32>
        %swap3A_289 = arith.index_cast %scan3A_199 : i32 to index
        %swap3A_290 = arith.constant 112 : index
        %swap3A_291 = tpu.vector_load %arg8[%swap3A_289, %swap3A_290] {strides = array<i32>} : memref<40x512xf32, #tpu.memory_space<vmem>>, vector<1x16xf32>,
        %swap3A_292 = vector.shape_cast %swap3A_291 : vector<1x16xf32> to vector<16xf32>
        %swap3A_293 = vector.shape_cast %mul3A_288 : vector<16xf32> to vector<1x16xf32>
        tpu.vector_store %arg8[%swap3A_289, %swap3A_290], %swap3A_293 {strides = array<i32>} : memref<40x512xf32, #tpu.memory_space<vmem>>, vector<1x16xf32>,
        %get3A_294 = arith.index_cast %scan3A_199 : i32 to index
        %get3A_295 = arith.constant 128 : index
        %get3A_296 = tpu.vector_load %arg8[%get3A_294, %get3A_295] {strides = array<i32>} : memref<40x512xf32, #tpu.memory_space<vmem>>, vector<1x16xf32>,
        %get3A_297 = vector.shape_cast %get3A_296 : vector<1x16xf32> to vector<16xf32>
        %mul3A_298 = arith.constant 22.6274166 : f32
        %mul3A_299 = vector.broadcast %mul3A_298 : f32 to vector<16xf32>
        %mul3A_300 = arith.mulf %get3A_297, %mul3A_299 : vector<16xf32>
        %swap3A_301 = arith.index_cast %scan3A_199 : i32 to index
        %swap3A_302 = arith.constant 128 : index
        %swap3A_303 = tpu.vector_load %arg8[%swap3A_301, %swap3A_302] {strides = array<i32>} : memref<40x512xf32, #tpu.memory_space<vmem>>, vector<1x16xf32>,
        %swap3A_304 = vector.shape_cast %swap3A_303 : vector<1x16xf32> to vector<16xf32>
        %swap3A_305 = vector.shape_cast %mul3A_300 : vector<16xf32> to vector<1x16xf32>
        tpu.vector_store %arg8[%swap3A_301, %swap3A_302], %swap3A_305 {strides = array<i32>} : memref<40x512xf32, #tpu.memory_space<vmem>>, vector<1x16xf32>,
        %get3A_306 = arith.index_cast %scan3A_199 : i32 to index
        %get3A_307 = arith.constant 144 : index
        %get3A_308 = tpu.vector_load %arg8[%get3A_306, %get3A_307] {strides = array<i32>} : memref<40x512xf32, #tpu.memory_space<vmem>>, vector<1x16xf32>,
        %get3A_309 = vector.shape_cast %get3A_308 : vector<1x16xf32> to vector<16xf32>
        %mul3A_310 = arith.constant 22.6274166 : f32
        %mul3A_311 = vector.broadcast %mul3A_310 : f32 to vector<16xf32>
        %mul3A_312 = arith.mulf %get3A_309, %mul3A_311 : vector<16xf32>
        %swap3A_313 = arith.index_cast %scan3A_199 : i32 to index
        %swap3A_314 = arith.constant 144 : index
        %swap3A_315 = tpu.vector_load %arg8[%swap3A_313, %swap3A_314] {strides = array<i32>} : memref<40x512xf32, #tpu.memory_space<vmem>>, vector<1x16xf32>,
        %swap3A_316 = vector.shape_cast %swap3A_315 : vector<1x16xf32> to vector<16xf32>
        %swap3A_317 = vector.shape_cast %mul3A_312 : vector<16xf32> to vector<1x16xf32>
        tpu.vector_store %arg8[%swap3A_313, %swap3A_314], %swap3A_317 {strides = array<i32>} : memref<40x512xf32, #tpu.memory_space<vmem>>, vector<1x16xf32>,
        %get3A_318 = arith.index_cast %scan3A_199 : i32 to index
        %get3A_319 = arith.constant 160 : index
        %get3A_320 = tpu.vector_load %arg8[%get3A_318, %get3A_319] {strides = array<i32>} : memref<40x512xf32, #tpu.memory_space<vmem>>, vector<1x16xf32>,
        %get3A_321 = vector.shape_cast %get3A_320 : vector<1x16xf32> to vector<16xf32>
        %mul3A_322 = arith.constant 22.6274166 : f32
        %mul3A_323 = vector.broadcast %mul3A_322 : f32 to vector<16xf32>
        %mul3A_324 = arith.mulf %get3A_321, %mul3A_323 : vector<16xf32>
        %swap3A_325 = arith.index_cast %scan3A_199 : i32 to index
        %swap3A_326 = arith.constant 160 : index
        %swap3A_327 = tpu.vector_load %arg8[%swap3A_325, %swap3A_326] {strides = array<i32>} : memref<40x512xf32, #tpu.memory_space<vmem>>, vector<1x16xf32>,
        %swap3A_328 = vector.shape_cast %swap3A_327 : vector<1x16xf32> to vector<16xf32>
        %swap3A_329 = vector.shape_cast %mul3A_324 : vector<16xf32> to vector<1x16xf32>
        tpu.vector_store %arg8[%swap3A_325, %swap3A_326], %swap3A_329 {strides = array<i32>} : memref<40x512xf32, #tpu.memory_space<vmem>>, vector<1x16xf32>,
        %get3A_330 = arith.index_cast %scan3A_199 : i32 to index
        %get3A_331 = arith.constant 176 : index
        %get3A_332 = tpu.vector_load %arg8[%get3A_330, %get3A_331] {strides = array<i32>} : memref<40x512xf32, #tpu.memory_space<vmem>>, vector<1x16xf32>,
        %get3A_333 = vector.shape_cast %get3A_332 : vector<1x16xf32> to vector<16xf32>
        %mul3A_334 = arith.constant 22.6274166 : f32
        %mul3A_335 = vector.broadcast %mul3A_334 : f32 to vector<16xf32>
        %mul3A_336 = arith.mulf %get3A_333, %mul3A_335 : vector<16xf32>
        %swap3A_337 = arith.index_cast %scan3A_199 : i32 to index
        %swap3A_338 = arith.constant 176 : index
        %swap3A_339 = tpu.vector_load %arg8[%swap3A_337, %swap3A_338] {strides = array<i32>} : memref<40x512xf32, #tpu.memory_space<vmem>>, vector<1x16xf32>,
        %swap3A_340 = vector.shape_cast %swap3A_339 : vector<1x16xf32> to vector<16xf32>
        %swap3A_341 = vector.shape_cast %mul3A_336 : vector<16xf32> to vector<1x16xf32>
        tpu.vector_store %arg8[%swap3A_337, %swap3A_338], %swap3A_341 {strides = array<i32>} : memref<40x512xf32, #tpu.memory_space<vmem>>, vector<1x16xf32>,
        %get3A_342 = arith.index_cast %scan3A_199 : i32 to index
        %get3A_343 = arith.constant 192 : index
        %get3A_344 = tpu.vector_load %arg8[%get3A_342, %get3A_343] {strides = array<i32>} : memref<40x512xf32, #tpu.memory_space<vmem>>, vector<1x16xf32>,
        %get3A_345 = vector.shape_cast %get3A_344 : vector<1x16xf32> to vector<16xf32>
        %mul3A_346 = arith.constant 22.6274166 : f32
        %mul3A_347 = vector.broadcast %mul3A_346 : f32 to vector<16xf32>
        %mul3A_348 = arith.mulf %get3A_345, %mul3A_347 : vector<16xf32>
        %swap3A_349 = arith.index_cast %scan3A_199 : i32 to index
        %swap3A_350 = arith.constant 192 : index
        %swap3A_351 = tpu.vector_load %arg8[%swap3A_349, %swap3A_350] {strides = array<i32>} : memref<40x512xf32, #tpu.memory_space<vmem>>, vector<1x16xf32>,
        %swap3A_352 = vector.shape_cast %swap3A_351 : vector<1x16xf32> to vector<16xf32>
        %swap3A_353 = vector.shape_cast %mul3A_348 : vector<16xf32> to vector<1x16xf32>
        tpu.vector_store %arg8[%swap3A_349, %swap3A_350], %swap3A_353 {strides = array<i32>} : memref<40x512xf32, #tpu.memory_space<vmem>>, vector<1x16xf32>,
        %get3A_354 = arith.index_cast %scan3A_199 : i32 to index
        %get3A_355 = arith.constant 208 : index
        %get3A_356 = tpu.vector_load %arg8[%get3A_354, %get3A_355] {strides = array<i32>} : memref<40x512xf32, #tpu.memory_space<vmem>>, vector<1x16xf32>,
        %get3A_357 = vector.shape_cast %get3A_356 : vector<1x16xf32> to vector<16xf32>
        %mul3A_358 = arith.constant 22.6274166 : f32
        %mul3A_359 = vector.broadcast %mul3A_358 : f32 to vector<16xf32>
        %mul3A_360 = arith.mulf %get3A_357, %mul3A_359 : vector<16xf32>
        %swap3A_361 = arith.index_cast %scan3A_199 : i32 to index
        %swap3A_362 = arith.constant 208 : index
        %swap3A_363 = tpu.vector_load %arg8[%swap3A_361, %swap3A_362] {strides = array<i32>} : memref<40x512xf32, #tpu.memory_space<vmem>>, vector<1x16xf32>,
        %swap3A_364 = vector.shape_cast %swap3A_363 : vector<1x16xf32> to vector<16xf32>
        %swap3A_365 = vector.shape_cast %mul3A_360 : vector<16xf32> to vector<1x16xf32>
        tpu.vector_store %arg8[%swap3A_361, %swap3A_362], %swap3A_365 {strides = array<i32>} : memref<40x512xf32, #tpu.memory_space<vmem>>, vector<1x16xf32>,
        %get3A_366 = arith.index_cast %scan3A_199 : i32 to index
        %get3A_367 = arith.constant 224 : index
        %get3A_368 = tpu.vector_load %arg8[%get3A_366, %get3A_367] {strides = array<i32>} : memref<40x512xf32, #tpu.memory_space<vmem>>, vector<1x16xf32>,
        %get3A_369 = vector.shape_cast %get3A_368 : vector<1x16xf32> to vector<16xf32>
        %mul3A_370 = arith.constant 22.6274166 : f32
        %mul3A_371 = vector.broadcast %mul3A_370 : f32 to vector<16xf32>
        %mul3A_372 = arith.mulf %get3A_369, %mul3A_371 : vector<16xf32>
        %swap3A_373 = arith.index_cast %scan3A_199 : i32 to index
        %swap3A_374 = arith.constant 224 : index
        %swap3A_375 = tpu.vector_load %arg8[%swap3A_373, %swap3A_374] {strides = array<i32>} : memref<40x512xf32, #tpu.memory_space<vmem>>, vector<1x16xf32>,
        %swap3A_376 = vector.shape_cast %swap3A_375 : vector<1x16xf32> to vector<16xf32>
        %swap3A_377 = vector.shape_cast %mul3A_372 : vector<16xf32> to vector<1x16xf32>
        tpu.vector_store %arg8[%swap3A_373, %swap3A_374], %swap3A_377 {strides = array<i32>} : memref<40x512xf32, #tpu.memory_space<vmem>>, vector<1x16xf32>,
        %get3A_378 = arith.index_cast %scan3A_199 : i32 to index
        %get3A_379 = arith.constant 240 : index
        %get3A_380 = tpu.vector_load %arg8[%get3A_378, %get3A_379] {strides = array<i32>} : memref<40x512xf32, #tpu.memory_space<vmem>>, vector<1x16xf32>,
        %get3A_381 = vector.shape_cast %get3A_380 : vector<1x16xf32> to vector<16xf32>
        %mul3A_382 = arith.constant 22.6274166 : f32
        %mul3A_383 = vector.broadcast %mul3A_382 : f32 to vector<16xf32>
        %mul3A_384 = arith.mulf %get3A_381, %mul3A_383 : vector<16xf32>
        %swap3A_385 = arith.index_cast %scan3A_199 : i32 to index
        %swap3A_386 = arith.constant 240 : index
        %swap3A_387 = tpu.vector_load %arg8[%swap3A_385, %swap3A_386] {strides = array<i32>} : memref<40x512xf32, #tpu.memory_space<vmem>>, vector<1x16xf32>,
        %swap3A_388 = vector.shape_cast %swap3A_387 : vector<1x16xf32> to vector<16xf32>
        %swap3A_389 = vector.shape_cast %mul3A_384 : vector<16xf32> to vector<1x16xf32>
        tpu.vector_store %arg8[%swap3A_385, %swap3A_386], %swap3A_389 {strides = array<i32>} : memref<40x512xf32, #tpu.memory_space<vmem>>, vector<1x16xf32>,
        %get3A_390 = arith.index_cast %scan3A_199 : i32 to index
        %get3A_391 = arith.constant 256 : index
        %get3A_392 = tpu.vector_load %arg8[%get3A_390, %get3A_391] {strides = array<i32>} : memref<40x512xf32, #tpu.memory_space<vmem>>, vector<1x16xf32>,
        %get3A_393 = vector.shape_cast %get3A_392 : vector<1x16xf32> to vector<16xf32>
        %mul3A_394 = arith.constant 22.6274166 : f32
        %mul3A_395 = vector.broadcast %mul3A_394 : f32 to vector<16xf32>
        %mul3A_396 = arith.mulf %get3A_393, %mul3A_395 : vector<16xf32>
        %swap3A_397 = arith.index_cast %scan3A_199 : i32 to index
        %swap3A_398 = arith.constant 256 : index
        %swap3A_399 = tpu.vector_load %arg8[%swap3A_397, %swap3A_398] {strides = array<i32>} : memref<40x512xf32, #tpu.memory_space<vmem>>, vector<1x16xf32>,
        %swap3A_400 = vector.shape_cast %swap3A_399 : vector<1x16xf32> to vector<16xf32>
        %swap3A_401 = vector.shape_cast %mul3A_396 : vector<16xf32> to vector<1x16xf32>
        tpu.vector_store %arg8[%swap3A_397, %swap3A_398], %swap3A_401 {strides = array<i32>} : memref<40x512xf32, #tpu.memory_space<vmem>>, vector<1x16xf32>,
        %get3A_402 = arith.index_cast %scan3A_199 : i32 to index
        %get3A_403 = arith.constant 272 : index
        %get3A_404 = tpu.vector_load %arg8[%get3A_402, %get3A_403] {strides = array<i32>} : memref<40x512xf32, #tpu.memory_space<vmem>>, vector<1x16xf32>,
        %get3A_405 = vector.shape_cast %get3A_404 : vector<1x16xf32> to vector<16xf32>
        %mul3A_406 = arith.constant 22.6274166 : f32
        %mul3A_407 = vector.broadcast %mul3A_406 : f32 to vector<16xf32>
        %mul3A_408 = arith.mulf %get3A_405, %mul3A_407 : vector<16xf32>
        %swap3A_409 = arith.index_cast %scan3A_199 : i32 to index
        %swap3A_410 = arith.constant 272 : index
        %swap3A_411 = tpu.vector_load %arg8[%swap3A_409, %swap3A_410] {strides = array<i32>} : memref<40x512xf32, #tpu.memory_space<vmem>>, vector<1x16xf32>,
        %swap3A_412 = vector.shape_cast %swap3A_411 : vector<1x16xf32> to vector<16xf32>
        %swap3A_413 = vector.shape_cast %mul3A_408 : vector<16xf32> to vector<1x16xf32>
        tpu.vector_store %arg8[%swap3A_409, %swap3A_410], %swap3A_413 {strides = array<i32>} : memref<40x512xf32, #tpu.memory_space<vmem>>, vector<1x16xf32>,
        %get3A_414 = arith.index_cast %scan3A_199 : i32 to index
        %get3A_415 = arith.constant 288 : index
        %get3A_416 = tpu.vector_load %arg8[%get3A_414, %get3A_415] {strides = array<i32>} : memref<40x512xf32, #tpu.memory_space<vmem>>, vector<1x16xf32>,
        %get3A_417 = vector.shape_cast %get3A_416 : vector<1x16xf32> to vector<16xf32>
        %mul3A_418 = arith.constant 22.6274166 : f32
        %mul3A_419 = vector.broadcast %mul3A_418 : f32 to vector<16xf32>
        %mul3A_420 = arith.mulf %get3A_417, %mul3A_419 : vector<16xf32>
        %swap3A_421 = arith.index_cast %scan3A_199 : i32 to index
        %swap3A_422 = arith.constant 288 : index
        %swap3A_423 = tpu.vector_load %arg8[%swap3A_421, %swap3A_422] {strides = array<i32>} : memref<40x512xf32, #tpu.memory_space<vmem>>, vector<1x16xf32>,
        %swap3A_424 = vector.shape_cast %swap3A_423 : vector<1x16xf32> to vector<16xf32>
        %swap3A_425 = vector.shape_cast %mul3A_420 : vector<16xf32> to vector<1x16xf32>
        tpu.vector_store %arg8[%swap3A_421, %swap3A_422], %swap3A_425 {strides = array<i32>} : memref<40x512xf32, #tpu.memory_space<vmem>>, vector<1x16xf32>,
        %get3A_426 = arith.index_cast %scan3A_199 : i32 to index
        %get3A_427 = arith.constant 304 : index
        %get3A_428 = tpu.vector_load %arg8[%get3A_426, %get3A_427] {strides = array<i32>} : memref<40x512xf32, #tpu.memory_space<vmem>>, vector<1x16xf32>,
        %get3A_429 = vector.shape_cast %get3A_428 : vector<1x16xf32> to vector<16xf32>
        %mul3A_430 = arith.constant 22.6274166 : f32
        %mul3A_431 = vector.broadcast %mul3A_430 : f32 to vector<16xf32>
        %mul3A_432 = arith.mulf %get3A_429, %mul3A_431 : vector<16xf32>
        %swap3A_433 = arith.index_cast %scan3A_199 : i32 to index
        %swap3A_434 = arith.constant 304 : index
        %swap3A_435 = tpu.vector_load %arg8[%swap3A_433, %swap3A_434] {strides = array<i32>} : memref<40x512xf32, #tpu.memory_space<vmem>>, vector<1x16xf32>,
        %swap3A_436 = vector.shape_cast %swap3A_435 : vector<1x16xf32> to vector<16xf32>
        %swap3A_437 = vector.shape_cast %mul3A_432 : vector<16xf32> to vector<1x16xf32>
        tpu.vector_store %arg8[%swap3A_433, %swap3A_434], %swap3A_437 {strides = array<i32>} : memref<40x512xf32, #tpu.memory_space<vmem>>, vector<1x16xf32>,
        %get3A_438 = arith.index_cast %scan3A_199 : i32 to index
        %get3A_439 = arith.constant 320 : index
        %get3A_440 = tpu.vector_load %arg8[%get3A_438, %get3A_439] {strides = array<i32>} : memref<40x512xf32, #tpu.memory_space<vmem>>, vector<1x16xf32>,
        %get3A_441 = vector.shape_cast %get3A_440 : vector<1x16xf32> to vector<16xf32>
        %mul3A_442 = arith.constant 22.6274166 : f32
        %mul3A_443 = vector.broadcast %mul3A_442 : f32 to vector<16xf32>
        %mul3A_444 = arith.mulf %get3A_441, %mul3A_443 : vector<16xf32>
        %swap3A_445 = arith.index_cast %scan3A_199 : i32 to index
        %swap3A_446 = arith.constant 320 : index
        %swap3A_447 = tpu.vector_load %arg8[%swap3A_445, %swap3A_446] {strides = array<i32>} : memref<40x512xf32, #tpu.memory_space<vmem>>, vector<1x16xf32>,
        %swap3A_448 = vector.shape_cast %swap3A_447 : vector<1x16xf32> to vector<16xf32>
        %swap3A_449 = vector.shape_cast %mul3A_444 : vector<16xf32> to vector<1x16xf32>
        tpu.vector_store %arg8[%swap3A_445, %swap3A_446], %swap3A_449 {strides = array<i32>} : memref<40x512xf32, #tpu.memory_space<vmem>>, vector<1x16xf32>,
        %get3A_450 = arith.index_cast %scan3A_199 : i32 to index
        %get3A_451 = arith.constant 336 : index
        %get3A_452 = tpu.vector_load %arg8[%get3A_450, %get3A_451] {strides = array<i32>} : memref<40x512xf32, #tpu.memory_space<vmem>>, vector<1x16xf32>,
        %get3A_453 = vector.shape_cast %get3A_452 : vector<1x16xf32> to vector<16xf32>
        %mul3A_454 = arith.constant 22.6274166 : f32
        %mul3A_455 = vector.broadcast %mul3A_454 : f32 to vector<16xf32>
        %mul3A_456 = arith.mulf %get3A_453, %mul3A_455 : vector<16xf32>
        %swap3A_457 = arith.index_cast %scan3A_199 : i32 to index
        %swap3A_458 = arith.constant 336 : index
        %swap3A_459 = tpu.vector_load %arg8[%swap3A_457, %swap3A_458] {strides = array<i32>} : memref<40x512xf32, #tpu.memory_space<vmem>>, vector<1x16xf32>,
        %swap3A_460 = vector.shape_cast %swap3A_459 : vector<1x16xf32> to vector<16xf32>
        %swap3A_461 = vector.shape_cast %mul3A_456 : vector<16xf32> to vector<1x16xf32>
        tpu.vector_store %arg8[%swap3A_457, %swap3A_458], %swap3A_461 {strides = array<i32>} : memref<40x512xf32, #tpu.memory_space<vmem>>, vector<1x16xf32>,
        %get3A_462 = arith.index_cast %scan3A_199 : i32 to index
        %get3A_463 = arith.constant 352 : index
        %get3A_464 = tpu.vector_load %arg8[%get3A_462, %get3A_463] {strides = array<i32>} : memref<40x512xf32, #tpu.memory_space<vmem>>, vector<1x16xf32>,
        %get3A_465 = vector.shape_cast %get3A_464 : vector<1x16xf32> to vector<16xf32>
        %mul3A_466 = arith.constant 22.6274166 : f32
        %mul3A_467 = vector.broadcast %mul3A_466 : f32 to vector<16xf32>
        %mul3A_468 = arith.mulf %get3A_465, %mul3A_467 : vector<16xf32>
        %swap3A_469 = arith.index_cast %scan3A_199 : i32 to index
        %swap3A_470 = arith.constant 352 : index
        %swap3A_471 = tpu.vector_load %arg8[%swap3A_469, %swap3A_470] {strides = array<i32>} : memref<40x512xf32, #tpu.memory_space<vmem>>, vector<1x16xf32>,
        %swap3A_472 = vector.shape_cast %swap3A_471 : vector<1x16xf32> to vector<16xf32>
        %swap3A_473 = vector.shape_cast %mul3A_468 : vector<16xf32> to vector<1x16xf32>
        tpu.vector_store %arg8[%swap3A_469, %swap3A_470], %swap3A_473 {strides = array<i32>} : memref<40x512xf32, #tpu.memory_space<vmem>>, vector<1x16xf32>,
        %get3A_474 = arith.index_cast %scan3A_199 : i32 to index
        %get3A_475 = arith.constant 368 : index
        %get3A_476 = tpu.vector_load %arg8[%get3A_474, %get3A_475] {strides = array<i32>} : memref<40x512xf32, #tpu.memory_space<vmem>>, vector<1x16xf32>,
        %get3A_477 = vector.shape_cast %get3A_476 : vector<1x16xf32> to vector<16xf32>
        %mul3A_478 = arith.constant 22.6274166 : f32
        %mul3A_479 = vector.broadcast %mul3A_478 : f32 to vector<16xf32>
        %mul3A_480 = arith.mulf %get3A_477, %mul3A_479 : vector<16xf32>
        %swap3A_481 = arith.index_cast %scan3A_199 : i32 to index
        %swap3A_482 = arith.constant 368 : index
        %swap3A_483 = tpu.vector_load %arg8[%swap3A_481, %swap3A_482] {strides = array<i32>} : memref<40x512xf32, #tpu.memory_space<vmem>>, vector<1x16xf32>,
        %swap3A_484 = vector.shape_cast %swap3A_483 : vector<1x16xf32> to vector<16xf32>
        %swap3A_485 = vector.shape_cast %mul3A_480 : vector<16xf32> to vector<1x16xf32>
        tpu.vector_store %arg8[%swap3A_481, %swap3A_482], %swap3A_485 {strides = array<i32>} : memref<40x512xf32, #tpu.memory_space<vmem>>, vector<1x16xf32>,
        %get3A_486 = arith.index_cast %scan3A_199 : i32 to index
        %get3A_487 = arith.constant 384 : index
        %get3A_488 = tpu.vector_load %arg8[%get3A_486, %get3A_487] {strides = array<i32>} : memref<40x512xf32, #tpu.memory_space<vmem>>, vector<1x16xf32>,
        %get3A_489 = vector.shape_cast %get3A_488 : vector<1x16xf32> to vector<16xf32>
        %mul3A_490 = arith.constant 22.6274166 : f32
        %mul3A_491 = vector.broadcast %mul3A_490 : f32 to vector<16xf32>
        %mul3A_492 = arith.mulf %get3A_489, %mul3A_491 : vector<16xf32>
        %swap3A_493 = arith.index_cast %scan3A_199 : i32 to index
        %swap3A_494 = arith.constant 384 : index
        %swap3A_495 = tpu.vector_load %arg8[%swap3A_493, %swap3A_494] {strides = array<i32>} : memref<40x512xf32, #tpu.memory_space<vmem>>, vector<1x16xf32>,
        %swap3A_496 = vector.shape_cast %swap3A_495 : vector<1x16xf32> to vector<16xf32>
        %swap3A_497 = vector.shape_cast %mul3A_492 : vector<16xf32> to vector<1x16xf32>
        tpu.vector_store %arg8[%swap3A_493, %swap3A_494], %swap3A_497 {strides = array<i32>} : memref<40x512xf32, #tpu.memory_space<vmem>>, vector<1x16xf32>,
        %get3A_498 = arith.index_cast %scan3A_199 : i32 to index
        %get3A_499 = arith.constant 400 : index
        %get3A_500 = tpu.vector_load %arg8[%get3A_498, %get3A_499] {strides = array<i32>} : memref<40x512xf32, #tpu.memory_space<vmem>>, vector<1x16xf32>,
        %get3A_501 = vector.shape_cast %get3A_500 : vector<1x16xf32> to vector<16xf32>
        %mul3A_502 = arith.constant 22.6274166 : f32
        %mul3A_503 = vector.broadcast %mul3A_502 : f32 to vector<16xf32>
        %mul3A_504 = arith.mulf %get3A_501, %mul3A_503 : vector<16xf32>
        %swap3A_505 = arith.index_cast %scan3A_199 : i32 to index
        %swap3A_506 = arith.constant 400 : index
        %swap3A_507 = tpu.vector_load %arg8[%swap3A_505, %swap3A_506] {strides = array<i32>} : memref<40x512xf32, #tpu.memory_space<vmem>>, vector<1x16xf32>,
        %swap3A_508 = vector.shape_cast %swap3A_507 : vector<1x16xf32> to vector<16xf32>
        %swap3A_509 = vector.shape_cast %mul3A_504 : vector<16xf32> to vector<1x16xf32>
        tpu.vector_store %arg8[%swap3A_505, %swap3A_506], %swap3A_509 {strides = array<i32>} : memref<40x512xf32, #tpu.memory_space<vmem>>, vector<1x16xf32>,
        %get3A_510 = arith.index_cast %scan3A_199 : i32 to index
        %get3A_511 = arith.constant 416 : index
        %get3A_512 = tpu.vector_load %arg8[%get3A_510, %get3A_511] {strides = array<i32>} : memref<40x512xf32, #tpu.memory_space<vmem>>, vector<1x16xf32>,
        %get3A_513 = vector.shape_cast %get3A_512 : vector<1x16xf32> to vector<16xf32>
        %mul3A_514 = arith.constant 22.6274166 : f32
        %mul3A_515 = vector.broadcast %mul3A_514 : f32 to vector<16xf32>
        %mul3A_516 = arith.mulf %get3A_513, %mul3A_515 : vector<16xf32>
        %swap3A_517 = arith.index_cast %scan3A_199 : i32 to index
        %swap3A_518 = arith.constant 416 : index
        %swap3A_519 = tpu.vector_load %arg8[%swap3A_517, %swap3A_518] {strides = array<i32>} : memref<40x512xf32, #tpu.memory_space<vmem>>, vector<1x16xf32>,
        %swap3A_520 = vector.shape_cast %swap3A_519 : vector<1x16xf32> to vector<16xf32>
        %swap3A_521 = vector.shape_cast %mul3A_516 : vector<16xf32> to vector<1x16xf32>
        tpu.vector_store %arg8[%swap3A_517, %swap3A_518], %swap3A_521 {strides = array<i32>} : memref<40x512xf32, #tpu.memory_space<vmem>>, vector<1x16xf32>,
        %get3A_522 = arith.index_cast %scan3A_199 : i32 to index
        %get3A_523 = arith.constant 432 : index
        %get3A_524 = tpu.vector_load %arg8[%get3A_522, %get3A_523] {strides = array<i32>} : memref<40x512xf32, #tpu.memory_space<vmem>>, vector<1x16xf32>,
        %get3A_525 = vector.shape_cast %get3A_524 : vector<1x16xf32> to vector<16xf32>
        %mul3A_526 = arith.constant 22.6274166 : f32
        %mul3A_527 = vector.broadcast %mul3A_526 : f32 to vector<16xf32>
        %mul3A_528 = arith.mulf %get3A_525, %mul3A_527 : vector<16xf32>
        %swap3A_529 = arith.index_cast %scan3A_199 : i32 to index
        %swap3A_530 = arith.constant 432 : index
        %swap3A_531 = tpu.vector_load %arg8[%swap3A_529, %swap3A_530] {strides = array<i32>} : memref<40x512xf32, #tpu.memory_space<vmem>>, vector<1x16xf32>,
        %swap3A_532 = vector.shape_cast %swap3A_531 : vector<1x16xf32> to vector<16xf32>
        %swap3A_533 = vector.shape_cast %mul3A_528 : vector<16xf32> to vector<1x16xf32>
        tpu.vector_store %arg8[%swap3A_529, %swap3A_530], %swap3A_533 {strides = array<i32>} : memref<40x512xf32, #tpu.memory_space<vmem>>, vector<1x16xf32>,
        %get3A_534 = arith.index_cast %scan3A_199 : i32 to index
        %get3A_535 = arith.constant 448 : index
        %get3A_536 = tpu.vector_load %arg8[%get3A_534, %get3A_535] {strides = array<i32>} : memref<40x512xf32, #tpu.memory_space<vmem>>, vector<1x16xf32>,
        %get3A_537 = vector.shape_cast %get3A_536 : vector<1x16xf32> to vector<16xf32>
        %mul3A_538 = arith.constant 22.6274166 : f32
        %mul3A_539 = vector.broadcast %mul3A_538 : f32 to vector<16xf32>
        %mul3A_540 = arith.mulf %get3A_537, %mul3A_539 : vector<16xf32>
        %swap3A_541 = arith.index_cast %scan3A_199 : i32 to index
        %swap3A_542 = arith.constant 448 : index
        %swap3A_543 = tpu.vector_load %arg8[%swap3A_541, %swap3A_542] {strides = array<i32>} : memref<40x512xf32, #tpu.memory_space<vmem>>, vector<1x16xf32>,
        %swap3A_544 = vector.shape_cast %swap3A_543 : vector<1x16xf32> to vector<16xf32>
        %swap3A_545 = vector.shape_cast %mul3A_540 : vector<16xf32> to vector<1x16xf32>
        tpu.vector_store %arg8[%swap3A_541, %swap3A_542], %swap3A_545 {strides = array<i32>} : memref<40x512xf32, #tpu.memory_space<vmem>>, vector<1x16xf32>,
        %get3A_546 = arith.index_cast %scan3A_199 : i32 to index
        %get3A_547 = arith.constant 464 : index
        %get3A_548 = tpu.vector_load %arg8[%get3A_546, %get3A_547] {strides = array<i32>} : memref<40x512xf32, #tpu.memory_space<vmem>>, vector<1x16xf32>,
        %get3A_549 = vector.shape_cast %get3A_548 : vector<1x16xf32> to vector<16xf32>
        %mul3A_550 = arith.constant 22.6274166 : f32
        %mul3A_551 = vector.broadcast %mul3A_550 : f32 to vector<16xf32>
        %mul3A_552 = arith.mulf %get3A_549, %mul3A_551 : vector<16xf32>
        %swap3A_553 = arith.index_cast %scan3A_199 : i32 to index
        %swap3A_554 = arith.constant 464 : index
        %swap3A_555 = tpu.vector_load %arg8[%swap3A_553, %swap3A_554] {strides = array<i32>} : memref<40x512xf32, #tpu.memory_space<vmem>>, vector<1x16xf32>,
        %swap3A_556 = vector.shape_cast %swap3A_555 : vector<1x16xf32> to vector<16xf32>
        %swap3A_557 = vector.shape_cast %mul3A_552 : vector<16xf32> to vector<1x16xf32>
        tpu.vector_store %arg8[%swap3A_553, %swap3A_554], %swap3A_557 {strides = array<i32>} : memref<40x512xf32, #tpu.memory_space<vmem>>, vector<1x16xf32>,
        %get3A_558 = arith.index_cast %scan3A_199 : i32 to index
        %get3A_559 = arith.constant 480 : index
        %get3A_560 = tpu.vector_load %arg8[%get3A_558, %get3A_559] {strides = array<i32>} : memref<40x512xf32, #tpu.memory_space<vmem>>, vector<1x16xf32>,
        %get3A_561 = vector.shape_cast %get3A_560 : vector<1x16xf32> to vector<16xf32>
        %mul3A_562 = arith.constant 22.6274166 : f32
        %mul3A_563 = vector.broadcast %mul3A_562 : f32 to vector<16xf32>
        %mul3A_564 = arith.mulf %get3A_561, %mul3A_563 : vector<16xf32>
        %swap3A_565 = arith.index_cast %scan3A_199 : i32 to index
        %swap3A_566 = arith.constant 480 : index
        %swap3A_567 = tpu.vector_load %arg8[%swap3A_565, %swap3A_566] {strides = array<i32>} : memref<40x512xf32, #tpu.memory_space<vmem>>, vector<1x16xf32>,
        %swap3A_568 = vector.shape_cast %swap3A_567 : vector<1x16xf32> to vector<16xf32>
        %swap3A_569 = vector.shape_cast %mul3A_564 : vector<16xf32> to vector<1x16xf32>
        tpu.vector_store %arg8[%swap3A_565, %swap3A_566], %swap3A_569 {strides = array<i32>} : memref<40x512xf32, #tpu.memory_space<vmem>>, vector<1x16xf32>,
        %get3A_570 = arith.index_cast %scan3A_199 : i32 to index
        %get3A_571 = arith.constant 496 : index
        %get3A_572 = tpu.vector_load %arg8[%get3A_570, %get3A_571] {strides = array<i32>} : memref<40x512xf32, #tpu.memory_space<vmem>>, vector<1x16xf32>,
        %get3A_573 = vector.shape_cast %get3A_572 : vector<1x16xf32> to vector<16xf32>
        %mul3A_574 = arith.constant 22.6274166 : f32
        %mul3A_575 = vector.broadcast %mul3A_574 : f32 to vector<16xf32>
        %mul3A_576 = arith.mulf %get3A_573, %mul3A_575 : vector<16xf32>
        %swap3A_577 = arith.index_cast %scan3A_199 : i32 to index
        %swap3A_578 = arith.constant 496 : index
        %swap3A_579 = tpu.vector_load %arg8[%swap3A_577, %swap3A_578] {strides = array<i32>} : memref<40x512xf32, #tpu.memory_space<vmem>>, vector<1x16xf32>,
        %swap3A_580 = vector.shape_cast %swap3A_579 : vector<1x16xf32> to vector<16xf32>
        %swap3A_581 = vector.shape_cast %mul3A_576 : vector<16xf32> to vector<1x16xf32>
        tpu.vector_store %arg8[%swap3A_577, %swap3A_578], %swap3A_581 {strides = array<i32>} : memref<40x512xf32, #tpu.memory_space<vmem>>, vector<1x16xf32>,
      }
      %scan3A_131 = arith.constant 40 : i32
      %mul3A_132 = arith.constant 40 : i32
      %mul3A_133 = arith.muli %add3A_112, %mul3A_132 : i32
      %add3A_134 = arith.addi %mul3A_2, %mul3A_133 : i32
      %dma_start3A_135 = arith.constant 0 : i32
      %dma_start3A_136 = tpu.memref_slice %arg4[%add3A_134, %dma_start3A_135] : memref<204800x512xf32, #tpu.memory_space<hbm>> -> memref<40x512xf32, #tpu.memory_space<hbm>>
      %dma_start3A_137 = arith.constant 0 : i32
      %dma_start3A_138 = tpu.memref_slice %arg4[%add3A_134, %dma_start3A_137] : memref<204800x512xf32, #tpu.memory_space<hbm>> -> memref<40x512xf32, #tpu.memory_space<hbm>>
      tpu.enqueue_dma source(%arg8 : memref<40x512xf32, #tpu.memory_space<vmem>>) target(%dma_start3A_138 : memref<40x512xf32, #tpu.memory_space<hbm>>) target_semaphore(%arg18 : memref<!tpu.dma_semaphore, #tpu.memory_space<semaphore_mem>>)
      %mul3A_139 = arith.constant 5 : i32
      %mul3A_140 = arith.muli %scan3A_51, %mul3A_139 : i32
      %add3A_141 = arith.constant 3 : i32
      %add3A_142 = arith.addi %mul3A_140, %add3A_141 : i32
      %add3A_143 = arith.constant 3 : i32
      %add3A_144 = arith.addi %add3A_142, %add3A_143 : i32
      %lt3A_145 = arith.constant 160 : i32
      %lt3A_146 = arith.cmpi slt, %add3A_144, %lt3A_145 : i32
      %convert_element_type3A_147 = arith.extui %lt3A_146 : i1 to i32
      %cond3A_148 = arith.constant 0 : i32
      %cond3A_149 = arith.cmpi ne, %convert_element_type3A_147, %cond3A_148 : i32
      scf.if %cond3A_149 {
        %ge3A = arith.constant 2 : i32
        %ge3A_199 = arith.cmpi sge, %add3A_142, %ge3A : i32
        %convert_element_type3A_200 = arith.extui %ge3A_199 : i1 to i32
        %cond3A_201 = arith.constant 0 : i32
        %cond3A_202 = arith.cmpi ne, %convert_element_type3A_200, %cond3A_201 : i32
        scf.if %cond3A_202 {
          %mul3A_211 = arith.constant 40 : i32
          %mul3A_212 = arith.muli %add3A_142, %mul3A_211 : i32
          %add3A_213 = arith.addi %mul3A_2, %mul3A_212 : i32
          %dma_wait3A_214 = arith.constant 0 : i32
          %dma_wait3A_215 = tpu.memref_slice %arg4[%add3A_213, %dma_wait3A_214] : memref<204800x512xf32, #tpu.memory_space<hbm>> -> memref<40x512xf32, #tpu.memory_space<hbm>>
          %dma_wait3A_216 = arith.constant 0 : i32
          %dma_wait3A_217 = tpu.memref_slice %arg4[%add3A_213, %dma_wait3A_216] : memref<204800x512xf32, #tpu.memory_space<hbm>> -> memref<40x512xf32, #tpu.memory_space<hbm>>
          tpu.wait_dma2 semaphore(%arg17 : memref<!tpu.dma_semaphore, #tpu.memory_space<semaphore_mem>>) src(%arg7 : memref<40x512xf32, #tpu.memory_space<vmem>>) dst(%dma_wait3A_217 : memref<40x512xf32, #tpu.memory_space<hbm>>)
        } else {
        }
        %add3A_203 = arith.constant 3 : i32
        %add3A_204 = arith.addi %add3A_142, %add3A_203 : i32
        %mul3A_205 = arith.constant 40 : i32
        %mul3A_206 = arith.muli %add3A_204, %mul3A_205 : i32
        %dma_start3A_207 = tpu.memref_slice %arg5[%mul3A_206] : memref<6400xi32, #tpu.memory_space<vmem>> -> memref<40xi32, #tpu.memory_space<vmem>>
        %dma_start3A_208 = arith.constant 0 : i32
        %dma_start3A_209 = arith.constant 0 : i32
        %dma_start3A_210 = tpu.memref_slice %arg3[%dma_start3A_208, %dma_start3A_209] : memref<1000000x512xf32, #tpu.memory_space<hbm>> -> memref<1000000x512xf32, #tpu.memory_space<hbm>>
        tpu.enqueue_indirect_dma source(%dma_start3A_210 : memref<1000000x512xf32, #tpu.memory_space<hbm>>) target(%arg7 : memref<40x512xf32, #tpu.memory_space<vmem>>) offsets(%dma_start3A_207 : memref<40xi32, #tpu.memory_space<vmem>>) semaphore(%arg12 : memref<!tpu.dma_semaphore, #tpu.memory_space<semaphore_mem>>)
      } else {
      }
      %mul3A_150 = arith.constant 40 : i32
      %mul3A_151 = arith.muli %add3A_142, %mul3A_150 : i32
      %dma_wait3A_152 = tpu.memref_slice %arg5[%mul3A_151] : memref<6400xi32, #tpu.memory_space<vmem>> -> memref<40xi32, #tpu.memory_space<vmem>>
      %dma_wait3A_153 = arith.constant 0 : i32
      %dma_wait3A_154 = arith.constant 0 : i32
      %dma_wait3A_155 = tpu.memref_slice %arg3[%dma_wait3A_153, %dma_wait3A_154] : memref<1000000x512xf32, #tpu.memory_space<hbm>> -> memref<1000000x512xf32, #tpu.memory_space<hbm>>
      tpu.wait_indirect_dma semaphore(%arg14 : memref<!tpu.dma_semaphore, #tpu.memory_space<semaphore_mem>>) src(%dma_wait3A_155 : memref<1000000x512xf32, #tpu.memory_space<hbm>>) dst(%arg9 : memref<40x512xf32, #tpu.memory_space<vmem>>)
      %scan3A_156 = arith.constant 0 : i32
      %scan3A_157 = arith.constant 0 : i32
      %scan3A_158 = arith.constant 40 : i32
      %scan3A_159 = arith.addi %scan3A_157, %scan3A_158 : i32
      %scan3A_160 = arith.constant 1 : i32
      scf.for %scan3A_199 = %scan3A_157 to %scan3A_159 step %scan3A_160  : i32 {
        %get3A = arith.index_cast %scan3A_199 : i32 to index
        %get3A_200 = arith.constant 0 : index
        %get3A_201 = tpu.vector_load %arg9[%get3A, %get3A_200] {strides = array<i32>} : memref<40x512xf32, #tpu.memory_space<vmem>>, vector<1x16xf32>,
        %get3A_202 = vector.shape_cast %get3A_201 : vector<1x16xf32> to vector<16xf32>
        %mul3A_203 = arith.constant 22.6274166 : f32
        %mul3A_204 = vector.broadcast %mul3A_203 : f32 to vector<16xf32>
        %mul3A_205 = arith.mulf %get3A_202, %mul3A_204 : vector<16xf32>
        %swap3A = arith.index_cast %scan3A_199 : i32 to index
        %swap3A_206 = arith.constant 0 : index
        %swap3A_207 = tpu.vector_load %arg9[%swap3A, %swap3A_206] {strides = array<i32>} : memref<40x512xf32, #tpu.memory_space<vmem>>, vector<1x16xf32>,
        %swap3A_208 = vector.shape_cast %swap3A_207 : vector<1x16xf32> to vector<16xf32>
        %swap3A_209 = vector.shape_cast %mul3A_205 : vector<16xf32> to vector<1x16xf32>
        tpu.vector_store %arg9[%swap3A, %swap3A_206], %swap3A_209 {strides = array<i32>} : memref<40x512xf32, #tpu.memory_space<vmem>>, vector<1x16xf32>,
        %get3A_210 = arith.index_cast %scan3A_199 : i32 to index
        %get3A_211 = arith.constant 16 : index
        %get3A_212 = tpu.vector_load %arg9[%get3A_210, %get3A_211] {strides = array<i32>} : memref<40x512xf32, #tpu.memory_space<vmem>>, vector<1x16xf32>,
        %get3A_213 = vector.shape_cast %get3A_212 : vector<1x16xf32> to vector<16xf32>
        %mul3A_214 = arith.constant 22.6274166 : f32
        %mul3A_215 = vector.broadcast %mul3A_214 : f32 to vector<16xf32>
        %mul3A_216 = arith.mulf %get3A_213, %mul3A_215 : vector<16xf32>
        %swap3A_217 = arith.index_cast %scan3A_199 : i32 to index
        %swap3A_218 = arith.constant 16 : index
        %swap3A_219 = tpu.vector_load %arg9[%swap3A_217, %swap3A_218] {strides = array<i32>} : memref<40x512xf32, #tpu.memory_space<vmem>>, vector<1x16xf32>,
        %swap3A_220 = vector.shape_cast %swap3A_219 : vector<1x16xf32> to vector<16xf32>
        %swap3A_221 = vector.shape_cast %mul3A_216 : vector<16xf32> to vector<1x16xf32>
        tpu.vector_store %arg9[%swap3A_217, %swap3A_218], %swap3A_221 {strides = array<i32>} : memref<40x512xf32, #tpu.memory_space<vmem>>, vector<1x16xf32>,
        %get3A_222 = arith.index_cast %scan3A_199 : i32 to index
        %get3A_223 = arith.constant 32 : index
        %get3A_224 = tpu.vector_load %arg9[%get3A_222, %get3A_223] {strides = array<i32>} : memref<40x512xf32, #tpu.memory_space<vmem>>, vector<1x16xf32>,
        %get3A_225 = vector.shape_cast %get3A_224 : vector<1x16xf32> to vector<16xf32>
        %mul3A_226 = arith.constant 22.6274166 : f32
        %mul3A_227 = vector.broadcast %mul3A_226 : f32 to vector<16xf32>
        %mul3A_228 = arith.mulf %get3A_225, %mul3A_227 : vector<16xf32>
        %swap3A_229 = arith.index_cast %scan3A_199 : i32 to index
        %swap3A_230 = arith.constant 32 : index
        %swap3A_231 = tpu.vector_load %arg9[%swap3A_229, %swap3A_230] {strides = array<i32>} : memref<40x512xf32, #tpu.memory_space<vmem>>, vector<1x16xf32>,
        %swap3A_232 = vector.shape_cast %swap3A_231 : vector<1x16xf32> to vector<16xf32>
        %swap3A_233 = vector.shape_cast %mul3A_228 : vector<16xf32> to vector<1x16xf32>
        tpu.vector_store %arg9[%swap3A_229, %swap3A_230], %swap3A_233 {strides = array<i32>} : memref<40x512xf32, #tpu.memory_space<vmem>>, vector<1x16xf32>,
        %get3A_234 = arith.index_cast %scan3A_199 : i32 to index
        %get3A_235 = arith.constant 48 : index
        %get3A_236 = tpu.vector_load %arg9[%get3A_234, %get3A_235] {strides = array<i32>} : memref<40x512xf32, #tpu.memory_space<vmem>>, vector<1x16xf32>,
        %get3A_237 = vector.shape_cast %get3A_236 : vector<1x16xf32> to vector<16xf32>
        %mul3A_238 = arith.constant 22.6274166 : f32
        %mul3A_239 = vector.broadcast %mul3A_238 : f32 to vector<16xf32>
        %mul3A_240 = arith.mulf %get3A_237, %mul3A_239 : vector<16xf32>
        %swap3A_241 = arith.index_cast %scan3A_199 : i32 to index
        %swap3A_242 = arith.constant 48 : index
        %swap3A_243 = tpu.vector_load %arg9[%swap3A_241, %swap3A_242] {strides = array<i32>} : memref<40x512xf32, #tpu.memory_space<vmem>>, vector<1x16xf32>,
        %swap3A_244 = vector.shape_cast %swap3A_243 : vector<1x16xf32> to vector<16xf32>
        %swap3A_245 = vector.shape_cast %mul3A_240 : vector<16xf32> to vector<1x16xf32>
        tpu.vector_store %arg9[%swap3A_241, %swap3A_242], %swap3A_245 {strides = array<i32>} : memref<40x512xf32, #tpu.memory_space<vmem>>, vector<1x16xf32>,
        %get3A_246 = arith.index_cast %scan3A_199 : i32 to index
        %get3A_247 = arith.constant 64 : index
        %get3A_248 = tpu.vector_load %arg9[%get3A_246, %get3A_247] {strides = array<i32>} : memref<40x512xf32, #tpu.memory_space<vmem>>, vector<1x16xf32>,
        %get3A_249 = vector.shape_cast %get3A_248 : vector<1x16xf32> to vector<16xf32>
        %mul3A_250 = arith.constant 22.6274166 : f32
        %mul3A_251 = vector.broadcast %mul3A_250 : f32 to vector<16xf32>
        %mul3A_252 = arith.mulf %get3A_249, %mul3A_251 : vector<16xf32>
        %swap3A_253 = arith.index_cast %scan3A_199 : i32 to index
        %swap3A_254 = arith.constant 64 : index
        %swap3A_255 = tpu.vector_load %arg9[%swap3A_253, %swap3A_254] {strides = array<i32>} : memref<40x512xf32, #tpu.memory_space<vmem>>, vector<1x16xf32>,
        %swap3A_256 = vector.shape_cast %swap3A_255 : vector<1x16xf32> to vector<16xf32>
        %swap3A_257 = vector.shape_cast %mul3A_252 : vector<16xf32> to vector<1x16xf32>
        tpu.vector_store %arg9[%swap3A_253, %swap3A_254], %swap3A_257 {strides = array<i32>} : memref<40x512xf32, #tpu.memory_space<vmem>>, vector<1x16xf32>,
        %get3A_258 = arith.index_cast %scan3A_199 : i32 to index
        %get3A_259 = arith.constant 80 : index
        %get3A_260 = tpu.vector_load %arg9[%get3A_258, %get3A_259] {strides = array<i32>} : memref<40x512xf32, #tpu.memory_space<vmem>>, vector<1x16xf32>,
        %get3A_261 = vector.shape_cast %get3A_260 : vector<1x16xf32> to vector<16xf32>
        %mul3A_262 = arith.constant 22.6274166 : f32
        %mul3A_263 = vector.broadcast %mul3A_262 : f32 to vector<16xf32>
        %mul3A_264 = arith.mulf %get3A_261, %mul3A_263 : vector<16xf32>
        %swap3A_265 = arith.index_cast %scan3A_199 : i32 to index
        %swap3A_266 = arith.constant 80 : index
        %swap3A_267 = tpu.vector_load %arg9[%swap3A_265, %swap3A_266] {strides = array<i32>} : memref<40x512xf32, #tpu.memory_space<vmem>>, vector<1x16xf32>,
        %swap3A_268 = vector.shape_cast %swap3A_267 : vector<1x16xf32> to vector<16xf32>
        %swap3A_269 = vector.shape_cast %mul3A_264 : vector<16xf32> to vector<1x16xf32>
        tpu.vector_store %arg9[%swap3A_265, %swap3A_266], %swap3A_269 {strides = array<i32>} : memref<40x512xf32, #tpu.memory_space<vmem>>, vector<1x16xf32>,
        %get3A_270 = arith.index_cast %scan3A_199 : i32 to index
        %get3A_271 = arith.constant 96 : index
        %get3A_272 = tpu.vector_load %arg9[%get3A_270, %get3A_271] {strides = array<i32>} : memref<40x512xf32, #tpu.memory_space<vmem>>, vector<1x16xf32>,
        %get3A_273 = vector.shape_cast %get3A_272 : vector<1x16xf32> to vector<16xf32>
        %mul3A_274 = arith.constant 22.6274166 : f32
        %mul3A_275 = vector.broadcast %mul3A_274 : f32 to vector<16xf32>
        %mul3A_276 = arith.mulf %get3A_273, %mul3A_275 : vector<16xf32>
        %swap3A_277 = arith.index_cast %scan3A_199 : i32 to index
        %swap3A_278 = arith.constant 96 : index
        %swap3A_279 = tpu.vector_load %arg9[%swap3A_277, %swap3A_278] {strides = array<i32>} : memref<40x512xf32, #tpu.memory_space<vmem>>, vector<1x16xf32>,
        %swap3A_280 = vector.shape_cast %swap3A_279 : vector<1x16xf32> to vector<16xf32>
        %swap3A_281 = vector.shape_cast %mul3A_276 : vector<16xf32> to vector<1x16xf32>
        tpu.vector_store %arg9[%swap3A_277, %swap3A_278], %swap3A_281 {strides = array<i32>} : memref<40x512xf32, #tpu.memory_space<vmem>>, vector<1x16xf32>,
        %get3A_282 = arith.index_cast %scan3A_199 : i32 to index
        %get3A_283 = arith.constant 112 : index
        %get3A_284 = tpu.vector_load %arg9[%get3A_282, %get3A_283] {strides = array<i32>} : memref<40x512xf32, #tpu.memory_space<vmem>>, vector<1x16xf32>,
        %get3A_285 = vector.shape_cast %get3A_284 : vector<1x16xf32> to vector<16xf32>
        %mul3A_286 = arith.constant 22.6274166 : f32
        %mul3A_287 = vector.broadcast %mul3A_286 : f32 to vector<16xf32>
        %mul3A_288 = arith.mulf %get3A_285, %mul3A_287 : vector<16xf32>
        %swap3A_289 = arith.index_cast %scan3A_199 : i32 to index
        %swap3A_290 = arith.constant 112 : index
        %swap3A_291 = tpu.vector_load %arg9[%swap3A_289, %swap3A_290] {strides = array<i32>} : memref<40x512xf32, #tpu.memory_space<vmem>>, vector<1x16xf32>,
        %swap3A_292 = vector.shape_cast %swap3A_291 : vector<1x16xf32> to vector<16xf32>
        %swap3A_293 = vector.shape_cast %mul3A_288 : vector<16xf32> to vector<1x16xf32>
        tpu.vector_store %arg9[%swap3A_289, %swap3A_290], %swap3A_293 {strides = array<i32>} : memref<40x512xf32, #tpu.memory_space<vmem>>, vector<1x16xf32>,
        %get3A_294 = arith.index_cast %scan3A_199 : i32 to index
        %get3A_295 = arith.constant 128 : index
        %get3A_296 = tpu.vector_load %arg9[%get3A_294, %get3A_295] {strides = array<i32>} : memref<40x512xf32, #tpu.memory_space<vmem>>, vector<1x16xf32>,
        %get3A_297 = vector.shape_cast %get3A_296 : vector<1x16xf32> to vector<16xf32>
        %mul3A_298 = arith.constant 22.6274166 : f32
        %mul3A_299 = vector.broadcast %mul3A_298 : f32 to vector<16xf32>
        %mul3A_300 = arith.mulf %get3A_297, %mul3A_299 : vector<16xf32>
        %swap3A_301 = arith.index_cast %scan3A_199 : i32 to index
        %swap3A_302 = arith.constant 128 : index
        %swap3A_303 = tpu.vector_load %arg9[%swap3A_301, %swap3A_302] {strides = array<i32>} : memref<40x512xf32, #tpu.memory_space<vmem>>, vector<1x16xf32>,
        %swap3A_304 = vector.shape_cast %swap3A_303 : vector<1x16xf32> to vector<16xf32>
        %swap3A_305 = vector.shape_cast %mul3A_300 : vector<16xf32> to vector<1x16xf32>
        tpu.vector_store %arg9[%swap3A_301, %swap3A_302], %swap3A_305 {strides = array<i32>} : memref<40x512xf32, #tpu.memory_space<vmem>>, vector<1x16xf32>,
        %get3A_306 = arith.index_cast %scan3A_199 : i32 to index
        %get3A_307 = arith.constant 144 : index
        %get3A_308 = tpu.vector_load %arg9[%get3A_306, %get3A_307] {strides = array<i32>} : memref<40x512xf32, #tpu.memory_space<vmem>>, vector<1x16xf32>,
        %get3A_309 = vector.shape_cast %get3A_308 : vector<1x16xf32> to vector<16xf32>
        %mul3A_310 = arith.constant 22.6274166 : f32
        %mul3A_311 = vector.broadcast %mul3A_310 : f32 to vector<16xf32>
        %mul3A_312 = arith.mulf %get3A_309, %mul3A_311 : vector<16xf32>
        %swap3A_313 = arith.index_cast %scan3A_199 : i32 to index
        %swap3A_314 = arith.constant 144 : index
        %swap3A_315 = tpu.vector_load %arg9[%swap3A_313, %swap3A_314] {strides = array<i32>} : memref<40x512xf32, #tpu.memory_space<vmem>>, vector<1x16xf32>,
        %swap3A_316 = vector.shape_cast %swap3A_315 : vector<1x16xf32> to vector<16xf32>
        %swap3A_317 = vector.shape_cast %mul3A_312 : vector<16xf32> to vector<1x16xf32>
        tpu.vector_store %arg9[%swap3A_313, %swap3A_314], %swap3A_317 {strides = array<i32>} : memref<40x512xf32, #tpu.memory_space<vmem>>, vector<1x16xf32>,
        %get3A_318 = arith.index_cast %scan3A_199 : i32 to index
        %get3A_319 = arith.constant 160 : index
        %get3A_320 = tpu.vector_load %arg9[%get3A_318, %get3A_319] {strides = array<i32>} : memref<40x512xf32, #tpu.memory_space<vmem>>, vector<1x16xf32>,
        %get3A_321 = vector.shape_cast %get3A_320 : vector<1x16xf32> to vector<16xf32>
        %mul3A_322 = arith.constant 22.6274166 : f32
        %mul3A_323 = vector.broadcast %mul3A_322 : f32 to vector<16xf32>
        %mul3A_324 = arith.mulf %get3A_321, %mul3A_323 : vector<16xf32>
        %swap3A_325 = arith.index_cast %scan3A_199 : i32 to index
        %swap3A_326 = arith.constant 160 : index
        %swap3A_327 = tpu.vector_load %arg9[%swap3A_325, %swap3A_326] {strides = array<i32>} : memref<40x512xf32, #tpu.memory_space<vmem>>, vector<1x16xf32>,
        %swap3A_328 = vector.shape_cast %swap3A_327 : vector<1x16xf32> to vector<16xf32>
        %swap3A_329 = vector.shape_cast %mul3A_324 : vector<16xf32> to vector<1x16xf32>
        tpu.vector_store %arg9[%swap3A_325, %swap3A_326], %swap3A_329 {strides = array<i32>} : memref<40x512xf32, #tpu.memory_space<vmem>>, vector<1x16xf32>,
        %get3A_330 = arith.index_cast %scan3A_199 : i32 to index
        %get3A_331 = arith.constant 176 : index
        %get3A_332 = tpu.vector_load %arg9[%get3A_330, %get3A_331] {strides = array<i32>} : memref<40x512xf32, #tpu.memory_space<vmem>>, vector<1x16xf32>,
        %get3A_333 = vector.shape_cast %get3A_332 : vector<1x16xf32> to vector<16xf32>
        %mul3A_334 = arith.constant 22.6274166 : f32
        %mul3A_335 = vector.broadcast %mul3A_334 : f32 to vector<16xf32>
        %mul3A_336 = arith.mulf %get3A_333, %mul3A_335 : vector<16xf32>
        %swap3A_337 = arith.index_cast %scan3A_199 : i32 to index
        %swap3A_338 = arith.constant 176 : index
        %swap3A_339 = tpu.vector_load %arg9[%swap3A_337, %swap3A_338] {strides = array<i32>} : memref<40x512xf32, #tpu.memory_space<vmem>>, vector<1x16xf32>,
        %swap3A_340 = vector.shape_cast %swap3A_339 : vector<1x16xf32> to vector<16xf32>
        %swap3A_341 = vector.shape_cast %mul3A_336 : vector<16xf32> to vector<1x16xf32>
        tpu.vector_store %arg9[%swap3A_337, %swap3A_338], %swap3A_341 {strides = array<i32>} : memref<40x512xf32, #tpu.memory_space<vmem>>, vector<1x16xf32>,
        %get3A_342 = arith.index_cast %scan3A_199 : i32 to index
        %get3A_343 = arith.constant 192 : index
        %get3A_344 = tpu.vector_load %arg9[%get3A_342, %get3A_343] {strides = array<i32>} : memref<40x512xf32, #tpu.memory_space<vmem>>, vector<1x16xf32>,
        %get3A_345 = vector.shape_cast %get3A_344 : vector<1x16xf32> to vector<16xf32>
        %mul3A_346 = arith.constant 22.6274166 : f32
        %mul3A_347 = vector.broadcast %mul3A_346 : f32 to vector<16xf32>
        %mul3A_348 = arith.mulf %get3A_345, %mul3A_347 : vector<16xf32>
        %swap3A_349 = arith.index_cast %scan3A_199 : i32 to index
        %swap3A_350 = arith.constant 192 : index
        %swap3A_351 = tpu.vector_load %arg9[%swap3A_349, %swap3A_350] {strides = array<i32>} : memref<40x512xf32, #tpu.memory_space<vmem>>, vector<1x16xf32>,
        %swap3A_352 = vector.shape_cast %swap3A_351 : vector<1x16xf32> to vector<16xf32>
        %swap3A_353 = vector.shape_cast %mul3A_348 : vector<16xf32> to vector<1x16xf32>
        tpu.vector_store %arg9[%swap3A_349, %swap3A_350], %swap3A_353 {strides = array<i32>} : memref<40x512xf32, #tpu.memory_space<vmem>>, vector<1x16xf32>,
        %get3A_354 = arith.index_cast %scan3A_199 : i32 to index
        %get3A_355 = arith.constant 208 : index
        %get3A_356 = tpu.vector_load %arg9[%get3A_354, %get3A_355] {strides = array<i32>} : memref<40x512xf32, #tpu.memory_space<vmem>>, vector<1x16xf32>,
        %get3A_357 = vector.shape_cast %get3A_356 : vector<1x16xf32> to vector<16xf32>
        %mul3A_358 = arith.constant 22.6274166 : f32
        %mul3A_359 = vector.broadcast %mul3A_358 : f32 to vector<16xf32>
        %mul3A_360 = arith.mulf %get3A_357, %mul3A_359 : vector<16xf32>
        %swap3A_361 = arith.index_cast %scan3A_199 : i32 to index
        %swap3A_362 = arith.constant 208 : index
        %swap3A_363 = tpu.vector_load %arg9[%swap3A_361, %swap3A_362] {strides = array<i32>} : memref<40x512xf32, #tpu.memory_space<vmem>>, vector<1x16xf32>,
        %swap3A_364 = vector.shape_cast %swap3A_363 : vector<1x16xf32> to vector<16xf32>
        %swap3A_365 = vector.shape_cast %mul3A_360 : vector<16xf32> to vector<1x16xf32>
        tpu.vector_store %arg9[%swap3A_361, %swap3A_362], %swap3A_365 {strides = array<i32>} : memref<40x512xf32, #tpu.memory_space<vmem>>, vector<1x16xf32>,
        %get3A_366 = arith.index_cast %scan3A_199 : i32 to index
        %get3A_367 = arith.constant 224 : index
        %get3A_368 = tpu.vector_load %arg9[%get3A_366, %get3A_367] {strides = array<i32>} : memref<40x512xf32, #tpu.memory_space<vmem>>, vector<1x16xf32>,
        %get3A_369 = vector.shape_cast %get3A_368 : vector<1x16xf32> to vector<16xf32>
        %mul3A_370 = arith.constant 22.6274166 : f32
        %mul3A_371 = vector.broadcast %mul3A_370 : f32 to vector<16xf32>
        %mul3A_372 = arith.mulf %get3A_369, %mul3A_371 : vector<16xf32>
        %swap3A_373 = arith.index_cast %scan3A_199 : i32 to index
        %swap3A_374 = arith.constant 224 : index
        %swap3A_375 = tpu.vector_load %arg9[%swap3A_373, %swap3A_374] {strides = array<i32>} : memref<40x512xf32, #tpu.memory_space<vmem>>, vector<1x16xf32>,
        %swap3A_376 = vector.shape_cast %swap3A_375 : vector<1x16xf32> to vector<16xf32>
        %swap3A_377 = vector.shape_cast %mul3A_372 : vector<16xf32> to vector<1x16xf32>
        tpu.vector_store %arg9[%swap3A_373, %swap3A_374], %swap3A_377 {strides = array<i32>} : memref<40x512xf32, #tpu.memory_space<vmem>>, vector<1x16xf32>,
        %get3A_378 = arith.index_cast %scan3A_199 : i32 to index
        %get3A_379 = arith.constant 240 : index
        %get3A_380 = tpu.vector_load %arg9[%get3A_378, %get3A_379] {strides = array<i32>} : memref<40x512xf32, #tpu.memory_space<vmem>>, vector<1x16xf32>,
        %get3A_381 = vector.shape_cast %get3A_380 : vector<1x16xf32> to vector<16xf32>
        %mul3A_382 = arith.constant 22.6274166 : f32
        %mul3A_383 = vector.broadcast %mul3A_382 : f32 to vector<16xf32>
        %mul3A_384 = arith.mulf %get3A_381, %mul3A_383 : vector<16xf32>
        %swap3A_385 = arith.index_cast %scan3A_199 : i32 to index
        %swap3A_386 = arith.constant 240 : index
        %swap3A_387 = tpu.vector_load %arg9[%swap3A_385, %swap3A_386] {strides = array<i32>} : memref<40x512xf32, #tpu.memory_space<vmem>>, vector<1x16xf32>,
        %swap3A_388 = vector.shape_cast %swap3A_387 : vector<1x16xf32> to vector<16xf32>
        %swap3A_389 = vector.shape_cast %mul3A_384 : vector<16xf32> to vector<1x16xf32>
        tpu.vector_store %arg9[%swap3A_385, %swap3A_386], %swap3A_389 {strides = array<i32>} : memref<40x512xf32, #tpu.memory_space<vmem>>, vector<1x16xf32>,
        %get3A_390 = arith.index_cast %scan3A_199 : i32 to index
        %get3A_391 = arith.constant 256 : index
        %get3A_392 = tpu.vector_load %arg9[%get3A_390, %get3A_391] {strides = array<i32>} : memref<40x512xf32, #tpu.memory_space<vmem>>, vector<1x16xf32>,
        %get3A_393 = vector.shape_cast %get3A_392 : vector<1x16xf32> to vector<16xf32>
        %mul3A_394 = arith.constant 22.6274166 : f32
        %mul3A_395 = vector.broadcast %mul3A_394 : f32 to vector<16xf32>
        %mul3A_396 = arith.mulf %get3A_393, %mul3A_395 : vector<16xf32>
        %swap3A_397 = arith.index_cast %scan3A_199 : i32 to index
        %swap3A_398 = arith.constant 256 : index
        %swap3A_399 = tpu.vector_load %arg9[%swap3A_397, %swap3A_398] {strides = array<i32>} : memref<40x512xf32, #tpu.memory_space<vmem>>, vector<1x16xf32>,
        %swap3A_400 = vector.shape_cast %swap3A_399 : vector<1x16xf32> to vector<16xf32>
        %swap3A_401 = vector.shape_cast %mul3A_396 : vector<16xf32> to vector<1x16xf32>
        tpu.vector_store %arg9[%swap3A_397, %swap3A_398], %swap3A_401 {strides = array<i32>} : memref<40x512xf32, #tpu.memory_space<vmem>>, vector<1x16xf32>,
        %get3A_402 = arith.index_cast %scan3A_199 : i32 to index
        %get3A_403 = arith.constant 272 : index
        %get3A_404 = tpu.vector_load %arg9[%get3A_402, %get3A_403] {strides = array<i32>} : memref<40x512xf32, #tpu.memory_space<vmem>>, vector<1x16xf32>,
        %get3A_405 = vector.shape_cast %get3A_404 : vector<1x16xf32> to vector<16xf32>
        %mul3A_406 = arith.constant 22.6274166 : f32
        %mul3A_407 = vector.broadcast %mul3A_406 : f32 to vector<16xf32>
        %mul3A_408 = arith.mulf %get3A_405, %mul3A_407 : vector<16xf32>
        %swap3A_409 = arith.index_cast %scan3A_199 : i32 to index
        %swap3A_410 = arith.constant 272 : index
        %swap3A_411 = tpu.vector_load %arg9[%swap3A_409, %swap3A_410] {strides = array<i32>} : memref<40x512xf32, #tpu.memory_space<vmem>>, vector<1x16xf32>,
        %swap3A_412 = vector.shape_cast %swap3A_411 : vector<1x16xf32> to vector<16xf32>
        %swap3A_413 = vector.shape_cast %mul3A_408 : vector<16xf32> to vector<1x16xf32>
        tpu.vector_store %arg9[%swap3A_409, %swap3A_410], %swap3A_413 {strides = array<i32>} : memref<40x512xf32, #tpu.memory_space<vmem>>, vector<1x16xf32>,
        %get3A_414 = arith.index_cast %scan3A_199 : i32 to index
        %get3A_415 = arith.constant 288 : index
        %get3A_416 = tpu.vector_load %arg9[%get3A_414, %get3A_415] {strides = array<i32>} : memref<40x512xf32, #tpu.memory_space<vmem>>, vector<1x16xf32>,
        %get3A_417 = vector.shape_cast %get3A_416 : vector<1x16xf32> to vector<16xf32>
        %mul3A_418 = arith.constant 22.6274166 : f32
        %mul3A_419 = vector.broadcast %mul3A_418 : f32 to vector<16xf32>
        %mul3A_420 = arith.mulf %get3A_417, %mul3A_419 : vector<16xf32>
        %swap3A_421 = arith.index_cast %scan3A_199 : i32 to index
        %swap3A_422 = arith.constant 288 : index
        %swap3A_423 = tpu.vector_load %arg9[%swap3A_421, %swap3A_422] {strides = array<i32>} : memref<40x512xf32, #tpu.memory_space<vmem>>, vector<1x16xf32>,
        %swap3A_424 = vector.shape_cast %swap3A_423 : vector<1x16xf32> to vector<16xf32>
        %swap3A_425 = vector.shape_cast %mul3A_420 : vector<16xf32> to vector<1x16xf32>
        tpu.vector_store %arg9[%swap3A_421, %swap3A_422], %swap3A_425 {strides = array<i32>} : memref<40x512xf32, #tpu.memory_space<vmem>>, vector<1x16xf32>,
        %get3A_426 = arith.index_cast %scan3A_199 : i32 to index
        %get3A_427 = arith.constant 304 : index
        %get3A_428 = tpu.vector_load %arg9[%get3A_426, %get3A_427] {strides = array<i32>} : memref<40x512xf32, #tpu.memory_space<vmem>>, vector<1x16xf32>,
        %get3A_429 = vector.shape_cast %get3A_428 : vector<1x16xf32> to vector<16xf32>
        %mul3A_430 = arith.constant 22.6274166 : f32
        %mul3A_431 = vector.broadcast %mul3A_430 : f32 to vector<16xf32>
        %mul3A_432 = arith.mulf %get3A_429, %mul3A_431 : vector<16xf32>
        %swap3A_433 = arith.index_cast %scan3A_199 : i32 to index
        %swap3A_434 = arith.constant 304 : index
        %swap3A_435 = tpu.vector_load %arg9[%swap3A_433, %swap3A_434] {strides = array<i32>} : memref<40x512xf32, #tpu.memory_space<vmem>>, vector<1x16xf32>,
        %swap3A_436 = vector.shape_cast %swap3A_435 : vector<1x16xf32> to vector<16xf32>
        %swap3A_437 = vector.shape_cast %mul3A_432 : vector<16xf32> to vector<1x16xf32>
        tpu.vector_store %arg9[%swap3A_433, %swap3A_434], %swap3A_437 {strides = array<i32>} : memref<40x512xf32, #tpu.memory_space<vmem>>, vector<1x16xf32>,
        %get3A_438 = arith.index_cast %scan3A_199 : i32 to index
        %get3A_439 = arith.constant 320 : index
        %get3A_440 = tpu.vector_load %arg9[%get3A_438, %get3A_439] {strides = array<i32>} : memref<40x512xf32, #tpu.memory_space<vmem>>, vector<1x16xf32>,
        %get3A_441 = vector.shape_cast %get3A_440 : vector<1x16xf32> to vector<16xf32>
        %mul3A_442 = arith.constant 22.6274166 : f32
        %mul3A_443 = vector.broadcast %mul3A_442 : f32 to vector<16xf32>
        %mul3A_444 = arith.mulf %get3A_441, %mul3A_443 : vector<16xf32>
        %swap3A_445 = arith.index_cast %scan3A_199 : i32 to index
        %swap3A_446 = arith.constant 320 : index
        %swap3A_447 = tpu.vector_load %arg9[%swap3A_445, %swap3A_446] {strides = array<i32>} : memref<40x512xf32, #tpu.memory_space<vmem>>, vector<1x16xf32>,
        %swap3A_448 = vector.shape_cast %swap3A_447 : vector<1x16xf32> to vector<16xf32>
        %swap3A_449 = vector.shape_cast %mul3A_444 : vector<16xf32> to vector<1x16xf32>
        tpu.vector_store %arg9[%swap3A_445, %swap3A_446], %swap3A_449 {strides = array<i32>} : memref<40x512xf32, #tpu.memory_space<vmem>>, vector<1x16xf32>,
        %get3A_450 = arith.index_cast %scan3A_199 : i32 to index
        %get3A_451 = arith.constant 336 : index
        %get3A_452 = tpu.vector_load %arg9[%get3A_450, %get3A_451] {strides = array<i32>} : memref<40x512xf32, #tpu.memory_space<vmem>>, vector<1x16xf32>,
        %get3A_453 = vector.shape_cast %get3A_452 : vector<1x16xf32> to vector<16xf32>
        %mul3A_454 = arith.constant 22.6274166 : f32
        %mul3A_455 = vector.broadcast %mul3A_454 : f32 to vector<16xf32>
        %mul3A_456 = arith.mulf %get3A_453, %mul3A_455 : vector<16xf32>
        %swap3A_457 = arith.index_cast %scan3A_199 : i32 to index
        %swap3A_458 = arith.constant 336 : index
        %swap3A_459 = tpu.vector_load %arg9[%swap3A_457, %swap3A_458] {strides = array<i32>} : memref<40x512xf32, #tpu.memory_space<vmem>>, vector<1x16xf32>,
        %swap3A_460 = vector.shape_cast %swap3A_459 : vector<1x16xf32> to vector<16xf32>
        %swap3A_461 = vector.shape_cast %mul3A_456 : vector<16xf32> to vector<1x16xf32>
        tpu.vector_store %arg9[%swap3A_457, %swap3A_458], %swap3A_461 {strides = array<i32>} : memref<40x512xf32, #tpu.memory_space<vmem>>, vector<1x16xf32>,
        %get3A_462 = arith.index_cast %scan3A_199 : i32 to index
        %get3A_463 = arith.constant 352 : index
        %get3A_464 = tpu.vector_load %arg9[%get3A_462, %get3A_463] {strides = array<i32>} : memref<40x512xf32, #tpu.memory_space<vmem>>, vector<1x16xf32>,
        %get3A_465 = vector.shape_cast %get3A_464 : vector<1x16xf32> to vector<16xf32>
        %mul3A_466 = arith.constant 22.6274166 : f32
        %mul3A_467 = vector.broadcast %mul3A_466 : f32 to vector<16xf32>
        %mul3A_468 = arith.mulf %get3A_465, %mul3A_467 : vector<16xf32>
        %swap3A_469 = arith.index_cast %scan3A_199 : i32 to index
        %swap3A_470 = arith.constant 352 : index
        %swap3A_471 = tpu.vector_load %arg9[%swap3A_469, %swap3A_470] {strides = array<i32>} : memref<40x512xf32, #tpu.memory_space<vmem>>, vector<1x16xf32>,
        %swap3A_472 = vector.shape_cast %swap3A_471 : vector<1x16xf32> to vector<16xf32>
        %swap3A_473 = vector.shape_cast %mul3A_468 : vector<16xf32> to vector<1x16xf32>
        tpu.vector_store %arg9[%swap3A_469, %swap3A_470], %swap3A_473 {strides = array<i32>} : memref<40x512xf32, #tpu.memory_space<vmem>>, vector<1x16xf32>,
        %get3A_474 = arith.index_cast %scan3A_199 : i32 to index
        %get3A_475 = arith.constant 368 : index
        %get3A_476 = tpu.vector_load %arg9[%get3A_474, %get3A_475] {strides = array<i32>} : memref<40x512xf32, #tpu.memory_space<vmem>>, vector<1x16xf32>,
        %get3A_477 = vector.shape_cast %get3A_476 : vector<1x16xf32> to vector<16xf32>
        %mul3A_478 = arith.constant 22.6274166 : f32
        %mul3A_479 = vector.broadcast %mul3A_478 : f32 to vector<16xf32>
        %mul3A_480 = arith.mulf %get3A_477, %mul3A_479 : vector<16xf32>
        %swap3A_481 = arith.index_cast %scan3A_199 : i32 to index
        %swap3A_482 = arith.constant 368 : index
        %swap3A_483 = tpu.vector_load %arg9[%swap3A_481, %swap3A_482] {strides = array<i32>} : memref<40x512xf32, #tpu.memory_space<vmem>>, vector<1x16xf32>,
        %swap3A_484 = vector.shape_cast %swap3A_483 : vector<1x16xf32> to vector<16xf32>
        %swap3A_485 = vector.shape_cast %mul3A_480 : vector<16xf32> to vector<1x16xf32>
        tpu.vector_store %arg9[%swap3A_481, %swap3A_482], %swap3A_485 {strides = array<i32>} : memref<40x512xf32, #tpu.memory_space<vmem>>, vector<1x16xf32>,
        %get3A_486 = arith.index_cast %scan3A_199 : i32 to index
        %get3A_487 = arith.constant 384 : index
        %get3A_488 = tpu.vector_load %arg9[%get3A_486, %get3A_487] {strides = array<i32>} : memref<40x512xf32, #tpu.memory_space<vmem>>, vector<1x16xf32>,
        %get3A_489 = vector.shape_cast %get3A_488 : vector<1x16xf32> to vector<16xf32>
        %mul3A_490 = arith.constant 22.6274166 : f32
        %mul3A_491 = vector.broadcast %mul3A_490 : f32 to vector<16xf32>
        %mul3A_492 = arith.mulf %get3A_489, %mul3A_491 : vector<16xf32>
        %swap3A_493 = arith.index_cast %scan3A_199 : i32 to index
        %swap3A_494 = arith.constant 384 : index
        %swap3A_495 = tpu.vector_load %arg9[%swap3A_493, %swap3A_494] {strides = array<i32>} : memref<40x512xf32, #tpu.memory_space<vmem>>, vector<1x16xf32>,
        %swap3A_496 = vector.shape_cast %swap3A_495 : vector<1x16xf32> to vector<16xf32>
        %swap3A_497 = vector.shape_cast %mul3A_492 : vector<16xf32> to vector<1x16xf32>
        tpu.vector_store %arg9[%swap3A_493, %swap3A_494], %swap3A_497 {strides = array<i32>} : memref<40x512xf32, #tpu.memory_space<vmem>>, vector<1x16xf32>,
        %get3A_498 = arith.index_cast %scan3A_199 : i32 to index
        %get3A_499 = arith.constant 400 : index
        %get3A_500 = tpu.vector_load %arg9[%get3A_498, %get3A_499] {strides = array<i32>} : memref<40x512xf32, #tpu.memory_space<vmem>>, vector<1x16xf32>,
        %get3A_501 = vector.shape_cast %get3A_500 : vector<1x16xf32> to vector<16xf32>
        %mul3A_502 = arith.constant 22.6274166 : f32
        %mul3A_503 = vector.broadcast %mul3A_502 : f32 to vector<16xf32>
        %mul3A_504 = arith.mulf %get3A_501, %mul3A_503 : vector<16xf32>
        %swap3A_505 = arith.index_cast %scan3A_199 : i32 to index
        %swap3A_506 = arith.constant 400 : index
        %swap3A_507 = tpu.vector_load %arg9[%swap3A_505, %swap3A_506] {strides = array<i32>} : memref<40x512xf32, #tpu.memory_space<vmem>>, vector<1x16xf32>,
        %swap3A_508 = vector.shape_cast %swap3A_507 : vector<1x16xf32> to vector<16xf32>
        %swap3A_509 = vector.shape_cast %mul3A_504 : vector<16xf32> to vector<1x16xf32>
        tpu.vector_store %arg9[%swap3A_505, %swap3A_506], %swap3A_509 {strides = array<i32>} : memref<40x512xf32, #tpu.memory_space<vmem>>, vector<1x16xf32>,
        %get3A_510 = arith.index_cast %scan3A_199 : i32 to index
        %get3A_511 = arith.constant 416 : index
        %get3A_512 = tpu.vector_load %arg9[%get3A_510, %get3A_511] {strides = array<i32>} : memref<40x512xf32, #tpu.memory_space<vmem>>, vector<1x16xf32>,
        %get3A_513 = vector.shape_cast %get3A_512 : vector<1x16xf32> to vector<16xf32>
        %mul3A_514 = arith.constant 22.6274166 : f32
        %mul3A_515 = vector.broadcast %mul3A_514 : f32 to vector<16xf32>
        %mul3A_516 = arith.mulf %get3A_513, %mul3A_515 : vector<16xf32>
        %swap3A_517 = arith.index_cast %scan3A_199 : i32 to index
        %swap3A_518 = arith.constant 416 : index
        %swap3A_519 = tpu.vector_load %arg9[%swap3A_517, %swap3A_518] {strides = array<i32>} : memref<40x512xf32, #tpu.memory_space<vmem>>, vector<1x16xf32>,
        %swap3A_520 = vector.shape_cast %swap3A_519 : vector<1x16xf32> to vector<16xf32>
        %swap3A_521 = vector.shape_cast %mul3A_516 : vector<16xf32> to vector<1x16xf32>
        tpu.vector_store %arg9[%swap3A_517, %swap3A_518], %swap3A_521 {strides = array<i32>} : memref<40x512xf32, #tpu.memory_space<vmem>>, vector<1x16xf32>,
        %get3A_522 = arith.index_cast %scan3A_199 : i32 to index
        %get3A_523 = arith.constant 432 : index
        %get3A_524 = tpu.vector_load %arg9[%get3A_522, %get3A_523] {strides = array<i32>} : memref<40x512xf32, #tpu.memory_space<vmem>>, vector<1x16xf32>,
        %get3A_525 = vector.shape_cast %get3A_524 : vector<1x16xf32> to vector<16xf32>
        %mul3A_526 = arith.constant 22.6274166 : f32
        %mul3A_527 = vector.broadcast %mul3A_526 : f32 to vector<16xf32>
        %mul3A_528 = arith.mulf %get3A_525, %mul3A_527 : vector<16xf32>
        %swap3A_529 = arith.index_cast %scan3A_199 : i32 to index
        %swap3A_530 = arith.constant 432 : index
        %swap3A_531 = tpu.vector_load %arg9[%swap3A_529, %swap3A_530] {strides = array<i32>} : memref<40x512xf32, #tpu.memory_space<vmem>>, vector<1x16xf32>,
        %swap3A_532 = vector.shape_cast %swap3A_531 : vector<1x16xf32> to vector<16xf32>
        %swap3A_533 = vector.shape_cast %mul3A_528 : vector<16xf32> to vector<1x16xf32>
        tpu.vector_store %arg9[%swap3A_529, %swap3A_530], %swap3A_533 {strides = array<i32>} : memref<40x512xf32, #tpu.memory_space<vmem>>, vector<1x16xf32>,
        %get3A_534 = arith.index_cast %scan3A_199 : i32 to index
        %get3A_535 = arith.constant 448 : index
        %get3A_536 = tpu.vector_load %arg9[%get3A_534, %get3A_535] {strides = array<i32>} : memref<40x512xf32, #tpu.memory_space<vmem>>, vector<1x16xf32>,
        %get3A_537 = vector.shape_cast %get3A_536 : vector<1x16xf32> to vector<16xf32>
        %mul3A_538 = arith.constant 22.6274166 : f32
        %mul3A_539 = vector.broadcast %mul3A_538 : f32 to vector<16xf32>
        %mul3A_540 = arith.mulf %get3A_537, %mul3A_539 : vector<16xf32>
        %swap3A_541 = arith.index_cast %scan3A_199 : i32 to index
        %swap3A_542 = arith.constant 448 : index
        %swap3A_543 = tpu.vector_load %arg9[%swap3A_541, %swap3A_542] {strides = array<i32>} : memref<40x512xf32, #tpu.memory_space<vmem>>, vector<1x16xf32>,
        %swap3A_544 = vector.shape_cast %swap3A_543 : vector<1x16xf32> to vector<16xf32>
        %swap3A_545 = vector.shape_cast %mul3A_540 : vector<16xf32> to vector<1x16xf32>
        tpu.vector_store %arg9[%swap3A_541, %swap3A_542], %swap3A_545 {strides = array<i32>} : memref<40x512xf32, #tpu.memory_space<vmem>>, vector<1x16xf32>,
        %get3A_546 = arith.index_cast %scan3A_199 : i32 to index
        %get3A_547 = arith.constant 464 : index
        %get3A_548 = tpu.vector_load %arg9[%get3A_546, %get3A_547] {strides = array<i32>} : memref<40x512xf32, #tpu.memory_space<vmem>>, vector<1x16xf32>,
        %get3A_549 = vector.shape_cast %get3A_548 : vector<1x16xf32> to vector<16xf32>
        %mul3A_550 = arith.constant 22.6274166 : f32
        %mul3A_551 = vector.broadcast %mul3A_550 : f32 to vector<16xf32>
        %mul3A_552 = arith.mulf %get3A_549, %mul3A_551 : vector<16xf32>
        %swap3A_553 = arith.index_cast %scan3A_199 : i32 to index
        %swap3A_554 = arith.constant 464 : index
        %swap3A_555 = tpu.vector_load %arg9[%swap3A_553, %swap3A_554] {strides = array<i32>} : memref<40x512xf32, #tpu.memory_space<vmem>>, vector<1x16xf32>,
        %swap3A_556 = vector.shape_cast %swap3A_555 : vector<1x16xf32> to vector<16xf32>
        %swap3A_557 = vector.shape_cast %mul3A_552 : vector<16xf32> to vector<1x16xf32>
        tpu.vector_store %arg9[%swap3A_553, %swap3A_554], %swap3A_557 {strides = array<i32>} : memref<40x512xf32, #tpu.memory_space<vmem>>, vector<1x16xf32>,
        %get3A_558 = arith.index_cast %scan3A_199 : i32 to index
        %get3A_559 = arith.constant 480 : index
        %get3A_560 = tpu.vector_load %arg9[%get3A_558, %get3A_559] {strides = array<i32>} : memref<40x512xf32, #tpu.memory_space<vmem>>, vector<1x16xf32>,
        %get3A_561 = vector.shape_cast %get3A_560 : vector<1x16xf32> to vector<16xf32>
        %mul3A_562 = arith.constant 22.6274166 : f32
        %mul3A_563 = vector.broadcast %mul3A_562 : f32 to vector<16xf32>
        %mul3A_564 = arith.mulf %get3A_561, %mul3A_563 : vector<16xf32>
        %swap3A_565 = arith.index_cast %scan3A_199 : i32 to index
        %swap3A_566 = arith.constant 480 : index
        %swap3A_567 = tpu.vector_load %arg9[%swap3A_565, %swap3A_566] {strides = array<i32>} : memref<40x512xf32, #tpu.memory_space<vmem>>, vector<1x16xf32>,
        %swap3A_568 = vector.shape_cast %swap3A_567 : vector<1x16xf32> to vector<16xf32>
        %swap3A_569 = vector.shape_cast %mul3A_564 : vector<16xf32> to vector<1x16xf32>
        tpu.vector_store %arg9[%swap3A_565, %swap3A_566], %swap3A_569 {strides = array<i32>} : memref<40x512xf32, #tpu.memory_space<vmem>>, vector<1x16xf32>,
        %get3A_570 = arith.index_cast %scan3A_199 : i32 to index
        %get3A_571 = arith.constant 496 : index
        %get3A_572 = tpu.vector_load %arg9[%get3A_570, %get3A_571] {strides = array<i32>} : memref<40x512xf32, #tpu.memory_space<vmem>>, vector<1x16xf32>,
        %get3A_573 = vector.shape_cast %get3A_572 : vector<1x16xf32> to vector<16xf32>
        %mul3A_574 = arith.constant 22.6274166 : f32
        %mul3A_575 = vector.broadcast %mul3A_574 : f32 to vector<16xf32>
        %mul3A_576 = arith.mulf %get3A_573, %mul3A_575 : vector<16xf32>
        %swap3A_577 = arith.index_cast %scan3A_199 : i32 to index
        %swap3A_578 = arith.constant 496 : index
        %swap3A_579 = tpu.vector_load %arg9[%swap3A_577, %swap3A_578] {strides = array<i32>} : memref<40x512xf32, #tpu.memory_space<vmem>>, vector<1x16xf32>,
        %swap3A_580 = vector.shape_cast %swap3A_579 : vector<1x16xf32> to vector<16xf32>
        %swap3A_581 = vector.shape_cast %mul3A_576 : vector<16xf32> to vector<1x16xf32>
        tpu.vector_store %arg9[%swap3A_577, %swap3A_578], %swap3A_581 {strides = array<i32>} : memref<40x512xf32, #tpu.memory_space<vmem>>, vector<1x16xf32>,
      }
      %scan3A_161 = arith.constant 40 : i32
      %mul3A_162 = arith.constant 40 : i32
      %mul3A_163 = arith.muli %add3A_142, %mul3A_162 : i32
      %add3A_164 = arith.addi %mul3A_2, %mul3A_163 : i32
      %dma_start3A_165 = arith.constant 0 : i32
      %dma_start3A_166 = tpu.memref_slice %arg4[%add3A_164, %dma_start3A_165] : memref<204800x512xf32, #tpu.memory_space<hbm>> -> memref<40x512xf32, #tpu.memory_space<hbm>>
      %dma_start3A_167 = arith.constant 0 : i32
      %dma_start3A_168 = tpu.memref_slice %arg4[%add3A_164, %dma_start3A_167] : memref<204800x512xf32, #tpu.memory_space<hbm>> -> memref<40x512xf32, #tpu.memory_space<hbm>>
      tpu.enqueue_dma source(%arg9 : memref<40x512xf32, #tpu.memory_space<vmem>>) target(%dma_start3A_168 : memref<40x512xf32, #tpu.memory_space<hbm>>) target_semaphore(%arg19 : memref<!tpu.dma_semaphore, #tpu.memory_space<semaphore_mem>>)
      %mul3A_169 = arith.constant 5 : i32
      %mul3A_170 = arith.muli %scan3A_51, %mul3A_169 : i32
      %add3A_171 = arith.constant 4 : i32
      %add3A_172 = arith.addi %mul3A_170, %add3A_171 : i32
      %add3A_173 = arith.constant 3 : i32
      %add3A_174 = arith.addi %add3A_172, %add3A_173 : i32
      %lt3A_175 = arith.constant 160 : i32
      %lt3A_176 = arith.cmpi slt, %add3A_174, %lt3A_175 : i32
      %convert_element_type3A_177 = arith.extui %lt3A_176 : i1 to i32
      %cond3A_178 = arith.constant 0 : i32
      %cond3A_179 = arith.cmpi ne, %convert_element_type3A_177, %cond3A_178 : i32
      scf.if %cond3A_179 {
        %ge3A = arith.constant 2 : i32
        %ge3A_199 = arith.cmpi sge, %add3A_172, %ge3A : i32
        %convert_element_type3A_200 = arith.extui %ge3A_199 : i1 to i32
        %cond3A_201 = arith.constant 0 : i32
        %cond3A_202 = arith.cmpi ne, %convert_element_type3A_200, %cond3A_201 : i32
        scf.if %cond3A_202 {
          %mul3A_211 = arith.constant 40 : i32
          %mul3A_212 = arith.muli %add3A_172, %mul3A_211 : i32
          %add3A_213 = arith.addi %mul3A_2, %mul3A_212 : i32
          %dma_wait3A_214 = arith.constant 0 : i32
          %dma_wait3A_215 = tpu.memref_slice %arg4[%add3A_213, %dma_wait3A_214] : memref<204800x512xf32, #tpu.memory_space<hbm>> -> memref<40x512xf32, #tpu.memory_space<hbm>>
          %dma_wait3A_216 = arith.constant 0 : i32
          %dma_wait3A_217 = tpu.memref_slice %arg4[%add3A_213, %dma_wait3A_216] : memref<204800x512xf32, #tpu.memory_space<hbm>> -> memref<40x512xf32, #tpu.memory_space<hbm>>
          tpu.wait_dma2 semaphore(%arg18 : memref<!tpu.dma_semaphore, #tpu.memory_space<semaphore_mem>>) src(%arg8 : memref<40x512xf32, #tpu.memory_space<vmem>>) dst(%dma_wait3A_217 : memref<40x512xf32, #tpu.memory_space<hbm>>)
        } else {
        }
        %add3A_203 = arith.constant 3 : i32
        %add3A_204 = arith.addi %add3A_172, %add3A_203 : i32
        %mul3A_205 = arith.constant 40 : i32
        %mul3A_206 = arith.muli %add3A_204, %mul3A_205 : i32
        %dma_start3A_207 = tpu.memref_slice %arg5[%mul3A_206] : memref<6400xi32, #tpu.memory_space<vmem>> -> memref<40xi32, #tpu.memory_space<vmem>>
        %dma_start3A_208 = arith.constant 0 : i32
        %dma_start3A_209 = arith.constant 0 : i32
        %dma_start3A_210 = tpu.memref_slice %arg3[%dma_start3A_208, %dma_start3A_209] : memref<1000000x512xf32, #tpu.memory_space<hbm>> -> memref<1000000x512xf32, #tpu.memory_space<hbm>>
        tpu.enqueue_indirect_dma source(%dma_start3A_210 : memref<1000000x512xf32, #tpu.memory_space<hbm>>) target(%arg8 : memref<40x512xf32, #tpu.memory_space<vmem>>) offsets(%dma_start3A_207 : memref<40xi32, #tpu.memory_space<vmem>>) semaphore(%arg13 : memref<!tpu.dma_semaphore, #tpu.memory_space<semaphore_mem>>)
      } else {
      }
      %mul3A_180 = arith.constant 40 : i32
      %mul3A_181 = arith.muli %add3A_172, %mul3A_180 : i32
      %dma_wait3A_182 = tpu.memref_slice %arg5[%mul3A_181] : memref<6400xi32, #tpu.memory_space<vmem>> -> memref<40xi32, #tpu.memory_space<vmem>>
      %dma_wait3A_183 = arith.constant 0 : i32
      %dma_wait3A_184 = arith.constant 0 : i32
      %dma_wait3A_185 = tpu.memref_slice %arg3[%dma_wait3A_183, %dma_wait3A_184] : memref<1000000x512xf32, #tpu.memory_space<hbm>> -> memref<1000000x512xf32, #tpu.memory_space<hbm>>
      tpu.wait_indirect_dma semaphore(%arg15 : memref<!tpu.dma_semaphore, #tpu.memory_space<semaphore_mem>>) src(%dma_wait3A_185 : memref<1000000x512xf32, #tpu.memory_space<hbm>>) dst(%arg10 : memref<40x512xf32, #tpu.memory_space<vmem>>)
      %scan3A_186 = arith.constant 0 : i32
      %scan3A_187 = arith.constant 0 : i32
      %scan3A_188 = arith.constant 40 : i32
      %scan3A_189 = arith.addi %scan3A_187, %scan3A_188 : i32
      %scan3A_190 = arith.constant 1 : i32
      scf.for %scan3A_199 = %scan3A_187 to %scan3A_189 step %scan3A_190  : i32 {
        %get3A = arith.index_cast %scan3A_199 : i32 to index
        %get3A_200 = arith.constant 0 : index
        %get3A_201 = tpu.vector_load %arg10[%get3A, %get3A_200] {strides = array<i32>} : memref<40x512xf32, #tpu.memory_space<vmem>>, vector<1x16xf32>,
        %get3A_202 = vector.shape_cast %get3A_201 : vector<1x16xf32> to vector<16xf32>
        %mul3A_203 = arith.constant 22.6274166 : f32
        %mul3A_204 = vector.broadcast %mul3A_203 : f32 to vector<16xf32>
        %mul3A_205 = arith.mulf %get3A_202, %mul3A_204 : vector<16xf32>
        %swap3A = arith.index_cast %scan3A_199 : i32 to index
        %swap3A_206 = arith.constant 0 : index
        %swap3A_207 = tpu.vector_load %arg10[%swap3A, %swap3A_206] {strides = array<i32>} : memref<40x512xf32, #tpu.memory_space<vmem>>, vector<1x16xf32>,
        %swap3A_208 = vector.shape_cast %swap3A_207 : vector<1x16xf32> to vector<16xf32>
        %swap3A_209 = vector.shape_cast %mul3A_205 : vector<16xf32> to vector<1x16xf32>
        tpu.vector_store %arg10[%swap3A, %swap3A_206], %swap3A_209 {strides = array<i32>} : memref<40x512xf32, #tpu.memory_space<vmem>>, vector<1x16xf32>,
        %get3A_210 = arith.index_cast %scan3A_199 : i32 to index
        %get3A_211 = arith.constant 16 : index
        %get3A_212 = tpu.vector_load %arg10[%get3A_210, %get3A_211] {strides = array<i32>} : memref<40x512xf32, #tpu.memory_space<vmem>>, vector<1x16xf32>,
        %get3A_213 = vector.shape_cast %get3A_212 : vector<1x16xf32> to vector<16xf32>
        %mul3A_214 = arith.constant 22.6274166 : f32
        %mul3A_215 = vector.broadcast %mul3A_214 : f32 to vector<16xf32>
        %mul3A_216 = arith.mulf %get3A_213, %mul3A_215 : vector<16xf32>
        %swap3A_217 = arith.index_cast %scan3A_199 : i32 to index
        %swap3A_218 = arith.constant 16 : index
        %swap3A_219 = tpu.vector_load %arg10[%swap3A_217, %swap3A_218] {strides = array<i32>} : memref<40x512xf32, #tpu.memory_space<vmem>>, vector<1x16xf32>,
        %swap3A_220 = vector.shape_cast %swap3A_219 : vector<1x16xf32> to vector<16xf32>
        %swap3A_221 = vector.shape_cast %mul3A_216 : vector<16xf32> to vector<1x16xf32>
        tpu.vector_store %arg10[%swap3A_217, %swap3A_218], %swap3A_221 {strides = array<i32>} : memref<40x512xf32, #tpu.memory_space<vmem>>, vector<1x16xf32>,
        %get3A_222 = arith.index_cast %scan3A_199 : i32 to index
        %get3A_223 = arith.constant 32 : index
        %get3A_224 = tpu.vector_load %arg10[%get3A_222, %get3A_223] {strides = array<i32>} : memref<40x512xf32, #tpu.memory_space<vmem>>, vector<1x16xf32>,
        %get3A_225 = vector.shape_cast %get3A_224 : vector<1x16xf32> to vector<16xf32>
        %mul3A_226 = arith.constant 22.6274166 : f32
        %mul3A_227 = vector.broadcast %mul3A_226 : f32 to vector<16xf32>
        %mul3A_228 = arith.mulf %get3A_225, %mul3A_227 : vector<16xf32>
        %swap3A_229 = arith.index_cast %scan3A_199 : i32 to index
        %swap3A_230 = arith.constant 32 : index
        %swap3A_231 = tpu.vector_load %arg10[%swap3A_229, %swap3A_230] {strides = array<i32>} : memref<40x512xf32, #tpu.memory_space<vmem>>, vector<1x16xf32>,
        %swap3A_232 = vector.shape_cast %swap3A_231 : vector<1x16xf32> to vector<16xf32>
        %swap3A_233 = vector.shape_cast %mul3A_228 : vector<16xf32> to vector<1x16xf32>
        tpu.vector_store %arg10[%swap3A_229, %swap3A_230], %swap3A_233 {strides = array<i32>} : memref<40x512xf32, #tpu.memory_space<vmem>>, vector<1x16xf32>,
        %get3A_234 = arith.index_cast %scan3A_199 : i32 to index
        %get3A_235 = arith.constant 48 : index
        %get3A_236 = tpu.vector_load %arg10[%get3A_234, %get3A_235] {strides = array<i32>} : memref<40x512xf32, #tpu.memory_space<vmem>>, vector<1x16xf32>,
        %get3A_237 = vector.shape_cast %get3A_236 : vector<1x16xf32> to vector<16xf32>
        %mul3A_238 = arith.constant 22.6274166 : f32
        %mul3A_239 = vector.broadcast %mul3A_238 : f32 to vector<16xf32>
        %mul3A_240 = arith.mulf %get3A_237, %mul3A_239 : vector<16xf32>
        %swap3A_241 = arith.index_cast %scan3A_199 : i32 to index
        %swap3A_242 = arith.constant 48 : index
        %swap3A_243 = tpu.vector_load %arg10[%swap3A_241, %swap3A_242] {strides = array<i32>} : memref<40x512xf32, #tpu.memory_space<vmem>>, vector<1x16xf32>,
        %swap3A_244 = vector.shape_cast %swap3A_243 : vector<1x16xf32> to vector<16xf32>
        %swap3A_245 = vector.shape_cast %mul3A_240 : vector<16xf32> to vector<1x16xf32>
        tpu.vector_store %arg10[%swap3A_241, %swap3A_242], %swap3A_245 {strides = array<i32>} : memref<40x512xf32, #tpu.memory_space<vmem>>, vector<1x16xf32>,
        %get3A_246 = arith.index_cast %scan3A_199 : i32 to index
        %get3A_247 = arith.constant 64 : index
        %get3A_248 = tpu.vector_load %arg10[%get3A_246, %get3A_247] {strides = array<i32>} : memref<40x512xf32, #tpu.memory_space<vmem>>, vector<1x16xf32>,
        %get3A_249 = vector.shape_cast %get3A_248 : vector<1x16xf32> to vector<16xf32>
        %mul3A_250 = arith.constant 22.6274166 : f32
        %mul3A_251 = vector.broadcast %mul3A_250 : f32 to vector<16xf32>
        %mul3A_252 = arith.mulf %get3A_249, %mul3A_251 : vector<16xf32>
        %swap3A_253 = arith.index_cast %scan3A_199 : i32 to index
        %swap3A_254 = arith.constant 64 : index
        %swap3A_255 = tpu.vector_load %arg10[%swap3A_253, %swap3A_254] {strides = array<i32>} : memref<40x512xf32, #tpu.memory_space<vmem>>, vector<1x16xf32>,
        %swap3A_256 = vector.shape_cast %swap3A_255 : vector<1x16xf32> to vector<16xf32>
        %swap3A_257 = vector.shape_cast %mul3A_252 : vector<16xf32> to vector<1x16xf32>
        tpu.vector_store %arg10[%swap3A_253, %swap3A_254], %swap3A_257 {strides = array<i32>} : memref<40x512xf32, #tpu.memory_space<vmem>>, vector<1x16xf32>,
        %get3A_258 = arith.index_cast %scan3A_199 : i32 to index
        %get3A_259 = arith.constant 80 : index
        %get3A_260 = tpu.vector_load %arg10[%get3A_258, %get3A_259] {strides = array<i32>} : memref<40x512xf32, #tpu.memory_space<vmem>>, vector<1x16xf32>,
        %get3A_261 = vector.shape_cast %get3A_260 : vector<1x16xf32> to vector<16xf32>
        %mul3A_262 = arith.constant 22.6274166 : f32
        %mul3A_263 = vector.broadcast %mul3A_262 : f32 to vector<16xf32>
        %mul3A_264 = arith.mulf %get3A_261, %mul3A_263 : vector<16xf32>
        %swap3A_265 = arith.index_cast %scan3A_199 : i32 to index
        %swap3A_266 = arith.constant 80 : index
        %swap3A_267 = tpu.vector_load %arg10[%swap3A_265, %swap3A_266] {strides = array<i32>} : memref<40x512xf32, #tpu.memory_space<vmem>>, vector<1x16xf32>,
        %swap3A_268 = vector.shape_cast %swap3A_267 : vector<1x16xf32> to vector<16xf32>
        %swap3A_269 = vector.shape_cast %mul3A_264 : vector<16xf32> to vector<1x16xf32>
        tpu.vector_store %arg10[%swap3A_265, %swap3A_266], %swap3A_269 {strides = array<i32>} : memref<40x512xf32, #tpu.memory_space<vmem>>, vector<1x16xf32>,
        %get3A_270 = arith.index_cast %scan3A_199 : i32 to index
        %get3A_271 = arith.constant 96 : index
        %get3A_272 = tpu.vector_load %arg10[%get3A_270, %get3A_271] {strides = array<i32>} : memref<40x512xf32, #tpu.memory_space<vmem>>, vector<1x16xf32>,
        %get3A_273 = vector.shape_cast %get3A_272 : vector<1x16xf32> to vector<16xf32>
        %mul3A_274 = arith.constant 22.6274166 : f32
        %mul3A_275 = vector.broadcast %mul3A_274 : f32 to vector<16xf32>
        %mul3A_276 = arith.mulf %get3A_273, %mul3A_275 : vector<16xf32>
        %swap3A_277 = arith.index_cast %scan3A_199 : i32 to index
        %swap3A_278 = arith.constant 96 : index
        %swap3A_279 = tpu.vector_load %arg10[%swap3A_277, %swap3A_278] {strides = array<i32>} : memref<40x512xf32, #tpu.memory_space<vmem>>, vector<1x16xf32>,
        %swap3A_280 = vector.shape_cast %swap3A_279 : vector<1x16xf32> to vector<16xf32>
        %swap3A_281 = vector.shape_cast %mul3A_276 : vector<16xf32> to vector<1x16xf32>
        tpu.vector_store %arg10[%swap3A_277, %swap3A_278], %swap3A_281 {strides = array<i32>} : memref<40x512xf32, #tpu.memory_space<vmem>>, vector<1x16xf32>,
        %get3A_282 = arith.index_cast %scan3A_199 : i32 to index
        %get3A_283 = arith.constant 112 : index
        %get3A_284 = tpu.vector_load %arg10[%get3A_282, %get3A_283] {strides = array<i32>} : memref<40x512xf32, #tpu.memory_space<vmem>>, vector<1x16xf32>,
        %get3A_285 = vector.shape_cast %get3A_284 : vector<1x16xf32> to vector<16xf32>
        %mul3A_286 = arith.constant 22.6274166 : f32
        %mul3A_287 = vector.broadcast %mul3A_286 : f32 to vector<16xf32>
        %mul3A_288 = arith.mulf %get3A_285, %mul3A_287 : vector<16xf32>
        %swap3A_289 = arith.index_cast %scan3A_199 : i32 to index
        %swap3A_290 = arith.constant 112 : index
        %swap3A_291 = tpu.vector_load %arg10[%swap3A_289, %swap3A_290] {strides = array<i32>} : memref<40x512xf32, #tpu.memory_space<vmem>>, vector<1x16xf32>,
        %swap3A_292 = vector.shape_cast %swap3A_291 : vector<1x16xf32> to vector<16xf32>
        %swap3A_293 = vector.shape_cast %mul3A_288 : vector<16xf32> to vector<1x16xf32>
        tpu.vector_store %arg10[%swap3A_289, %swap3A_290], %swap3A_293 {strides = array<i32>} : memref<40x512xf32, #tpu.memory_space<vmem>>, vector<1x16xf32>,
        %get3A_294 = arith.index_cast %scan3A_199 : i32 to index
        %get3A_295 = arith.constant 128 : index
        %get3A_296 = tpu.vector_load %arg10[%get3A_294, %get3A_295] {strides = array<i32>} : memref<40x512xf32, #tpu.memory_space<vmem>>, vector<1x16xf32>,
        %get3A_297 = vector.shape_cast %get3A_296 : vector<1x16xf32> to vector<16xf32>
        %mul3A_298 = arith.constant 22.6274166 : f32
        %mul3A_299 = vector.broadcast %mul3A_298 : f32 to vector<16xf32>
        %mul3A_300 = arith.mulf %get3A_297, %mul3A_299 : vector<16xf32>
        %swap3A_301 = arith.index_cast %scan3A_199 : i32 to index
        %swap3A_302 = arith.constant 128 : index
        %swap3A_303 = tpu.vector_load %arg10[%swap3A_301, %swap3A_302] {strides = array<i32>} : memref<40x512xf32, #tpu.memory_space<vmem>>, vector<1x16xf32>,
        %swap3A_304 = vector.shape_cast %swap3A_303 : vector<1x16xf32> to vector<16xf32>
        %swap3A_305 = vector.shape_cast %mul3A_300 : vector<16xf32> to vector<1x16xf32>
        tpu.vector_store %arg10[%swap3A_301, %swap3A_302], %swap3A_305 {strides = array<i32>} : memref<40x512xf32, #tpu.memory_space<vmem>>, vector<1x16xf32>,
        %get3A_306 = arith.index_cast %scan3A_199 : i32 to index
        %get3A_307 = arith.constant 144 : index
        %get3A_308 = tpu.vector_load %arg10[%get3A_306, %get3A_307] {strides = array<i32>} : memref<40x512xf32, #tpu.memory_space<vmem>>, vector<1x16xf32>,
        %get3A_309 = vector.shape_cast %get3A_308 : vector<1x16xf32> to vector<16xf32>
        %mul3A_310 = arith.constant 22.6274166 : f32
        %mul3A_311 = vector.broadcast %mul3A_310 : f32 to vector<16xf32>
        %mul3A_312 = arith.mulf %get3A_309, %mul3A_311 : vector<16xf32>
        %swap3A_313 = arith.index_cast %scan3A_199 : i32 to index
        %swap3A_314 = arith.constant 144 : index
        %swap3A_315 = tpu.vector_load %arg10[%swap3A_313, %swap3A_314] {strides = array<i32>} : memref<40x512xf32, #tpu.memory_space<vmem>>, vector<1x16xf32>,
        %swap3A_316 = vector.shape_cast %swap3A_315 : vector<1x16xf32> to vector<16xf32>
        %swap3A_317 = vector.shape_cast %mul3A_312 : vector<16xf32> to vector<1x16xf32>
        tpu.vector_store %arg10[%swap3A_313, %swap3A_314], %swap3A_317 {strides = array<i32>} : memref<40x512xf32, #tpu.memory_space<vmem>>, vector<1x16xf32>,
        %get3A_318 = arith.index_cast %scan3A_199 : i32 to index
        %get3A_319 = arith.constant 160 : index
        %get3A_320 = tpu.vector_load %arg10[%get3A_318, %get3A_319] {strides = array<i32>} : memref<40x512xf32, #tpu.memory_space<vmem>>, vector<1x16xf32>,
        %get3A_321 = vector.shape_cast %get3A_320 : vector<1x16xf32> to vector<16xf32>
        %mul3A_322 = arith.constant 22.6274166 : f32
        %mul3A_323 = vector.broadcast %mul3A_322 : f32 to vector<16xf32>
        %mul3A_324 = arith.mulf %get3A_321, %mul3A_323 : vector<16xf32>
        %swap3A_325 = arith.index_cast %scan3A_199 : i32 to index
        %swap3A_326 = arith.constant 160 : index
        %swap3A_327 = tpu.vector_load %arg10[%swap3A_325, %swap3A_326] {strides = array<i32>} : memref<40x512xf32, #tpu.memory_space<vmem>>, vector<1x16xf32>,
        %swap3A_328 = vector.shape_cast %swap3A_327 : vector<1x16xf32> to vector<16xf32>
        %swap3A_329 = vector.shape_cast %mul3A_324 : vector<16xf32> to vector<1x16xf32>
        tpu.vector_store %arg10[%swap3A_325, %swap3A_326], %swap3A_329 {strides = array<i32>} : memref<40x512xf32, #tpu.memory_space<vmem>>, vector<1x16xf32>,
        %get3A_330 = arith.index_cast %scan3A_199 : i32 to index
        %get3A_331 = arith.constant 176 : index
        %get3A_332 = tpu.vector_load %arg10[%get3A_330, %get3A_331] {strides = array<i32>} : memref<40x512xf32, #tpu.memory_space<vmem>>, vector<1x16xf32>,
        %get3A_333 = vector.shape_cast %get3A_332 : vector<1x16xf32> to vector<16xf32>
        %mul3A_334 = arith.constant 22.6274166 : f32
        %mul3A_335 = vector.broadcast %mul3A_334 : f32 to vector<16xf32>
        %mul3A_336 = arith.mulf %get3A_333, %mul3A_335 : vector<16xf32>
        %swap3A_337 = arith.index_cast %scan3A_199 : i32 to index
        %swap3A_338 = arith.constant 176 : index
        %swap3A_339 = tpu.vector_load %arg10[%swap3A_337, %swap3A_338] {strides = array<i32>} : memref<40x512xf32, #tpu.memory_space<vmem>>, vector<1x16xf32>,
        %swap3A_340 = vector.shape_cast %swap3A_339 : vector<1x16xf32> to vector<16xf32>
        %swap3A_341 = vector.shape_cast %mul3A_336 : vector<16xf32> to vector<1x16xf32>
        tpu.vector_store %arg10[%swap3A_337, %swap3A_338], %swap3A_341 {strides = array<i32>} : memref<40x512xf32, #tpu.memory_space<vmem>>, vector<1x16xf32>,
        %get3A_342 = arith.index_cast %scan3A_199 : i32 to index
        %get3A_343 = arith.constant 192 : index
        %get3A_344 = tpu.vector_load %arg10[%get3A_342, %get3A_343] {strides = array<i32>} : memref<40x512xf32, #tpu.memory_space<vmem>>, vector<1x16xf32>,
        %get3A_345 = vector.shape_cast %get3A_344 : vector<1x16xf32> to vector<16xf32>
        %mul3A_346 = arith.constant 22.6274166 : f32
        %mul3A_347 = vector.broadcast %mul3A_346 : f32 to vector<16xf32>
        %mul3A_348 = arith.mulf %get3A_345, %mul3A_347 : vector<16xf32>
        %swap3A_349 = arith.index_cast %scan3A_199 : i32 to index
        %swap3A_350 = arith.constant 192 : index
        %swap3A_351 = tpu.vector_load %arg10[%swap3A_349, %swap3A_350] {strides = array<i32>} : memref<40x512xf32, #tpu.memory_space<vmem>>, vector<1x16xf32>,
        %swap3A_352 = vector.shape_cast %swap3A_351 : vector<1x16xf32> to vector<16xf32>
        %swap3A_353 = vector.shape_cast %mul3A_348 : vector<16xf32> to vector<1x16xf32>
        tpu.vector_store %arg10[%swap3A_349, %swap3A_350], %swap3A_353 {strides = array<i32>} : memref<40x512xf32, #tpu.memory_space<vmem>>, vector<1x16xf32>,
        %get3A_354 = arith.index_cast %scan3A_199 : i32 to index
        %get3A_355 = arith.constant 208 : index
        %get3A_356 = tpu.vector_load %arg10[%get3A_354, %get3A_355] {strides = array<i32>} : memref<40x512xf32, #tpu.memory_space<vmem>>, vector<1x16xf32>,
        %get3A_357 = vector.shape_cast %get3A_356 : vector<1x16xf32> to vector<16xf32>
        %mul3A_358 = arith.constant 22.6274166 : f32
        %mul3A_359 = vector.broadcast %mul3A_358 : f32 to vector<16xf32>
        %mul3A_360 = arith.mulf %get3A_357, %mul3A_359 : vector<16xf32>
        %swap3A_361 = arith.index_cast %scan3A_199 : i32 to index
        %swap3A_362 = arith.constant 208 : index
        %swap3A_363 = tpu.vector_load %arg10[%swap3A_361, %swap3A_362] {strides = array<i32>} : memref<40x512xf32, #tpu.memory_space<vmem>>, vector<1x16xf32>,
        %swap3A_364 = vector.shape_cast %swap3A_363 : vector<1x16xf32> to vector<16xf32>
        %swap3A_365 = vector.shape_cast %mul3A_360 : vector<16xf32> to vector<1x16xf32>
        tpu.vector_store %arg10[%swap3A_361, %swap3A_362], %swap3A_365 {strides = array<i32>} : memref<40x512xf32, #tpu.memory_space<vmem>>, vector<1x16xf32>,
        %get3A_366 = arith.index_cast %scan3A_199 : i32 to index
        %get3A_367 = arith.constant 224 : index
        %get3A_368 = tpu.vector_load %arg10[%get3A_366, %get3A_367] {strides = array<i32>} : memref<40x512xf32, #tpu.memory_space<vmem>>, vector<1x16xf32>,
        %get3A_369 = vector.shape_cast %get3A_368 : vector<1x16xf32> to vector<16xf32>
        %mul3A_370 = arith.constant 22.6274166 : f32
        %mul3A_371 = vector.broadcast %mul3A_370 : f32 to vector<16xf32>
        %mul3A_372 = arith.mulf %get3A_369, %mul3A_371 : vector<16xf32>
        %swap3A_373 = arith.index_cast %scan3A_199 : i32 to index
        %swap3A_374 = arith.constant 224 : index
        %swap3A_375 = tpu.vector_load %arg10[%swap3A_373, %swap3A_374] {strides = array<i32>} : memref<40x512xf32, #tpu.memory_space<vmem>>, vector<1x16xf32>,
        %swap3A_376 = vector.shape_cast %swap3A_375 : vector<1x16xf32> to vector<16xf32>
        %swap3A_377 = vector.shape_cast %mul3A_372 : vector<16xf32> to vector<1x16xf32>
        tpu.vector_store %arg10[%swap3A_373, %swap3A_374], %swap3A_377 {strides = array<i32>} : memref<40x512xf32, #tpu.memory_space<vmem>>, vector<1x16xf32>,
        %get3A_378 = arith.index_cast %scan3A_199 : i32 to index
        %get3A_379 = arith.constant 240 : index
        %get3A_380 = tpu.vector_load %arg10[%get3A_378, %get3A_379] {strides = array<i32>} : memref<40x512xf32, #tpu.memory_space<vmem>>, vector<1x16xf32>,
        %get3A_381 = vector.shape_cast %get3A_380 : vector<1x16xf32> to vector<16xf32>
        %mul3A_382 = arith.constant 22.6274166 : f32
        %mul3A_383 = vector.broadcast %mul3A_382 : f32 to vector<16xf32>
        %mul3A_384 = arith.mulf %get3A_381, %mul3A_383 : vector<16xf32>
        %swap3A_385 = arith.index_cast %scan3A_199 : i32 to index
        %swap3A_386 = arith.constant 240 : index
        %swap3A_387 = tpu.vector_load %arg10[%swap3A_385, %swap3A_386] {strides = array<i32>} : memref<40x512xf32, #tpu.memory_space<vmem>>, vector<1x16xf32>,
        %swap3A_388 = vector.shape_cast %swap3A_387 : vector<1x16xf32> to vector<16xf32>
        %swap3A_389 = vector.shape_cast %mul3A_384 : vector<16xf32> to vector<1x16xf32>
        tpu.vector_store %arg10[%swap3A_385, %swap3A_386], %swap3A_389 {strides = array<i32>} : memref<40x512xf32, #tpu.memory_space<vmem>>, vector<1x16xf32>,
        %get3A_390 = arith.index_cast %scan3A_199 : i32 to index
        %get3A_391 = arith.constant 256 : index
        %get3A_392 = tpu.vector_load %arg10[%get3A_390, %get3A_391] {strides = array<i32>} : memref<40x512xf32, #tpu.memory_space<vmem>>, vector<1x16xf32>,
        %get3A_393 = vector.shape_cast %get3A_392 : vector<1x16xf32> to vector<16xf32>
        %mul3A_394 = arith.constant 22.6274166 : f32
        %mul3A_395 = vector.broadcast %mul3A_394 : f32 to vector<16xf32>
        %mul3A_396 = arith.mulf %get3A_393, %mul3A_395 : vector<16xf32>
        %swap3A_397 = arith.index_cast %scan3A_199 : i32 to index
        %swap3A_398 = arith.constant 256 : index
        %swap3A_399 = tpu.vector_load %arg10[%swap3A_397, %swap3A_398] {strides = array<i32>} : memref<40x512xf32, #tpu.memory_space<vmem>>, vector<1x16xf32>,
        %swap3A_400 = vector.shape_cast %swap3A_399 : vector<1x16xf32> to vector<16xf32>
        %swap3A_401 = vector.shape_cast %mul3A_396 : vector<16xf32> to vector<1x16xf32>
        tpu.vector_store %arg10[%swap3A_397, %swap3A_398], %swap3A_401 {strides = array<i32>} : memref<40x512xf32, #tpu.memory_space<vmem>>, vector<1x16xf32>,
        %get3A_402 = arith.index_cast %scan3A_199 : i32 to index
        %get3A_403 = arith.constant 272 : index
        %get3A_404 = tpu.vector_load %arg10[%get3A_402, %get3A_403] {strides = array<i32>} : memref<40x512xf32, #tpu.memory_space<vmem>>, vector<1x16xf32>,
        %get3A_405 = vector.shape_cast %get3A_404 : vector<1x16xf32> to vector<16xf32>
        %mul3A_406 = arith.constant 22.6274166 : f32
        %mul3A_407 = vector.broadcast %mul3A_406 : f32 to vector<16xf32>
        %mul3A_408 = arith.mulf %get3A_405, %mul3A_407 : vector<16xf32>
        %swap3A_409 = arith.index_cast %scan3A_199 : i32 to index
        %swap3A_410 = arith.constant 272 : index
        %swap3A_411 = tpu.vector_load %arg10[%swap3A_409, %swap3A_410] {strides = array<i32>} : memref<40x512xf32, #tpu.memory_space<vmem>>, vector<1x16xf32>,
        %swap3A_412 = vector.shape_cast %swap3A_411 : vector<1x16xf32> to vector<16xf32>
        %swap3A_413 = vector.shape_cast %mul3A_408 : vector<16xf32> to vector<1x16xf32>
        tpu.vector_store %arg10[%swap3A_409, %swap3A_410], %swap3A_413 {strides = array<i32>} : memref<40x512xf32, #tpu.memory_space<vmem>>, vector<1x16xf32>,
        %get3A_414 = arith.index_cast %scan3A_199 : i32 to index
        %get3A_415 = arith.constant 288 : index
        %get3A_416 = tpu.vector_load %arg10[%get3A_414, %get3A_415] {strides = array<i32>} : memref<40x512xf32, #tpu.memory_space<vmem>>, vector<1x16xf32>,
        %get3A_417 = vector.shape_cast %get3A_416 : vector<1x16xf32> to vector<16xf32>
        %mul3A_418 = arith.constant 22.6274166 : f32
        %mul3A_419 = vector.broadcast %mul3A_418 : f32 to vector<16xf32>
        %mul3A_420 = arith.mulf %get3A_417, %mul3A_419 : vector<16xf32>
        %swap3A_421 = arith.index_cast %scan3A_199 : i32 to index
        %swap3A_422 = arith.constant 288 : index
        %swap3A_423 = tpu.vector_load %arg10[%swap3A_421, %swap3A_422] {strides = array<i32>} : memref<40x512xf32, #tpu.memory_space<vmem>>, vector<1x16xf32>,
        %swap3A_424 = vector.shape_cast %swap3A_423 : vector<1x16xf32> to vector<16xf32>
        %swap3A_425 = vector.shape_cast %mul3A_420 : vector<16xf32> to vector<1x16xf32>
        tpu.vector_store %arg10[%swap3A_421, %swap3A_422], %swap3A_425 {strides = array<i32>} : memref<40x512xf32, #tpu.memory_space<vmem>>, vector<1x16xf32>,
        %get3A_426 = arith.index_cast %scan3A_199 : i32 to index
        %get3A_427 = arith.constant 304 : index
        %get3A_428 = tpu.vector_load %arg10[%get3A_426, %get3A_427] {strides = array<i32>} : memref<40x512xf32, #tpu.memory_space<vmem>>, vector<1x16xf32>,
        %get3A_429 = vector.shape_cast %get3A_428 : vector<1x16xf32> to vector<16xf32>
        %mul3A_430 = arith.constant 22.6274166 : f32
        %mul3A_431 = vector.broadcast %mul3A_430 : f32 to vector<16xf32>
        %mul3A_432 = arith.mulf %get3A_429, %mul3A_431 : vector<16xf32>
        %swap3A_433 = arith.index_cast %scan3A_199 : i32 to index
        %swap3A_434 = arith.constant 304 : index
        %swap3A_435 = tpu.vector_load %arg10[%swap3A_433, %swap3A_434] {strides = array<i32>} : memref<40x512xf32, #tpu.memory_space<vmem>>, vector<1x16xf32>,
        %swap3A_436 = vector.shape_cast %swap3A_435 : vector<1x16xf32> to vector<16xf32>
        %swap3A_437 = vector.shape_cast %mul3A_432 : vector<16xf32> to vector<1x16xf32>
        tpu.vector_store %arg10[%swap3A_433, %swap3A_434], %swap3A_437 {strides = array<i32>} : memref<40x512xf32, #tpu.memory_space<vmem>>, vector<1x16xf32>,
        %get3A_438 = arith.index_cast %scan3A_199 : i32 to index
        %get3A_439 = arith.constant 320 : index
        %get3A_440 = tpu.vector_load %arg10[%get3A_438, %get3A_439] {strides = array<i32>} : memref<40x512xf32, #tpu.memory_space<vmem>>, vector<1x16xf32>,
        %get3A_441 = vector.shape_cast %get3A_440 : vector<1x16xf32> to vector<16xf32>
        %mul3A_442 = arith.constant 22.6274166 : f32
        %mul3A_443 = vector.broadcast %mul3A_442 : f32 to vector<16xf32>
        %mul3A_444 = arith.mulf %get3A_441, %mul3A_443 : vector<16xf32>
        %swap3A_445 = arith.index_cast %scan3A_199 : i32 to index
        %swap3A_446 = arith.constant 320 : index
        %swap3A_447 = tpu.vector_load %arg10[%swap3A_445, %swap3A_446] {strides = array<i32>} : memref<40x512xf32, #tpu.memory_space<vmem>>, vector<1x16xf32>,
        %swap3A_448 = vector.shape_cast %swap3A_447 : vector<1x16xf32> to vector<16xf32>
        %swap3A_449 = vector.shape_cast %mul3A_444 : vector<16xf32> to vector<1x16xf32>
        tpu.vector_store %arg10[%swap3A_445, %swap3A_446], %swap3A_449 {strides = array<i32>} : memref<40x512xf32, #tpu.memory_space<vmem>>, vector<1x16xf32>,
        %get3A_450 = arith.index_cast %scan3A_199 : i32 to index
        %get3A_451 = arith.constant 336 : index
        %get3A_452 = tpu.vector_load %arg10[%get3A_450, %get3A_451] {strides = array<i32>} : memref<40x512xf32, #tpu.memory_space<vmem>>, vector<1x16xf32>,
        %get3A_453 = vector.shape_cast %get3A_452 : vector<1x16xf32> to vector<16xf32>
        %mul3A_454 = arith.constant 22.6274166 : f32
        %mul3A_455 = vector.broadcast %mul3A_454 : f32 to vector<16xf32>
        %mul3A_456 = arith.mulf %get3A_453, %mul3A_455 : vector<16xf32>
        %swap3A_457 = arith.index_cast %scan3A_199 : i32 to index
        %swap3A_458 = arith.constant 336 : index
        %swap3A_459 = tpu.vector_load %arg10[%swap3A_457, %swap3A_458] {strides = array<i32>} : memref<40x512xf32, #tpu.memory_space<vmem>>, vector<1x16xf32>,
        %swap3A_460 = vector.shape_cast %swap3A_459 : vector<1x16xf32> to vector<16xf32>
        %swap3A_461 = vector.shape_cast %mul3A_456 : vector<16xf32> to vector<1x16xf32>
        tpu.vector_store %arg10[%swap3A_457, %swap3A_458], %swap3A_461 {strides = array<i32>} : memref<40x512xf32, #tpu.memory_space<vmem>>, vector<1x16xf32>,
        %get3A_462 = arith.index_cast %scan3A_199 : i32 to index
        %get3A_463 = arith.constant 352 : index
        %get3A_464 = tpu.vector_load %arg10[%get3A_462, %get3A_463] {strides = array<i32>} : memref<40x512xf32, #tpu.memory_space<vmem>>, vector<1x16xf32>,
        %get3A_465 = vector.shape_cast %get3A_464 : vector<1x16xf32> to vector<16xf32>
        %mul3A_466 = arith.constant 22.6274166 : f32
        %mul3A_467 = vector.broadcast %mul3A_466 : f32 to vector<16xf32>
        %mul3A_468 = arith.mulf %get3A_465, %mul3A_467 : vector<16xf32>
        %swap3A_469 = arith.index_cast %scan3A_199 : i32 to index
        %swap3A_470 = arith.constant 352 : index
        %swap3A_471 = tpu.vector_load %arg10[%swap3A_469, %swap3A_470] {strides = array<i32>} : memref<40x512xf32, #tpu.memory_space<vmem>>, vector<1x16xf32>,
        %swap3A_472 = vector.shape_cast %swap3A_471 : vector<1x16xf32> to vector<16xf32>
        %swap3A_473 = vector.shape_cast %mul3A_468 : vector<16xf32> to vector<1x16xf32>
        tpu.vector_store %arg10[%swap3A_469, %swap3A_470], %swap3A_473 {strides = array<i32>} : memref<40x512xf32, #tpu.memory_space<vmem>>, vector<1x16xf32>,
        %get3A_474 = arith.index_cast %scan3A_199 : i32 to index
        %get3A_475 = arith.constant 368 : index
        %get3A_476 = tpu.vector_load %arg10[%get3A_474, %get3A_475] {strides = array<i32>} : memref<40x512xf32, #tpu.memory_space<vmem>>, vector<1x16xf32>,
        %get3A_477 = vector.shape_cast %get3A_476 : vector<1x16xf32> to vector<16xf32>
        %mul3A_478 = arith.constant 22.6274166 : f32
        %mul3A_479 = vector.broadcast %mul3A_478 : f32 to vector<16xf32>
        %mul3A_480 = arith.mulf %get3A_477, %mul3A_479 : vector<16xf32>
        %swap3A_481 = arith.index_cast %scan3A_199 : i32 to index
        %swap3A_482 = arith.constant 368 : index
        %swap3A_483 = tpu.vector_load %arg10[%swap3A_481, %swap3A_482] {strides = array<i32>} : memref<40x512xf32, #tpu.memory_space<vmem>>, vector<1x16xf32>,
        %swap3A_484 = vector.shape_cast %swap3A_483 : vector<1x16xf32> to vector<16xf32>
        %swap3A_485 = vector.shape_cast %mul3A_480 : vector<16xf32> to vector<1x16xf32>
        tpu.vector_store %arg10[%swap3A_481, %swap3A_482], %swap3A_485 {strides = array<i32>} : memref<40x512xf32, #tpu.memory_space<vmem>>, vector<1x16xf32>,
        %get3A_486 = arith.index_cast %scan3A_199 : i32 to index
        %get3A_487 = arith.constant 384 : index
        %get3A_488 = tpu.vector_load %arg10[%get3A_486, %get3A_487] {strides = array<i32>} : memref<40x512xf32, #tpu.memory_space<vmem>>, vector<1x16xf32>,
        %get3A_489 = vector.shape_cast %get3A_488 : vector<1x16xf32> to vector<16xf32>
        %mul3A_490 = arith.constant 22.6274166 : f32
        %mul3A_491 = vector.broadcast %mul3A_490 : f32 to vector<16xf32>
        %mul3A_492 = arith.mulf %get3A_489, %mul3A_491 : vector<16xf32>
        %swap3A_493 = arith.index_cast %scan3A_199 : i32 to index
        %swap3A_494 = arith.constant 384 : index
        %swap3A_495 = tpu.vector_load %arg10[%swap3A_493, %swap3A_494] {strides = array<i32>} : memref<40x512xf32, #tpu.memory_space<vmem>>, vector<1x16xf32>,
        %swap3A_496 = vector.shape_cast %swap3A_495 : vector<1x16xf32> to vector<16xf32>
        %swap3A_497 = vector.shape_cast %mul3A_492 : vector<16xf32> to vector<1x16xf32>
        tpu.vector_store %arg10[%swap3A_493, %swap3A_494], %swap3A_497 {strides = array<i32>} : memref<40x512xf32, #tpu.memory_space<vmem>>, vector<1x16xf32>,
        %get3A_498 = arith.index_cast %scan3A_199 : i32 to index
        %get3A_499 = arith.constant 400 : index
        %get3A_500 = tpu.vector_load %arg10[%get3A_498, %get3A_499] {strides = array<i32>} : memref<40x512xf32, #tpu.memory_space<vmem>>, vector<1x16xf32>,
        %get3A_501 = vector.shape_cast %get3A_500 : vector<1x16xf32> to vector<16xf32>
        %mul3A_502 = arith.constant 22.6274166 : f32
        %mul3A_503 = vector.broadcast %mul3A_502 : f32 to vector<16xf32>
        %mul3A_504 = arith.mulf %get3A_501, %mul3A_503 : vector<16xf32>
        %swap3A_505 = arith.index_cast %scan3A_199 : i32 to index
        %swap3A_506 = arith.constant 400 : index
        %swap3A_507 = tpu.vector_load %arg10[%swap3A_505, %swap3A_506] {strides = array<i32>} : memref<40x512xf32, #tpu.memory_space<vmem>>, vector<1x16xf32>,
        %swap3A_508 = vector.shape_cast %swap3A_507 : vector<1x16xf32> to vector<16xf32>
        %swap3A_509 = vector.shape_cast %mul3A_504 : vector<16xf32> to vector<1x16xf32>
        tpu.vector_store %arg10[%swap3A_505, %swap3A_506], %swap3A_509 {strides = array<i32>} : memref<40x512xf32, #tpu.memory_space<vmem>>, vector<1x16xf32>,
        %get3A_510 = arith.index_cast %scan3A_199 : i32 to index
        %get3A_511 = arith.constant 416 : index
        %get3A_512 = tpu.vector_load %arg10[%get3A_510, %get3A_511] {strides = array<i32>} : memref<40x512xf32, #tpu.memory_space<vmem>>, vector<1x16xf32>,
        %get3A_513 = vector.shape_cast %get3A_512 : vector<1x16xf32> to vector<16xf32>
        %mul3A_514 = arith.constant 22.6274166 : f32
        %mul3A_515 = vector.broadcast %mul3A_514 : f32 to vector<16xf32>
        %mul3A_516 = arith.mulf %get3A_513, %mul3A_515 : vector<16xf32>
        %swap3A_517 = arith.index_cast %scan3A_199 : i32 to index
        %swap3A_518 = arith.constant 416 : index
        %swap3A_519 = tpu.vector_load %arg10[%swap3A_517, %swap3A_518] {strides = array<i32>} : memref<40x512xf32, #tpu.memory_space<vmem>>, vector<1x16xf32>,
        %swap3A_520 = vector.shape_cast %swap3A_519 : vector<1x16xf32> to vector<16xf32>
        %swap3A_521 = vector.shape_cast %mul3A_516 : vector<16xf32> to vector<1x16xf32>
        tpu.vector_store %arg10[%swap3A_517, %swap3A_518], %swap3A_521 {strides = array<i32>} : memref<40x512xf32, #tpu.memory_space<vmem>>, vector<1x16xf32>,
        %get3A_522 = arith.index_cast %scan3A_199 : i32 to index
        %get3A_523 = arith.constant 432 : index
        %get3A_524 = tpu.vector_load %arg10[%get3A_522, %get3A_523] {strides = array<i32>} : memref<40x512xf32, #tpu.memory_space<vmem>>, vector<1x16xf32>,
        %get3A_525 = vector.shape_cast %get3A_524 : vector<1x16xf32> to vector<16xf32>
        %mul3A_526 = arith.constant 22.6274166 : f32
        %mul3A_527 = vector.broadcast %mul3A_526 : f32 to vector<16xf32>
        %mul3A_528 = arith.mulf %get3A_525, %mul3A_527 : vector<16xf32>
        %swap3A_529 = arith.index_cast %scan3A_199 : i32 to index
        %swap3A_530 = arith.constant 432 : index
        %swap3A_531 = tpu.vector_load %arg10[%swap3A_529, %swap3A_530] {strides = array<i32>} : memref<40x512xf32, #tpu.memory_space<vmem>>, vector<1x16xf32>,
        %swap3A_532 = vector.shape_cast %swap3A_531 : vector<1x16xf32> to vector<16xf32>
        %swap3A_533 = vector.shape_cast %mul3A_528 : vector<16xf32> to vector<1x16xf32>
        tpu.vector_store %arg10[%swap3A_529, %swap3A_530], %swap3A_533 {strides = array<i32>} : memref<40x512xf32, #tpu.memory_space<vmem>>, vector<1x16xf32>,
        %get3A_534 = arith.index_cast %scan3A_199 : i32 to index
        %get3A_535 = arith.constant 448 : index
        %get3A_536 = tpu.vector_load %arg10[%get3A_534, %get3A_535] {strides = array<i32>} : memref<40x512xf32, #tpu.memory_space<vmem>>, vector<1x16xf32>,
        %get3A_537 = vector.shape_cast %get3A_536 : vector<1x16xf32> to vector<16xf32>
        %mul3A_538 = arith.constant 22.6274166 : f32
        %mul3A_539 = vector.broadcast %mul3A_538 : f32 to vector<16xf32>
        %mul3A_540 = arith.mulf %get3A_537, %mul3A_539 : vector<16xf32>
        %swap3A_541 = arith.index_cast %scan3A_199 : i32 to index
        %swap3A_542 = arith.constant 448 : index
        %swap3A_543 = tpu.vector_load %arg10[%swap3A_541, %swap3A_542] {strides = array<i32>} : memref<40x512xf32, #tpu.memory_space<vmem>>, vector<1x16xf32>,
        %swap3A_544 = vector.shape_cast %swap3A_543 : vector<1x16xf32> to vector<16xf32>
        %swap3A_545 = vector.shape_cast %mul3A_540 : vector<16xf32> to vector<1x16xf32>
        tpu.vector_store %arg10[%swap3A_541, %swap3A_542], %swap3A_545 {strides = array<i32>} : memref<40x512xf32, #tpu.memory_space<vmem>>, vector<1x16xf32>,
        %get3A_546 = arith.index_cast %scan3A_199 : i32 to index
        %get3A_547 = arith.constant 464 : index
        %get3A_548 = tpu.vector_load %arg10[%get3A_546, %get3A_547] {strides = array<i32>} : memref<40x512xf32, #tpu.memory_space<vmem>>, vector<1x16xf32>,
        %get3A_549 = vector.shape_cast %get3A_548 : vector<1x16xf32> to vector<16xf32>
        %mul3A_550 = arith.constant 22.6274166 : f32
        %mul3A_551 = vector.broadcast %mul3A_550 : f32 to vector<16xf32>
        %mul3A_552 = arith.mulf %get3A_549, %mul3A_551 : vector<16xf32>
        %swap3A_553 = arith.index_cast %scan3A_199 : i32 to index
        %swap3A_554 = arith.constant 464 : index
        %swap3A_555 = tpu.vector_load %arg10[%swap3A_553, %swap3A_554] {strides = array<i32>} : memref<40x512xf32, #tpu.memory_space<vmem>>, vector<1x16xf32>,
        %swap3A_556 = vector.shape_cast %swap3A_555 : vector<1x16xf32> to vector<16xf32>
        %swap3A_557 = vector.shape_cast %mul3A_552 : vector<16xf32> to vector<1x16xf32>
        tpu.vector_store %arg10[%swap3A_553, %swap3A_554], %swap3A_557 {strides = array<i32>} : memref<40x512xf32, #tpu.memory_space<vmem>>, vector<1x16xf32>,
        %get3A_558 = arith.index_cast %scan3A_199 : i32 to index
        %get3A_559 = arith.constant 480 : index
        %get3A_560 = tpu.vector_load %arg10[%get3A_558, %get3A_559] {strides = array<i32>} : memref<40x512xf32, #tpu.memory_space<vmem>>, vector<1x16xf32>,
        %get3A_561 = vector.shape_cast %get3A_560 : vector<1x16xf32> to vector<16xf32>
        %mul3A_562 = arith.constant 22.6274166 : f32
        %mul3A_563 = vector.broadcast %mul3A_562 : f32 to vector<16xf32>
        %mul3A_564 = arith.mulf %get3A_561, %mul3A_563 : vector<16xf32>
        %swap3A_565 = arith.index_cast %scan3A_199 : i32 to index
        %swap3A_566 = arith.constant 480 : index
        %swap3A_567 = tpu.vector_load %arg10[%swap3A_565, %swap3A_566] {strides = array<i32>} : memref<40x512xf32, #tpu.memory_space<vmem>>, vector<1x16xf32>,
        %swap3A_568 = vector.shape_cast %swap3A_567 : vector<1x16xf32> to vector<16xf32>
        %swap3A_569 = vector.shape_cast %mul3A_564 : vector<16xf32> to vector<1x16xf32>
        tpu.vector_store %arg10[%swap3A_565, %swap3A_566], %swap3A_569 {strides = array<i32>} : memref<40x512xf32, #tpu.memory_space<vmem>>, vector<1x16xf32>,
        %get3A_570 = arith.index_cast %scan3A_199 : i32 to index
        %get3A_571 = arith.constant 496 : index
        %get3A_572 = tpu.vector_load %arg10[%get3A_570, %get3A_571] {strides = array<i32>} : memref<40x512xf32, #tpu.memory_space<vmem>>, vector<1x16xf32>,
        %get3A_573 = vector.shape_cast %get3A_572 : vector<1x16xf32> to vector<16xf32>
        %mul3A_574 = arith.constant 22.6274166 : f32
        %mul3A_575 = vector.broadcast %mul3A_574 : f32 to vector<16xf32>
        %mul3A_576 = arith.mulf %get3A_573, %mul3A_575 : vector<16xf32>
        %swap3A_577 = arith.index_cast %scan3A_199 : i32 to index
        %swap3A_578 = arith.constant 496 : index
        %swap3A_579 = tpu.vector_load %arg10[%swap3A_577, %swap3A_578] {strides = array<i32>} : memref<40x512xf32, #tpu.memory_space<vmem>>, vector<1x16xf32>,
        %swap3A_580 = vector.shape_cast %swap3A_579 : vector<1x16xf32> to vector<16xf32>
        %swap3A_581 = vector.shape_cast %mul3A_576 : vector<16xf32> to vector<1x16xf32>
        tpu.vector_store %arg10[%swap3A_577, %swap3A_578], %swap3A_581 {strides = array<i32>} : memref<40x512xf32, #tpu.memory_space<vmem>>, vector<1x16xf32>,
      }
      %scan3A_191 = arith.constant 40 : i32
      %mul3A_192 = arith.constant 40 : i32
      %mul3A_193 = arith.muli %add3A_172, %mul3A_192 : i32
      %add3A_194 = arith.addi %mul3A_2, %mul3A_193 : i32
      %dma_start3A_195 = arith.constant 0 : i32
      %dma_start3A_196 = tpu.memref_slice %arg4[%add3A_194, %dma_start3A_195] : memref<204800x512xf32, #tpu.memory_space<hbm>> -> memref<40x512xf32, #tpu.memory_space<hbm>>
      %dma_start3A_197 = arith.constant 0 : i32
      %dma_start3A_198 = tpu.memref_slice %arg4[%add3A_194, %dma_start3A_197] : memref<204800x512xf32, #tpu.memory_space<hbm>> -> memref<40x512xf32, #tpu.memory_space<hbm>>
      tpu.enqueue_dma source(%arg10 : memref<40x512xf32, #tpu.memory_space<vmem>>) target(%dma_start3A_198 : memref<40x512xf32, #tpu.memory_space<hbm>>) target_semaphore(%arg20 : memref<!tpu.dma_semaphore, #tpu.memory_space<semaphore_mem>>)
    }
    %scan3A_21 = arith.constant 32 : i32
    %add3A_22 = arith.constant 0 : i32
    %add3A_23 = arith.addi %mul3A_2, %add3A_22 : i32
    %dma_wait3A = arith.constant 0 : i32
    %dma_wait3A_24 = tpu.memref_slice %arg4[%add3A_23, %dma_wait3A] : memref<204800x512xf32, #tpu.memory_space<hbm>> -> memref<40x512xf32, #tpu.memory_space<hbm>>
    %dma_wait3A_25 = arith.constant 0 : i32
    %dma_wait3A_26 = tpu.memref_slice %arg4[%add3A_23, %dma_wait3A_25] : memref<204800x512xf32, #tpu.memory_space<hbm>> -> memref<40x512xf32, #tpu.memory_space<hbm>>
    tpu.wait_dma2 semaphore(%arg16 : memref<!tpu.dma_semaphore, #tpu.memory_space<semaphore_mem>>) src(%arg6 : memref<40x512xf32, #tpu.memory_space<vmem>>) dst(%dma_wait3A_26 : memref<40x512xf32, #tpu.memory_space<hbm>>)
    %add3A_27 = arith.constant 0 : i32
    %add3A_28 = arith.addi %mul3A_2, %add3A_27 : i32
    %dma_wait3A_29 = arith.constant 0 : i32
    %dma_wait3A_30 = tpu.memref_slice %arg4[%add3A_28, %dma_wait3A_29] : memref<204800x512xf32, #tpu.memory_space<hbm>> -> memref<40x512xf32, #tpu.memory_space<hbm>>
    %dma_wait3A_31 = arith.constant 0 : i32
    %dma_wait3A_32 = tpu.memref_slice %arg4[%add3A_28, %dma_wait3A_31] : memref<204800x512xf32, #tpu.memory_space<hbm>> -> memref<40x512xf32, #tpu.memory_space<hbm>>
    tpu.wait_dma2 semaphore(%arg17 : memref<!tpu.dma_semaphore, #tpu.memory_space<semaphore_mem>>) src(%arg7 : memref<40x512xf32, #tpu.memory_space<vmem>>) dst(%dma_wait3A_32 : memref<40x512xf32, #tpu.memory_space<hbm>>)
    %add3A_33 = arith.constant 0 : i32
    %add3A_34 = arith.addi %mul3A_2, %add3A_33 : i32
    %dma_wait3A_35 = arith.constant 0 : i32
    %dma_wait3A_36 = tpu.memref_slice %arg4[%add3A_34, %dma_wait3A_35] : memref<204800x512xf32, #tpu.memory_space<hbm>> -> memref<40x512xf32, #tpu.memory_space<hbm>>
    %dma_wait3A_37 = arith.constant 0 : i32
    %dma_wait3A_38 = tpu.memref_slice %arg4[%add3A_34, %dma_wait3A_37] : memref<204800x512xf32, #tpu.memory_space<hbm>> -> memref<40x512xf32, #tpu.memory_space<hbm>>
    tpu.wait_dma2 semaphore(%arg18 : memref<!tpu.dma_semaphore, #tpu.memory_space<semaphore_mem>>) src(%arg8 : memref<40x512xf32, #tpu.memory_space<vmem>>) dst(%dma_wait3A_38 : memref<40x512xf32, #tpu.memory_space<hbm>>)
    %add3A_39 = arith.constant 0 : i32
    %add3A_40 = arith.addi %mul3A_2, %add3A_39 : i32
    %dma_wait3A_41 = arith.constant 0 : i32
    %dma_wait3A_42 = tpu.memref_slice %arg4[%add3A_40, %dma_wait3A_41] : memref<204800x512xf32, #tpu.memory_space<hbm>> -> memref<40x512xf32, #tpu.memory_space<hbm>>
    %dma_wait3A_43 = arith.constant 0 : i32
    %dma_wait3A_44 = tpu.memref_slice %arg4[%add3A_40, %dma_wait3A_43] : memref<204800x512xf32, #tpu.memory_space<hbm>> -> memref<40x512xf32, #tpu.memory_space<hbm>>
    tpu.wait_dma2 semaphore(%arg19 : memref<!tpu.dma_semaphore, #tpu.memory_space<semaphore_mem>>) src(%arg9 : memref<40x512xf32, #tpu.memory_space<vmem>>) dst(%dma_wait3A_44 : memref<40x512xf32, #tpu.memory_space<hbm>>)
    %add3A_45 = arith.constant 0 : i32
    %add3A_46 = arith.addi %mul3A_2, %add3A_45 : i32
    %dma_wait3A_47 = arith.constant 0 : i32
    %dma_wait3A_48 = tpu.memref_slice %arg4[%add3A_46, %dma_wait3A_47] : memref<204800x512xf32, #tpu.memory_space<hbm>> -> memref<40x512xf32, #tpu.memory_space<hbm>>
    %dma_wait3A_49 = arith.constant 0 : i32
    %dma_wait3A_50 = tpu.memref_slice %arg4[%add3A_46, %dma_wait3A_49] : memref<204800x512xf32, #tpu.memory_space<hbm>> -> memref<40x512xf32, #tpu.memory_space<hbm>>
    tpu.wait_dma2 semaphore(%arg20 : memref<!tpu.dma_semaphore, #tpu.memory_space<semaphore_mem>>) src(%arg10 : memref<40x512xf32, #tpu.memory_space<vmem>>) dst(%dma_wait3A_50 : memref<40x512xf32, #tpu.memory_space<hbm>>)
    return
  }
}

</mosaic_0001>

<sc_bundles>
// kernel: kernel.3.cloned.1.call-start
scs
__scs_entry_jumppad:
0x0: {  	(pc) =	sbr.rel $0x88, $3  }
0x1: {  	(tag) =	ssettag $0x0;
	lr =	simm.s32 $0x1  }
0x2: {  	[smem:$0x3F9F] =	sst lr;
	_ =	strace $0xD0000000  }
0x3: {  	_ = 	snop  }
0x4: {  	_ = 	snop  }
0x5: {  	_ = 	snop  }
0x6: {  	_ = 	snop  }
0x7: {  	_ = 	snop  }
__scs_overlays_trampoline_lowered:
0x8: {  	[smem:$0x3FAE] =	sst s0  }
0x9: {  	[smem:$0x3FAF] =	sst s1  }
0xa: {  	[smem:$0x3FB0] =	sst s2  }
0xb: {  	[smem:$0x3FB1] =	sst s3  }
0xc: {  	[smem:$0x3FB2] =	sst s4  }
0xd: {  	[smem:$0x3FB3] =	sst s5  }
0xe: {  	[smem:$0x3FB4] =	sst s6  }
0xf: {  	[smem:$0x3FB5] =	sst s7  }
0x10: {  	[smem:$0x3FB6] =	sst s8  }
0x11: {  	[smem:$0x3FB7] =	sst s9;
	s0 =	simm.s32 @!p0 $0x0  }
0x12: {  	s1 =	sld [smem:$0x3F9D];
	s0 =	simm.s32 @p0 $0x1  }
0x13: {  	[smem:$0x3FB8] =	sst s0;
	s0 =	simm.s32 @!p1 $0x0  }
0x14: {  	s2 =	sld [smem:$0x3F9C];
	s0 =	simm.s32 @p1 $0x1  }
0x15: {  	[smem:$0x3FB9] =	sst s0;
	s0 =	simm.s32 @!p2 $0x0  }
0x16: {  	s3 =	sld [smem:$0x3FDB];
	s0 =	simm.s32 @p2 $0x1  }
0x17: {  	s4 =	simm.s32 $0x1BF5;
	[smem:$0x3FBB] =	sst s0  }
0x18: {  	s0 =	sld [smem:$0x3F9E];
	_ =	swait.ge [sflag:s4], $0x0  }
0x19: {  	s7 =	sld [smem:$0x3F9F]  }
0x1a: {  	s8 =	sadd.s32 $0xFFFFE003, lr  }
0x1b: {  	s9 =	sadd.s32 $0xFFFFFEF7, lr;
	s5 =	simm.s32 $0xFFFFFFFF;
	p2 =	slt.u32 s8, $0xFFFFF086  }
0x1c: {  	p1 =	slt.u32 s9, $0xF7A;
	s5 =	simm.s32 @!p2 $0x0  }
0x1d: {  	s5 =	simm.s32 @p1 $0x1;
	p0 =	seq.s32 s7, s2  }
0x1e: {  	s7 =	smul.u32 @!p0 $0xF7A, s2;
	p2 =	seq.s32 @!p0 s5, $0x0  }
0x1f: {  	s9 =	smul.u32 $0xF7A, s1;
	s8 =	simm.s32 @!p0 $0x1BF5;
	p2 =	por !p2, p0  }
0x20: {  	[sflag:s8] =	ssyncset.s32 @!p0 $0xFFFFF086;
	s6 =	sadd.s32 @!p0 s3, s7;
	s7 =	simm.s32 @!p0 $0x108  }
0x21: {  	s3 =	sadd.s32 s3, s9;
	s6 =	sadd.s32 @!p0 $0x88, s6;
	s7 =	simm.s32 @p2 $0x1082  }
0x22: {  	[simem:s7], [sflag:s8] =	dma.local @!p0 [hbm:s6], $0xF7A  }
0x23: {  	s9 =	sor.u32 $0xD0000000, s2;
	s6 =	simm.s32 $0x108;
	_ =	swait.ge @!p0 [sflag:s8], $0x0  }
0x24: {  	s3 =	sadd.s32 $0x88, s3;
	s6 =	simm.s32 @!p1 $0x1082;
	[sflag:s4] =	ssyncset.s32 $0xFFFFF086  }
0x25: {  	[simem:s6], [sflag:s4] =	dma.local [hbm:s3], $0xF7A  }
0x26: {  	[smem:$0x3F9F] =	sst s1;
	(tag) =	ssettag s2;
	_ =	strace s9  }
0x27: {  	s1 =	sld [smem:$0x3FAF]  }
0x28: {  	s2 =	sld [smem:$0x3FB0]  }
0x29: {  	s4 =	sld [smem:$0x3FB2]  }
0x2a: {  	p0 =	seq.s32 s5, $0x0;
	s5 =	sld [smem:$0x3FB3]  }
0x2b: {  	s6 =	sld [smem:$0x3FB4]  }
0x2c: {  	s7 =	sld [smem:$0x3FB5]  }
0x2d: {  	s3 =	simm.s32 $0x108;
	s8 =	sld [smem:$0x3FB6]  }
0x2e: {  	s3 =	simm.s32 @!p0 $0x1082;
	s9 =	sld [smem:$0x3FB7]  }
0x2f: {  	lr =	sadd.s32 s0, s3;
	s0 =	sld [smem:$0x3FAE]  }
0x30: {  	s3 =	sld [smem:$0x3FB1]  }
0x31: {  	[smem:$0x3FBA] =	sst s10  }
0x32: {  	s10 =	sld [smem:$0x3FB8];
	_ =	sdelay $0x3  }
0x33: {  	p0 =	seq.s32 s10, $0x1;
	s10 =	sld [smem:$0x3FBA];
	_ =	sdelay $0x3  }
0x34: {  	[smem:$0x3FBA] =	sst s10  }
0x35: {  	s10 =	sld [smem:$0x3FB9];
	_ =	sdelay $0x3  }
0x36: {  	p1 =	seq.s32 s10, $0x1;
	s10 =	sld [smem:$0x3FBA];
	_ =	sdelay $0x3  }
0x37: {  	[smem:$0x3FBA] =	sst s10  }
0x38: {  	s10 =	sld [smem:$0x3FBB]  }
0x39: {  	_ = 	snop;
	(pc) =	sbr.ind lr, $3  }
0x3a: {  	_ = 	snop  }
0x3b: {  	_ = 	snop  }
0x3c: {  	p2 =	seq.s32 s10, $0x1;
	s10 =	sld [smem:$0x3FBA]  }
0x3d: {  	_ =	shalt  }
0x3e: {  	_ =	shalt  }
0x3f: {  	_ =	shalt  }
0x40: {  	_ =	shalt  }
0x41: {  	_ =	shalt  }
0x42: {  	_ =	shalt  }
0x43: {  	_ =	shalt  }
0x44: {  	_ =	shalt  }
0x45: {  	_ =	shalt  }
0x46: {  	_ =	shalt  }
0x47: {  	_ =	shalt  }
0x48: {  	_ =	shalt  }
0x49: {  	_ =	shalt  }
0x4a: {  	_ =	shalt  }
0x4b: {  	_ =	shalt  }
0x4c: {  	_ =	shalt  }
0x4d: {  	_ =	shalt  }
0x4e: {  	_ =	shalt  }
0x4f: {  	_ =	shalt  }
0x50: {  	_ =	shalt  }
0x51: {  	_ =	shalt  }
0x52: {  	_ =	shalt  }
0x53: {  	_ =	shalt  }
0x54: {  	_ =	shalt  }
0x55: {  	_ =	shalt  }
0x56: {  	_ =	shalt  }
0x57: {  	_ =	shalt  }
0x58: {  	_ =	shalt  }
0x59: {  	_ =	shalt  }
0x5a: {  	_ =	shalt  }
0x5b: {  	_ =	shalt  }
0x5c: {  	_ =	shalt  }
0x5d: {  	_ =	shalt  }
0x5e: {  	_ =	shalt  }
0x5f: {  	_ =	shalt  }
0x60: {  	_ =	shalt  }
0x61: {  	_ =	shalt  }
0x62: {  	_ =	shalt  }
0x63: {  	_ =	shalt  }
0x64: {  	_ =	shalt  }
0x65: {  	_ =	shalt  }
0x66: {  	_ =	shalt  }
0x67: {  	_ =	shalt  }
0x68: {  	_ =	shalt  }
0x69: {  	_ =	shalt  }
0x6a: {  	_ =	shalt  }
0x6b: {  	_ =	shalt  }
0x6c: {  	_ =	shalt  }
0x6d: {  	_ =	shalt  }
0x6e: {  	_ =	shalt  }
0x6f: {  	_ =	shalt  }
0x70: {  	_ =	shalt  }
0x71: {  	_ =	shalt  }
0x72: {  	_ =	shalt  }
0x73: {  	_ =	shalt  }
0x74: {  	_ =	shalt  }
0x75: {  	_ =	shalt  }
0x76: {  	_ =	shalt  }
0x77: {  	_ =	shalt  }
0x78: {  	_ =	shalt  }
0x79: {  	_ =	shalt  }
0x7a: {  	_ =	shalt  }
0x7b: {  	_ =	shalt  }
0x7c: {  	_ =	shalt  }
0x7d: {  	_ =	shalt  }
0x7e: {  	_ =	shalt  }
0x7f: {  	_ =	shalt  }
0x80: {  	_ =	shalt  }
0x81: {  	_ =	shalt  }
0x82: {  	_ =	shalt  }
0x83: {  	_ =	shalt  }
0x84: {  	_ =	shalt  }
0x85: {  	_ =	shalt  }
0x86: {  	_ =	shalt  }
0x87: {  	_ =	shalt  }
.Lfunc_end0:
.L_simem_size_0:
called_computation_lowered:
.L_overlay_start_0:
0x88: {  	s2 =	sld [smem:$0x3FD9]  }
0x89: {  	s3 =	sld [smem:$0x3FFE];
	_ =	sdelay $0x1  }
0x8a: {  	s1 =	srdreg.scid  }
0x8b: {  	s0 =	sand.u32 $0x1, s1  }
0x8c: {  	s17 =	sshll.u32 s0, $0xA;
	s2 =	sadd.s32 s3, s2  }
0x8d: {  	s2 =	sadd.s32 s2, s17  }
0x8e: {  	[smem:$0x3FC6] =	sst s2  }
0x8f: {  	_ = 	snop  }
0x90: {  	s2 =	sld [smem:$0x3FC8]  }
0x91: {  	s18 =	sld [smem:$0x3FD0];
	(tm) =	ssettm $0x1  }
0x92: {  	s4 =	sld [smem:$0x3FFB];
	_ =	sdelay $0x3  }
0x93: {  	_ =	strace s4  }
0x94: {  	s4 =	sld [smem:$0x3FFC];
	_ =	sdelay $0x3  }
0x95: {  	_ =	strace s4  }
0x96: {  	s4 =	sld [smem:$0x3FFD];
	_ =	sdelay $0x3  }
0x97: {  	_ =	strace s4  }
0x98: {  	_ =	strace $0x8FFFFFFF  }
0x99: {  	s19 =	sld [smem:$0x3FDB];
	_ =	sdelay $0x1  }
0x9a: {  	s5 =	simm.s32 $_scs_section_size  }
0x9b: {  	s6 =	simm.s32 $_size__tile_overlayer_lowered;
	s7 =	simm.s32 $_tile_overlayer_lowered  }
0x9c: {  	s22 =	simm.s32 $0x1BFF;
	s21 =	sshll.u32 s7, $0x1;
	s4 =	sadd.s32 s5, s19  }
0x9d: {  	s8 =	simm.s32 $0x0;
	s20 =	sshll.u32 s6, $0x1;
	s6 =	sadd.s32 s21, s4  }
0x9e: {  	[timem:s8], [sflag:s22] =	dma.local [hbm:s6], s20  }
0x9f: {  	_ =	swait.ge [sflag:s22], s20  }
0xa0: {  	s5 =	ssub.s32 $0x0, s20;
	[sflag:s22] =	ssyncset.done $0x0  }
0xa1: {  	[sflag:s22] =	ssyncadd.s32 s5;
	_ =	sdelay $0x1  }
0xa2: {  	s23 =	simm.s32 $0x1B8B  }
0xa3: {  	_ =	swait.ge [sflag:s23], $0x1  }
0xa4: {  	[sflag:s23] =	ssyncset.done $0x0  }
0xa5: {  	s25 =	simm.s32 $0x1B8E;
	s24 =	sld [smem:$0x3FFE];
	[sflag:s23] =	ssyncadd.s32 $0xFFFFFFFF  }
0xa6: {  	s26 =	simm.s32 $execute0_lowered;
	[smem:$0x3FD2] =	sst s25  }
0xa7: {  	s6 =	sshll.u32 s26, $0x1;
	_ =	strace $0x80000046;
	[dreg:$0x1] =	wrdreg $0xFFFFFFFF  }
0xa8: {  	s28 =	simm.s32 $_size_execute0_lowered;
	s4 =	sadd.s32 s4, s6;
	[dreg:$0x0] =	wrdreg $0x0  }
0xa9: {  	s6 =	sshll.u32 s28, $0x1;
	[dreg:$0x2] =	wrdreg s4  }
0xaa: {  	[dreg:$0x3] =	wrdreg s6  }
0xab: {  	[dreg:$0x4] =	wrdreg $0xC0  }
0xac: {  	_ =	task [dreg:s8], $0x5FFFF  }
0xad: {  	[dreg:$0x1] =	wrdreg $0xFFFFFFFF  }
0xae: {  	[dreg:$0x0] =	wrdreg $0x60  }
0xaf: {  	[dreg:$0x2] =	wrdreg s24  }
0xb0: {  	[dreg:$0x3] =	wrdreg s2  }
0xb1: {  	[dreg:$0x4] =	wrdreg s18  }
0xb2: {  	[dreg:$0x5] =	wrdreg $0x9  }
0xb3: {  	_ =	task.clear_ibuf [dreg:s8], $0x6FFFF;
	_ =	strace $0x90000046  }
0xb4: {  	s29 =	simm.s32 $0x9;
	_ =	strace $0x80000048  }
0xb5: {  	_ =	swait.ge [sflag:s29], $0x1  }
0xb6: {  	[sflag:s29] =	ssyncadd.s32 $0xFFFFFFFF  }
0xb7: {  	_ =	strace $0x90000048  }
0xb8: {  	_ =	sfence  }
0xb9: {  	s30 =	sld [smem:$0x0];
	_ =	sdelay $0x2  }
0xba: {  	s31 =	sshll.u32 s1, $0xD;
	s1 =	sshrl.u32 s1, $0x2  }
0xbb: {  	s3 =	sand.u32 $0x4000, s31;
	s1 =	sadd.s32 s1, s30  }
0xbc: {  	s0 =	sor.u32 s3, s0;
	s1 =	sshll.u32 s1, $0x11  }
0xbd: {  	s0 =	sor.u32 s1, s0  }
0xbe: {  	s0 =	sadd.s32 $0x8F2B, s0  }
0xbf: {  	[sflag:s0] =	ssyncadd.remote.s32 $0x1  }
0xc0: {  	_ =	sfence.sel $0xFFFF  }
0xc1: {  	[dreg:$0x0] =	wrdreg $0xFFFFFFFF;
	(pc) =	sbr.abs _section_cstart, $3  }
0xc2: {  	[dreg:$0x1] =	wrdreg $0xFFFFFFFF  }
0xc3: {  	_ =	task.clear_ibuf [dreg:s8], $0x2FFFF;
	_ =	strace $0x9FFFFFFF  }
0xc4: {  	(tm) =	ssettm $0x7FFFFFFF  }
0xc5: {  	_ =	shalt  }
tec
execute0_lowered:
.L_overlay_start_1:
0x0: {  	(tag) =	ssettag $0x1  }
0x1: {  	s0 =	srdreg.scid  }
0x2: {  	s2 =	stileid.u32;
	s1 =	rddreg [dreg:$0x0]  }
0x3: {  	s5 =	simm.s32 $0x0;
	s12 =	simm.s32 $0x1900;
	s22 =	simm.s32 $0x6900  }
0x4: {  	s23 =	simm.s32 $0x10900;
	s14 =	simm.s32 $0x1;
	s15 =	simm.s32 $0x15900  }
0x5: {  	s21 =	simm.s32 $0x18900;
	s10 =	simm.s32 $0x19900;
	s11 =	simm.s32 $0x1A100  }
0x6: {  	s24 =	simm.s32 $0x2;
	s25 =	simm.s32 $0x3;
	s26 =	simm.s32 $0x4  }
0x7: {  	s28 =	simm.s32 $0x5;
	s0 =	sand.u32 $0x1, s0;
	s3 =	sshll.u32 s2, $0x1  }
0x8: {  	s16 =	simm.s32 $0x0;
	s2 =	rddreg [dreg:$0x1];
	s4 =	sor.u32 s0, s3  }
0x9: {  	[smem:$0x7FF] =	sst s5;
	s0 =	ssub.s32 $0x2, s0;
	s4 =	smul.u32 $0x1900, s4  }
0xa: {  	s3 =	rddreg [dreg:$0x2];
	_ =	strace $0x80000047;
	s31 =	sshrl.u32 s0, $0x1  }
0xb: {  	s7 =	sadd.s32 $0x100, s2;
	s0 =	ssub.s32 s0, s31;
	s6 =	sshrl.u32 s4, $0x3  }
0xc: {  	v2 =	vlaneseq.u32;
	s8 =	sor.u32 $0x28, s4;
	s0 =	smax.u32 s0, $0x1;
	s1 =	sadd.s32 s6, s1  }
0xd: {  	vm0 =	vmmov $0xffff;
	v1 =	vshrl.u32 v2, $0x3;
	s9 =	sor.u32 $0x50, s4;
	[dreg:$0x5] =	wrdreg s0;
	s1 =	sadd.s32 $0x400, s1  }
0xe: {  	v0 =	vand.u32 $0x7, v2;
	v2 =	vor.u32 $0x8, v2;
	v1 =	vmul.u32 $0x8, v1;
	s0 =	simm.s32 $0xB900;
	s6 =	simm.s32 $0x19100;
	[dreg:$0x4] =	wrdreg s1  }
.LBB2_1:
0xf: {  	[dreg:$0x6] =	wrdreg s16  }
0x10: {  	s1 =	rddreg [dreg:$0x4];
	s19 =	simm.s32 $0xB  }
0x11: {  	[tilespmem:s5], [sflag:$0xB] =	stream.linear.gather [hbm4b:s1+s5], $0x1900, $0x38;
	[tilespmem:$0x1A900] =	vst v63  }
0x12: {  	_ =	swait.ge [sflag:s19], $0x1900  }
0x13: {  	[sflag:s19] =	ssyncset.done $0x0  }
0x14: {  	[sflag:s19] =	ssyncadd.s32 $0xFFFFE700  }
0x15: {  	v3 =	vld [tilespmem:$0x0];
	_ =	sdelay $0x4  }
0x16: {  	v4 =	vshll.u32 v3, $0x2  }
0x17: {  	v3 =	vand.u32 $0x7, v3;
	v4 =	vand.u32 $0xFFFFFFE0, v4  }
0x18: {  	v3 =	vor.u32 v3, v4  }
0x19: {  	v4 =	vperm.xlane v3, v0;
	_ =	sdelay $0x1  }
0x1a: {  	v4 =	vadd.s32 v1, v4;
	_ =	sdelay $0x1  }
0x1b: {  	v3 =	vperm.xlane v3, v2;
	_ =	sdelay $0x1  }
0x1c: {  	v3 =	vadd.s32 v1, v3  }
0x1d: {  	[tilespmem:s12], [sflag:$0x1] =	stream.indirect_vreg.gather [hbm4b:s2+s5], $0x80, v4, vm0, $0xb8;
	[tilespmem:$0x1A900] =	vst v63  }
0x1e: {  	s20 =	simm.s32 $0x2100  }
0x1f: {  	[tilespmem:s20], [sflag:$0x1] =	stream.indirect_vreg.gather [hbm4b:s7+s5], $0x80, v4, vm0, $0xb8;
	[tilespmem:$0x1A900] =	vst v63  }
0x20: {  	s30 =	simm.s32 $0x2900  }
0x21: {  	[tilespmem:s30], [sflag:$0x1] =	stream.indirect_vreg.gather [hbm4b:s2+s5], $0x80, v3, vm0, $0xb8;
	[tilespmem:$0x1A900] =	vst v63  }
0x22: {  	s31 =	simm.s32 $0x3100  }
0x23: {  	[tilespmem:s31], [sflag:$0x1] =	stream.indirect_vreg.gather [hbm4b:s7+s5], $0x80, v3, vm0, $0xb8;
	[tilespmem:$0x1A900] =	vst v63  }
0x24: {  	v3 =	vld [tilespmem:$0x10];
	_ =	sdelay $0x4  }
0x25: {  	v56 =	vshll.u32 v3, $0x2  }
0x26: {  	v3 =	vand.u32 $0x7, v3;
	v4 =	vand.u32 $0xFFFFFFE0, v56  }
0x27: {  	v3 =	vor.u32 v3, v4  }
0x28: {  	v4 =	vperm.xlane v3, v0;
	_ =	sdelay $0x1  }
0x29: {  	v4 =	vadd.s32 v1, v4;
	_ =	sdelay $0x1  }
0x2a: {  	v3 =	vperm.xlane v3, v2;
	_ =	sdelay $0x1  }
0x2b: {  	s13 =	simm.s32 $0x3900;
	v3 =	vadd.s32 v1, v3  }
0x2c: {  	[tilespmem:s13], [sflag:$0x1] =	stream.indirect_vreg.gather [hbm4b:s2+s5], $0x80, v4, vm0, $0xb8;
	[tilespmem:$0x1A900] =	vst v63  }
0x2d: {  	s16 =	simm.s32 $0x4100  }
0x2e: {  	[tilespmem:s16], [sflag:$0x1] =	stream.indirect_vreg.gather [hbm4b:s7+s5], $0x80, v4, vm0, $0xb8;
	[tilespmem:$0x1A900] =	vst v63  }
0x2f: {  	s17 =	simm.s32 $0x4900  }
0x30: {  	[tilespmem:s17], [sflag:$0x1] =	stream.indirect_vreg.gather [hbm4b:s2+s5], $0x80, v3, vm0, $0xb8;
	[tilespmem:$0x1A900] =	vst v63  }
0x31: {  	s18 =	simm.s32 $0x5100  }
0x32: {  	[tilespmem:s18], [sflag:$0x1] =	stream.indirect_vreg.gather [hbm4b:s7+s5], $0x80, v3, vm0, $0xb8;
	[tilespmem:$0x1A900] =	vst v63  }
0x33: {  	v3 =	vld.msk [tilespmem:$0x20], $0xff;
	_ =	sdelay $0x4  }
0x34: {  	v57 =	vshll.u32 v3, $0x2  }
0x35: {  	v3 =	vand.u32 $0x7, v3;
	v4 =	vand.u32 $0xFFFFFFE0, v57  }
0x36: {  	v3 =	vor.u32 v3, v4  }
0x37: {  	v3 =	vperm.xlane v3, v0;
	_ =	sdelay $0x1  }
0x38: {  	v3 =	vadd.s32 v1, v3;
	_ =	sdelay $0x3  }
0x39: {  	s19 =	simm.s32 $0x5900  }
0x3a: {  	[tilespmem:s19], [sflag:$0x1] =	stream.indirect_vreg.gather [hbm4b:s2+s5], $0x80, v3, vm0, $0xb8;
	[tilespmem:$0x1A900] =	vst v63  }
0x3b: {  	s20 =	simm.s32 $0x6100  }
0x3c: {  	[tilespmem:s20], [sflag:$0x1] =	stream.indirect_vreg.gather [hbm4b:s7+s5], $0x80, v3, vm0, $0xb8;
	[tilespmem:$0x1A900] =	vst v63  }
0x3d: {  	v3 =	vld [tilespmem:$0x28];
	_ =	sdelay $0x4  }
0x3e: {  	v58 =	vshll.u32 v3, $0x2  }
0x3f: {  	v3 =	vand.u32 $0x7, v3;
	v4 =	vand.u32 $0xFFFFFFE0, v58  }
0x40: {  	v3 =	vor.u32 v3, v4  }
0x41: {  	v4 =	vperm.xlane v3, v0;
	_ =	sdelay $0x1  }
0x42: {  	v4 =	vadd.s32 v1, v4;
	_ =	sdelay $0x1  }
0x43: {  	v3 =	vperm.xlane v3, v2;
	_ =	sdelay $0x1  }
0x44: {  	v3 =	vadd.s32 v1, v3  }
0x45: {  	[tilespmem:s22], [sflag:$0x2] =	stream.indirect_vreg.gather [hbm4b:s2+s5], $0x80, v4, vm0, $0xb8;
	[tilespmem:$0x1A900] =	vst v63  }
0x46: {  	s30 =	simm.s32 $0x7100  }
0x47: {  	[tilespmem:s30], [sflag:$0x2] =	stream.indirect_vreg.gather [hbm4b:s7+s5], $0x80, v4, vm0, $0xb8;
	[tilespmem:$0x1A900] =	vst v63  }
0x48: {  	s31 =	simm.s32 $0x7900  }
0x49: {  	[tilespmem:s31], [sflag:$0x2] =	stream.indirect_vreg.gather [hbm4b:s2+s5], $0x80, v3, vm0, $0xb8;
	[tilespmem:$0x1A900] =	vst v63  }
0x4a: {  	s13 =	simm.s32 $0x8100  }
0x4b: {  	[tilespmem:s13], [sflag:$0x2] =	stream.indirect_vreg.gather [hbm4b:s7+s5], $0x80, v3, vm0, $0xb8;
	[tilespmem:$0x1A900] =	vst v63  }
0x4c: {  	v3 =	vld [tilespmem:$0x38];
	_ =	sdelay $0x4  }
0x4d: {  	v59 =	vshll.u32 v3, $0x2  }
0x4e: {  	v3 =	vand.u32 $0x7, v3;
	v4 =	vand.u32 $0xFFFFFFE0, v59  }
0x4f: {  	v3 =	vor.u32 v3, v4  }
0x50: {  	v4 =	vperm.xlane v3, v0;
	_ =	sdelay $0x1  }
0x51: {  	v4 =	vadd.s32 v1, v4;
	_ =	sdelay $0x1  }
0x52: {  	v3 =	vperm.xlane v3, v2;
	_ =	sdelay $0x1  }
0x53: {  	s16 =	simm.s32 $0x8900;
	v3 =	vadd.s32 v1, v3  }
0x54: {  	[tilespmem:s16], [sflag:$0x2] =	stream.indirect_vreg.gather [hbm4b:s2+s5], $0x80, v4, vm0, $0xb8;
	[tilespmem:$0x1A900] =	vst v63  }
0x55: {  	s17 =	simm.s32 $0x9100  }
0x56: {  	[tilespmem:s17], [sflag:$0x2] =	stream.indirect_vreg.gather [hbm4b:s7+s5], $0x80, v4, vm0, $0xb8;
	[tilespmem:$0x1A900] =	vst v63  }
0x57: {  	s18 =	simm.s32 $0x9900  }
0x58: {  	[tilespmem:s18], [sflag:$0x2] =	stream.indirect_vreg.gather [hbm4b:s2+s5], $0x80, v3, vm0, $0xb8;
	[tilespmem:$0x1A900] =	vst v63  }
0x59: {  	s19 =	simm.s32 $0xA100  }
0x5a: {  	[tilespmem:s19], [sflag:$0x2] =	stream.indirect_vreg.gather [hbm4b:s7+s5], $0x80, v3, vm0, $0xb8;
	[tilespmem:$0x1A900] =	vst v63  }
0x5b: {  	v3 =	vld.msk [tilespmem:$0x48], $0xff;
	_ =	sdelay $0x4  }
0x5c: {  	v60 =	vshll.u32 v3, $0x2  }
0x5d: {  	v3 =	vand.u32 $0x7, v3;
	v4 =	vand.u32 $0xFFFFFFE0, v60  }
0x5e: {  	v3 =	vor.u32 v3, v4  }
0x5f: {  	v3 =	vperm.xlane v3, v0;
	_ =	sdelay $0x1  }
0x60: {  	v3 =	vadd.s32 v1, v3;
	_ =	sdelay $0x3  }
0x61: {  	s20 =	simm.s32 $0xA900  }
0x62: {  	[tilespmem:s20], [sflag:$0x2] =	stream.indirect_vreg.gather [hbm4b:s2+s5], $0x80, v3, vm0, $0xb8;
	[tilespmem:$0x1A900] =	vst v63  }
0x63: {  	s30 =	simm.s32 $0xB100  }
0x64: {  	[tilespmem:s30], [sflag:$0x2] =	stream.indirect_vreg.gather [hbm4b:s7+s5], $0x80, v3, vm0, $0xb8;
	[tilespmem:$0x1A900] =	vst v63  }
0x65: {  	v3 =	vld [tilespmem:$0x50];
	_ =	sdelay $0x4  }
0x66: {  	v61 =	vshll.u32 v3, $0x2  }
0x67: {  	v3 =	vand.u32 $0x7, v3;
	v4 =	vand.u32 $0xFFFFFFE0, v61  }
0x68: {  	v3 =	vor.u32 v3, v4  }
0x69: {  	v4 =	vperm.xlane v3, v0;
	_ =	sdelay $0x1  }
0x6a: {  	v4 =	vadd.s32 v1, v4;
	_ =	sdelay $0x1  }
0x6b: {  	v3 =	vperm.xlane v3, v2;
	_ =	sdelay $0x1  }
0x6c: {  	v3 =	vadd.s32 v1, v3  }
0x6d: {  	[tilespmem:s0], [sflag:$0x3] =	stream.indirect_vreg.gather [hbm4b:s2+s5], $0x80, v4, vm0, $0xb8;
	[tilespmem:$0x1A900] =	vst v63  }
0x6e: {  	s31 =	simm.s32 $0xC100  }
0x6f: {  	[tilespmem:s31], [sflag:$0x3] =	stream.indirect_vreg.gather [hbm4b:s7+s5], $0x80, v4, vm0, $0xb8;
	[tilespmem:$0x1A900] =	vst v63  }
0x70: {  	s13 =	simm.s32 $0xC900  }
0x71: {  	[tilespmem:s13], [sflag:$0x3] =	stream.indirect_vreg.gather [hbm4b:s2+s5], $0x80, v3, vm0, $0xb8;
	[tilespmem:$0x1A900] =	vst v63  }
0x72: {  	s16 =	simm.s32 $0xD100  }
0x73: {  	[tilespmem:s16], [sflag:$0x3] =	stream.indirect_vreg.gather [hbm4b:s7+s5], $0x80, v3, vm0, $0xb8;
	[tilespmem:$0x1A900] =	vst v63  }
0x74: {  	v3 =	vld [tilespmem:$0x60];
	_ =	sdelay $0x4  }
0x75: {  	v62 =	vshll.u32 v3, $0x2  }
0x76: {  	v3 =	vand.u32 $0x7, v3;
	v4 =	vand.u32 $0xFFFFFFE0, v62  }
0x77: {  	v3 =	vor.u32 v3, v4  }
0x78: {  	v4 =	vperm.xlane v3, v0;
	_ =	sdelay $0x1  }
0x79: {  	v4 =	vadd.s32 v1, v4;
	_ =	sdelay $0x1  }
0x7a: {  	v3 =	vperm.xlane v3, v2;
	_ =	sdelay $0x1  }
0x7b: {  	s17 =	simm.s32 $0xD900;
	v3 =	vadd.s32 v1, v3  }
0x7c: {  	[tilespmem:s17], [sflag:$0x3] =	stream.indirect_vreg.gather [hbm4b:s2+s5], $0x80, v4, vm0, $0xb8;
	[tilespmem:$0x1A900] =	vst v63  }
0x7d: {  	s18 =	simm.s32 $0xE100  }
0x7e: {  	[tilespmem:s18], [sflag:$0x3] =	stream.indirect_vreg.gather [hbm4b:s7+s5], $0x80, v4, vm0, $0xb8;
	[tilespmem:$0x1A900] =	vst v63  }
0x7f: {  	s19 =	simm.s32 $0xE900  }
0x80: {  	[tilespmem:s19], [sflag:$0x3] =	stream.indirect_vreg.gather [hbm4b:s2+s5], $0x80, v3, vm0, $0xb8;
	[tilespmem:$0x1A900] =	vst v63  }
0x81: {  	s20 =	simm.s32 $0xF100  }
0x82: {  	[tilespmem:s20], [sflag:$0x3] =	stream.indirect_vreg.gather [hbm4b:s7+s5], $0x80, v3, vm0, $0xb8;
	[tilespmem:$0x1A900] =	vst v63  }
0x83: {  	v3 =	vld.msk [tilespmem:$0x70], $0xff;
	_ =	sdelay $0x4  }
0x84: {  	v63 =	vshll.u32 v3, $0x2  }
0x85: {  	v3 =	vand.u32 $0x7, v3;
	v4 =	vand.u32 $0xFFFFFFE0, v63  }
0x86: {  	v3 =	vor.u32 v3, v4  }
0x87: {  	v3 =	vperm.xlane v3, v0;
	_ =	sdelay $0x1  }
0x88: {  	v3 =	vadd.s32 v1, v3;
	_ =	sdelay $0x3  }
0x89: {  	s30 =	simm.s32 $0xF900  }
0x8a: {  	[tilespmem:s30], [sflag:$0x3] =	stream.indirect_vreg.gather [hbm4b:s2+s5], $0x80, v3, vm0, $0xb8;
	[tilespmem:$0x1A900] =	vst v63  }
0x8b: {  	s29 =	simm.s32 $0x0;
	s31 =	simm.s32 $0x10100  }
0x8c: {  	[tilespmem:s31], [sflag:$0x3] =	stream.indirect_vreg.gather [hbm4b:s7+s5], $0x80, v3, vm0, $0xb8;
	[tilespmem:$0x1A900] =	vst v63  }
.LBB2_2:
0x8d: {  	s1 =	smul.u32 $0x5, s29  }
0x8e: {  	p0 =	seq.s32 s29, $0x0  }
0x8f: {  	s13 =	simm.s32 @!p0 $0x9;
	s31 =	sadd.s32 $0x3, s1  }
0x90: {  	_ =	swait.ge @!p0 [sflag:s13], $0x5000;
	s16 =	smul.u32 $0xA0, s31  }
0x91: {  	[sflag:s13] =	ssyncset.done @!p0 $0x0  }
0x92: {  	[sflag:s13] =	ssyncadd.s32 @!p0 $0xFFFFB000;
	s13 =	sshra.s32 s16, $0x2  }
0x93: {  	v3 =	vld [tilespmem:s13+$0x0];
	_ =	sdelay $0x4  }
0x94: {  	v4 =	vshll.u32 v3, $0x2  }
0x95: {  	v3 =	vand.u32 $0x7, v3;
	v4 =	vand.u32 $0xFFFFFFE0, v4  }
0x96: {  	v3 =	vor.u32 v3, v4  }
0x97: {  	v4 =	vperm.xlane v3, v0;
	_ =	sdelay $0x1  }
0x98: {  	v4 =	vadd.s32 v1, v4;
	_ =	sdelay $0x1  }
0x99: {  	v3 =	vperm.xlane v3, v2;
	_ =	sdelay $0x1  }
0x9a: {  	s16 =	simm.s32 $0x0;
	v3 =	vadd.s32 v1, v3  }
0x9b: {  	[tilespmem:s23], [sflag:$0x4] =	stream.indirect_vreg.gather [hbm4b:s2+s16], $0x80, v4, vm0, $0xb8;
	[tilespmem:$0x1A900] =	vst v63  }
0x9c: {  	s17 =	simm.s32 $0x11100  }
0x9d: {  	[tilespmem:s17], [sflag:$0x4] =	stream.indirect_vreg.gather [hbm4b:s7+s16], $0x80, v4, vm0, $0xb8;
	[tilespmem:$0x1A900] =	vst v63  }
0x9e: {  	s18 =	simm.s32 $0x11900  }
0x9f: {  	[tilespmem:s18], [sflag:$0x4] =	stream.indirect_vreg.gather [hbm4b:s2+s16], $0x80, v3, vm0, $0xb8;
	[tilespmem:$0x1A900] =	vst v63  }
0xa0: {  	s19 =	simm.s32 $0x12100  }
0xa1: {  	[tilespmem:s19], [sflag:$0x4] =	stream.indirect_vreg.gather [hbm4b:s7+s16], $0x80, v3, vm0, $0xb8;
	[tilespmem:$0x1A900] =	vst v63  }
0xa2: {  	v3 =	vld [tilespmem:s13+$0x10];
	_ =	sdelay $0x4  }
0xa3: {  	v4 =	vshll.u32 v3, $0x2  }
0xa4: {  	v3 =	vand.u32 $0x7, v3;
	v4 =	vand.u32 $0xFFFFFFE0, v4  }
0xa5: {  	v3 =	vor.u32 v3, v4  }
0xa6: {  	v4 =	vperm.xlane v3, v0;
	_ =	sdelay $0x1  }
0xa7: {  	v4 =	vadd.s32 v1, v4;
	_ =	sdelay $0x1  }
0xa8: {  	v3 =	vperm.xlane v3, v2;
	_ =	sdelay $0x1  }
0xa9: {  	s20 =	simm.s32 $0x12900;
	v3 =	vadd.s32 v1, v3  }
0xaa: {  	[tilespmem:s20], [sflag:$0x4] =	stream.indirect_vreg.gather [hbm4b:s2+s16], $0x80, v4, vm0, $0xb8;
	[tilespmem:$0x1A900] =	vst v63  }
0xab: {  	s18 =	simm.s32 $0x13100  }
0xac: {  	[tilespmem:s18], [sflag:$0x4] =	stream.indirect_vreg.gather [hbm4b:s7+s16], $0x80, v4, vm0, $0xb8;
	[tilespmem:$0x1A900] =	vst v63  }
0xad: {  	s19 =	simm.s32 $0x13900  }
0xae: {  	[tilespmem:s19], [sflag:$0x4] =	stream.indirect_vreg.gather [hbm4b:s2+s16], $0x80, v3, vm0, $0xb8;
	[tilespmem:$0x1A900] =	vst v63  }
0xaf: {  	s20 =	simm.s32 $0x14100  }
0xb0: {  	[tilespmem:s20], [sflag:$0x4] =	stream.indirect_vreg.gather [hbm4b:s7+s16], $0x80, v3, vm0, $0xb8;
	[tilespmem:$0x1A900] =	vst v63  }
0xb1: {  	v3 =	vld.msk [tilespmem:s13+$0x20], $0xff;
	_ =	sdelay $0x4  }
0xb2: {  	v4 =	vshll.u32 v3, $0x2  }
0xb3: {  	v3 =	vand.u32 $0x7, v3;
	v4 =	vand.u32 $0xFFFFFFE0, v4  }
0xb4: {  	v3 =	vor.u32 v3, v4  }
0xb5: {  	v3 =	vperm.xlane v3, v0;
	_ =	sdelay $0x1  }
0xb6: {  	v3 =	vadd.s32 v1, v3;
	_ =	sdelay $0x3  }
0xb7: {  	s18 =	simm.s32 $0x14900  }
0xb8: {  	[tilespmem:s18], [sflag:$0x4] =	stream.indirect_vreg.gather [hbm4b:s2+s16], $0x80, v3, vm0, $0xb8;
	[tilespmem:$0x1A900] =	vst v63  }
0xb9: {  	s19 =	simm.s32 $0x15100  }
0xba: {  	[tilespmem:s19], [sflag:$0x4] =	stream.indirect_vreg.gather [hbm4b:s7+s16], $0x80, v3, vm0, $0xb8;
	[tilespmem:$0x1A900] =	vst v63  }
0xbb: {  	_ =	swait.ge [sflag:s14], $0x5000  }
0xbc: {  	s20 =	sand.u32 $0x7000, s16;
	s16 =	sand.u32 $0x380, s16;
	[sflag:s14] =	ssyncset.done $0x0  }
0xbd: {  	s30 =	sor.u32 s16, s20;
	[sflag:s14] =	ssyncadd.s32 $0xFFFFB000  }
0xbe: {  	v3 =	vld [tilespmem:s30+$0x1D70]  }
0xbf: {  	v4 =	vld [tilespmem:s30+$0x2100]  }
0xc0: {  	v5 =	vld [tilespmem:s30+$0x2110]  }
0xc1: {  	v6 =	vld [tilespmem:s30+$0x1D60]  }
0xc2: {  	v7 =	vld [tilespmem:s30+$0x1D50]  }
0xc3: {  	v8 =	vld [tilespmem:s30+$0x2120]  }
0xc4: {  	v9 =	vld [tilespmem:s30+$0x1D40]  }
0xc5: {  	v10 =	vld [tilespmem:s30+$0x2570]  }
0xc6: {  	v11 =	vld [tilespmem:s30+$0x2510]  }
0xc7: {  	v12 =	vld [tilespmem:s30+$0x2550]  }
0xc8: {  	v16 =	vld [tilespmem:s30+$0x2130]  }
0xc9: {  	v17 =	vld [tilespmem:s30+$0x2140]  }
0xca: {  	v14 =	vld [tilespmem:s30+$0x2500]  }
0xcb: {  	v13 =	vld [tilespmem:s30+$0x2540]  }
0xcc: {  	v15 =	vld [tilespmem:s30+$0x1D30];
	v11 =	vmul.f32 $2.262741660e+01, v11  }
0xcd: {  	v18 =	vld [tilespmem:s30+$0x1D20];
	v10 =	vmul.f32 $2.262741660e+01, v10  }
0xce: {  	v19 =	vld [tilespmem:s30+$0x1D10];
	v12 =	vmul.f32 $2.262741660e+01, v12;
	[tilespmem:s30+$0x2510] =	vst v11  }
0xcf: {  	v20 =	vld [tilespmem:s30+$0x1960];
	v14 =	vmul.f32 $2.262741660e+01, v14;
	[tilespmem:s30+$0x2570] =	vst v10  }
0xd0: {  	v24 =	vld [tilespmem:s30+$0x1900];
	v11 =	vmul.f32 $2.262741660e+01, v13;
	[tilespmem:s30+$0x2550] =	vst v12  }
0xd1: {  	v15 =	vmul.f32 $2.262741660e+01, v15;
	v10 =	vld [tilespmem:s30+$0x2520];
	[tilespmem:s30+$0x2500] =	vst v14  }
0xd2: {  	v13 =	vld [tilespmem:s30+$0x1D00];
	[tilespmem:s30+$0x2540] =	vst v11;
	v11 =	vmul.f32 $2.262741660e+01, v18  }
0xd3: {  	v12 =	vld [tilespmem:s30+$0x1970];
	[tilespmem:s30+$0x1D30] =	vst v15;
	v18 =	vmul.f32 $2.262741660e+01, v9;
	v9 =	vmul.f32 $2.262741660e+01, v19  }
0xd4: {  	v22 =	vld [tilespmem:s30+$0x2160];
	v21 =	vmul.f32 $2.262741660e+01, v7;
	v20 =	vmul.f32 $2.262741660e+01, v20;
	[tilespmem:s30+$0x1D20] =	vst v11  }
0xd5: {  	v19 =	vld [tilespmem:s30+$0x2150];
	v11 =	vmul.f32 $2.262741660e+01, v6;
	[tilespmem:s30+$0x1D10] =	vst v9;
	v9 =	vmul.f32 $2.262741660e+01, v8  }
0xd6: {  	v23 =	vld [tilespmem:s30+$0x2170];
	[tilespmem:s30+$0x1960] =	vst v20;
	v8 =	vmul.f32 $2.262741660e+01, v24;
	v7 =	vmul.f32 $2.262741660e+01, v10  }
0xd7: {  	v14 =	vld [tilespmem:s30+$0x1910];
	[tilespmem:s30+$0x1D50] =	vst v21;
	v6 =	vmul.f32 $2.262741660e+01, v13;
	v10 =	vmul.f32 $2.262741660e+01, v3  }
0xd8: {  	v15 =	vld [tilespmem:s30+$0x1940];
	[tilespmem:s30+$0x1D40] =	vst v18;
	v3 =	vmul.f32 $2.262741660e+01, v12;
	v12 =	vmul.f32 $2.262741660e+01, v4  }
0xd9: {  	v13 =	vmul.f32 $2.262741660e+01, v5;
	v4 =	vmul.f32 $2.262741660e+01, v16;
	v16 =	vld [tilespmem:s30+$0x1920];
	[tilespmem:s30+$0x2520] =	vst v7  }
0xda: {  	[tilespmem:s30+$0x1D00] =	vst v6;
	v7 =	vmul.f32 $2.262741660e+01, v17;
	v5 =	vmul.f32 $2.262741660e+01, v19;
	v17 =	vld [tilespmem:s30+$0x1930]  }
0xdb: {  	s13 =	simm.s32 $0x200;
	s16 =	simm.s32 $0x80;
	v18 =	vld [tilespmem:s30+$0x2530];
	[tilespmem:s30+$0x1970] =	vst v3;
	v6 =	vmul.f32 $2.262741660e+01, v22;
	v3 =	vmul.f32 $2.262741660e+01, v23  }
.LBB2_3:
0xdc: {  	s17 =	sand.u32 $0x7000, s13;
	s18 =	sand.u32 $0x380, s16;
	v14 =	vmul.f32 $2.262741660e+01, v14;
	[tilespmem:s30+$0x1D60] =	vst v11;
	v11 =	vld [tilespmem:s30+$0x2560]  }
0xdd: {  	p1 =	sne.s32 s13, $0x4E00;
	s13 =	sadd.s32 $0x200, s13;
	s17 =	sor.u32 s18, s17;
	v15 =	vmul.f32 $2.262741660e+01, v15;
	v19 =	vld [tilespmem:s30+$0x1950];
	[tilespmem:s30+$0x1D70] =	vst v10  }
0xde: {  	v10 =	vld [tilespmem:s17+$0x1D70];
	v16 =	vmul.f32 $2.262741660e+01, v16;
	[tilespmem:s30+$0x2100] =	vst v12  }
0xdf: {  	v12 =	vld [tilespmem:s17+$0x2100];
	v17 =	vmul.f32 $2.262741660e+01, v17;
	[tilespmem:s30+$0x2110] =	vst v13  }
0xe0: {  	v13 =	vld [tilespmem:s17+$0x2110];
	[tilespmem:s30+$0x1920] =	vst v16;
	v16 =	vmul.f32 $2.262741660e+01, v18  }
0xe1: {  	v18 =	vld [tilespmem:s17+$0x1D60];
	[tilespmem:s30+$0x1930] =	vst v17;
	v11 =	vmul.f32 $2.262741660e+01, v11  }
0xe2: {  	v17 =	vld [tilespmem:s17+$0x1D50];
	v19 =	vmul.f32 $2.262741660e+01, v19;
	[tilespmem:s30+$0x2120] =	vst v9  }
0xe3: {  	v9 =	vld [tilespmem:s17+$0x2120];
	[tilespmem:s30+$0x2530] =	vst v16  }
0xe4: {  	v16 =	vld [tilespmem:s17+$0x1D40];
	[tilespmem:s30+$0x1950] =	vst v19  }
0xe5: {  	v19 =	vld [tilespmem:s17+$0x2570];
	[tilespmem:s30+$0x1940] =	vst v15  }
0xe6: {  	v15 =	vld [tilespmem:s17+$0x2510];
	[tilespmem:s30+$0x2560] =	vst v11  }
0xe7: {  	v11 =	vld [tilespmem:s17+$0x2550];
	[tilespmem:s30+$0x2130] =	vst v4  }
0xe8: {  	v4 =	vld [tilespmem:s17+$0x2130];
	[tilespmem:s30+$0x2140] =	vst v7  }
0xe9: {  	v7 =	vld [tilespmem:s17+$0x2140];
	[tilespmem:s30+$0x1910] =	vst v14  }
0xea: {  	v14 =	vld [tilespmem:s17+$0x2540];
	[tilespmem:s30+$0x2150] =	vst v5  }
0xeb: {  	v19 =	vmul.f32 $2.262741660e+01, v19;
	v5 =	vld [tilespmem:s17+$0x2500];
	[tilespmem:s30+$0x2160] =	vst v6  }
0xec: {  	v6 =	vld [tilespmem:s17+$0x1D30];
	[tilespmem:s30+$0x1900] =	vst v8  }
0xed: {  	v15 =	vmul.f32 $2.262741660e+01, v15;
	v8 =	vld [tilespmem:s17+$0x1D20];
	[tilespmem:s30+$0x2170] =	vst v3;
	s30 =	smov.u32 s17  }
0xee: {  	v11 =	vmul.f32 $2.262741660e+01, v11;
	v3 =	vld [tilespmem:s30+$0x1D10];
	[tilespmem:s30+$0x2570] =	vst v19  }
0xef: {  	v19 =	vmul.f32 $2.262741660e+01, v16;
	[tilespmem:s30+$0x2510] =	vst v15;
	v15 =	vld [tilespmem:s30+$0x2520];
	v14 =	vmul.f32 $2.262741660e+01, v14  }
0xf0: {  	v20 =	vmul.f32 $2.262741660e+01, v17;
	v16 =	vld [tilespmem:s30+$0x1D00];
	v5 =	vmul.f32 $2.262741660e+01, v5;
	[tilespmem:s30+$0x2550] =	vst v11  }
0xf1: {  	v11 =	vmul.f32 $2.262741660e+01, v18;
	v17 =	vld [tilespmem:s30+$0x1970];
	v6 =	vmul.f32 $2.262741660e+01, v6;
	[tilespmem:s30+$0x2540] =	vst v14  }
0xf2: {  	v10 =	vmul.f32 $2.262741660e+01, v10;
	v18 =	vld [tilespmem:s30+$0x1960];
	v8 =	vmul.f32 $2.262741660e+01, v8;
	[tilespmem:s30+$0x2500] =	vst v5  }
0xf3: {  	v12 =	vmul.f32 $2.262741660e+01, v12;
	v3 =	vmul.f32 $2.262741660e+01, v3;
	[tilespmem:s30+$0x1D30] =	vst v6;
	v5 =	vld [tilespmem:s30+$0x2150]  }
0xf4: {  	v13 =	vmul.f32 $2.262741660e+01, v13;
	[tilespmem:s30+$0x1D20] =	vst v8;
	v6 =	vld [tilespmem:s30+$0x2160];
	v8 =	vmul.f32 $2.262741660e+01, v15  }
0xf5: {  	v9 =	vmul.f32 $2.262741660e+01, v9;
	v15 =	vmul.f32 $2.262741660e+01, v16;
	[tilespmem:s30+$0x1D10] =	vst v3;
	v3 =	vld [tilespmem:s30+$0x2170]  }
0xf6: {  	v4 =	vmul.f32 $2.262741660e+01, v4;
	v21 =	vld [tilespmem:s30+$0x1900];
	v16 =	vmul.f32 $2.262741660e+01, v17;
	[tilespmem:s30+$0x2520] =	vst v8  }
.Ltmp0:
0xf7: {  	v7 =	vmul.f32 $2.262741660e+01, v7;
	v14 =	vld [tilespmem:s30+$0x1910];
	v8 =	vmul.f32 $2.262741660e+01, v18;
	[tilespmem:s30+$0x1D00] =	vst v15;
	(pc) =	sbr.rel @p1 .LBB2_3-.Ltmp0, $4  }
0xf8: {  	v15 =	vld [tilespmem:s30+$0x1940];
	[tilespmem:s30+$0x1970] =	vst v16;
	v5 =	vmul.f32 $2.262741660e+01, v5  }
0xf9: {  	v16 =	vld [tilespmem:s30+$0x1920];
	[tilespmem:s30+$0x1960] =	vst v8;
	v6 =	vmul.f32 $2.262741660e+01, v6  }
0xfa: {  	v17 =	vld [tilespmem:s30+$0x1930];
	[tilespmem:s30+$0x1D40] =	vst v19;
	v3 =	vmul.f32 $2.262741660e+01, v3  }
0xfb: {  	s16 =	sadd.s32 $0x80, s16;
	v8 =	vmul.f32 $2.262741660e+01, v21;
	[tilespmem:s30+$0x1D50] =	vst v20;
	v18 =	vld [tilespmem:s30+$0x2530]  }
0xfc: {  	[tilespmem:s30+$0x1D60] =	vst v11  }
0xfd: {  	[tilespmem:s30+$0x1D70] =	vst v10  }
0xfe: {  	[tilespmem:s30+$0x2100] =	vst v12  }
0xff: {  	[tilespmem:s30+$0x2110] =	vst v13  }
0x100: {  	[tilespmem:s30+$0x2120] =	vst v9  }
0x101: {  	[tilespmem:s30+$0x2130] =	vst v4  }
0x102: {  	[tilespmem:s30+$0x2140] =	vst v7  }
0x103: {  	[tilespmem:s30+$0x2150] =	vst v5  }
0x104: {  	[tilespmem:s30+$0x2160] =	vst v6  }
0x105: {  	v11 =	vld [tilespmem:s30+$0x1950];
	[tilespmem:s30+$0x2170] =	vst v3;
	v9 =	vmul.f32 $2.262741660e+01, v15  }
0x106: {  	v12 =	vld [tilespmem:s30+$0x2560];
	[tilespmem:s30+$0x1900] =	vst v8;
	v10 =	vmul.f32 $2.262741660e+01, v16  }
0x107: {  	v16 =	vmul.f32 $2.262741660e+01, v17;
	[tilespmem:s30+$0x1940] =	vst v9  }
0x108: {  	v9 =	vmul.f32 $2.262741660e+01, v14;
	[tilespmem:s30+$0x1920] =	vst v10  }
0x109: {  	s13 =	smul.u32 $0xC8, s29;
	v10 =	vmul.f32 $2.262741660e+01, v18;
	[tilespmem:s30+$0x1930] =	vst v16  }
0x10a: {  	v11 =	vmul.f32 $2.262741660e+01, v11;
	[tilespmem:s30+$0x1910] =	vst v9  }
0x10b: {  	s16 =	sadd.s32 s4, s13;
	[tilespmem:s30+$0x2530] =	vst v10;
	v10 =	vmul.f32 $2.262741660e+01, v12  }
0x10c: {  	s16 =	sshll.u32 s16, $0x6;
	[tilespmem:s30+$0x1950] =	vst v11  }
0x10d: {  	s16 =	sadd.s32 s3, s16;
	[tilespmem:s30+$0x2560] =	vst v10;
	s30 =	sadd.s32 $0x4, s1;
	s1 =	simm.s32 @!p0 $0xA  }
0x10e: {  	[hbm4b:s16+s5] =	stream.linear.scatter [tilespmem:s12], [sflag:$0x6], $0x5000, $0x38;
	[tilespmem:$0x1A900] =	vst v63  }
0x10f: {  	s18 =	smul.u32 $0xA0, s30;
	_ =	swait.ge @!p0 [sflag:s1], $0x5000  }
0x110: {  	[sflag:s1] =	ssyncset.done @!p0 $0x0  }
0x111: {  	[sflag:s1] =	ssyncadd.s32 @!p0 $0xFFFFB000;
	s1 =	sshra.s32 s18, $0x2  }
0x112: {  	v3 =	vld [tilespmem:s1+$0x0];
	_ =	sdelay $0x4  }
0x113: {  	v4 =	vshll.u32 v3, $0x2  }
0x114: {  	v3 =	vand.u32 $0x7, v3;
	v4 =	vand.u32 $0xFFFFFFE0, v4  }
0x115: {  	v3 =	vor.u32 v3, v4  }
0x116: {  	v4 =	vperm.xlane v3, v0;
	_ =	sdelay $0x1  }
0x117: {  	v4 =	vadd.s32 v1, v4;
	_ =	sdelay $0x1  }
0x118: {  	v3 =	vperm.xlane v3, v2;
	_ =	sdelay $0x1  }
0x119: {  	s16 =	simm.s32 $0x0;
	v3 =	vadd.s32 v1, v3  }
0x11a: {  	[tilespmem:s15], [sflag:$0x5] =	stream.indirect_vreg.gather [hbm4b:s2+s16], $0x80, v4, vm0, $0xb8;
	[tilespmem:$0x1A900] =	vst v63  }
0x11b: {  	s17 =	simm.s32 $0x16100  }
0x11c: {  	[tilespmem:s17], [sflag:$0x5] =	stream.indirect_vreg.gather [hbm4b:s7+s16], $0x80, v4, vm0, $0xb8;
	[tilespmem:$0x1A900] =	vst v63  }
0x11d: {  	s19 =	simm.s32 $0x16900  }
0x11e: {  	[tilespmem:s19], [sflag:$0x5] =	stream.indirect_vreg.gather [hbm4b:s2+s16], $0x80, v3, vm0, $0xb8;
	[tilespmem:$0x1A900] =	vst v63  }
0x11f: {  	s20 =	simm.s32 $0x17100  }
0x120: {  	[tilespmem:s20], [sflag:$0x5] =	stream.indirect_vreg.gather [hbm4b:s7+s16], $0x80, v3, vm0, $0xb8;
	[tilespmem:$0x1A900] =	vst v63  }
0x121: {  	v3 =	vld [tilespmem:s1+$0x10];
	_ =	sdelay $0x4  }
0x122: {  	v4 =	vshll.u32 v3, $0x2  }
0x123: {  	v3 =	vand.u32 $0x7, v3;
	v4 =	vand.u32 $0xFFFFFFE0, v4  }
0x124: {  	v3 =	vor.u32 v3, v4  }
0x125: {  	v4 =	vperm.xlane v3, v0;
	_ =	sdelay $0x1  }
0x126: {  	v4 =	vadd.s32 v1, v4;
	_ =	sdelay $0x1  }
0x127: {  	v3 =	vperm.xlane v3, v2;
	_ =	sdelay $0x1  }
0x128: {  	s18 =	simm.s32 $0x17900;
	v3 =	vadd.s32 v1, v3  }
0x129: {  	[tilespmem:s18], [sflag:$0x5] =	stream.indirect_vreg.gather [hbm4b:s2+s16], $0x80, v4, vm0, $0xb8;
	[tilespmem:$0x1A900] =	vst v63  }
0x12a: {  	s19 =	simm.s32 $0x18100  }
0x12b: {  	[tilespmem:s19], [sflag:$0x5] =	stream.indirect_vreg.gather [hbm4b:s7+s16], $0x80, v4, vm0, $0xb8;
	[tilespmem:$0x1A900] =	vst v63  }
0x12c: {  	_ = 	snop  }
0x12d: {  	[tilespmem:s21], [sflag:$0x5] =	stream.indirect_vreg.gather [hbm4b:s2+s16], $0x80, v3, vm0, $0xb8;
	[tilespmem:$0x1A900] =	vst v63  }
0x12e: {  	_ = 	snop  }
0x12f: {  	[tilespmem:s6], [sflag:$0x5] =	stream.indirect_vreg.gather [hbm4b:s7+s16], $0x80, v3, vm0, $0xb8;
	[tilespmem:$0x1A900] =	vst v63  }
0x130: {  	v3 =	vld.msk [tilespmem:s1+$0x20], $0xff;
	_ =	sdelay $0x4  }
0x131: {  	v4 =	vshll.u32 v3, $0x2  }
0x132: {  	v3 =	vand.u32 $0x7, v3;
	v4 =	vand.u32 $0xFFFFFFE0, v4  }
0x133: {  	v3 =	vor.u32 v3, v4  }
0x134: {  	v3 =	vperm.xlane v3, v0;
	_ =	sdelay $0x1  }
0x135: {  	v3 =	vadd.s32 v1, v3;
	_ =	sdelay $0x4  }
0x136: {  	[tilespmem:s10], [sflag:$0x5] =	stream.indirect_vreg.gather [hbm4b:s2+s16], $0x80, v3, vm0, $0xb8;
	[tilespmem:$0x1A900] =	vst v63  }
0x137: {  	_ = 	snop  }
0x138: {  	[tilespmem:s11], [sflag:$0x5] =	stream.indirect_vreg.gather [hbm4b:s7+s16], $0x80, v3, vm0, $0xb8;
	[tilespmem:$0x1A900] =	vst v63  }
0x139: {  	_ =	swait.ge [sflag:s24], $0x5000  }
0x13a: {  	s20 =	sand.u32 $0x7000, s16;
	s16 =	sand.u32 $0x380, s16;
	[sflag:s24] =	ssyncset.done $0x0  }
0x13b: {  	s1 =	sor.u32 s16, s20;
	[sflag:s24] =	ssyncadd.s32 $0xFFFFB000  }
0x13c: {  	v3 =	vld [tilespmem:s1+$0x6D70]  }
0x13d: {  	v4 =	vld [tilespmem:s1+$0x7100]  }
0x13e: {  	v5 =	vld [tilespmem:s1+$0x7110]  }
0x13f: {  	v6 =	vld [tilespmem:s1+$0x6D60]  }
0x140: {  	v7 =	vld [tilespmem:s1+$0x6D50]  }
0x141: {  	v8 =	vld [tilespmem:s1+$0x7120]  }
0x142: {  	v9 =	vld [tilespmem:s1+$0x6D40]  }
0x143: {  	v10 =	vld [tilespmem:s1+$0x7570]  }
0x144: {  	v11 =	vld [tilespmem:s1+$0x7510]  }
0x145: {  	v12 =	vld [tilespmem:s1+$0x7550]  }
0x146: {  	v16 =	vld [tilespmem:s1+$0x7130]  }
0x147: {  	v17 =	vld [tilespmem:s1+$0x7140]  }
0x148: {  	v14 =	vld [tilespmem:s1+$0x7500]  }
0x149: {  	v13 =	vld [tilespmem:s1+$0x7540]  }
0x14a: {  	v15 =	vld [tilespmem:s1+$0x6D30];
	v11 =	vmul.f32 $2.262741660e+01, v11  }
0x14b: {  	v18 =	vld [tilespmem:s1+$0x6D20];
	v10 =	vmul.f32 $2.262741660e+01, v10  }
0x14c: {  	v19 =	vld [tilespmem:s1+$0x6D10];
	v12 =	vmul.f32 $2.262741660e+01, v12;
	[tilespmem:s1+$0x7510] =	vst v11  }
0x14d: {  	v20 =	vld [tilespmem:s1+$0x6960];
	v14 =	vmul.f32 $2.262741660e+01, v14;
	[tilespmem:s1+$0x7570] =	vst v10  }
0x14e: {  	v24 =	vld [tilespmem:s1+$0x6900];
	v11 =	vmul.f32 $2.262741660e+01, v13;
	[tilespmem:s1+$0x7550] =	vst v12  }
0x14f: {  	v15 =	vmul.f32 $2.262741660e+01, v15;
	v10 =	vld [tilespmem:s1+$0x7520];
	[tilespmem:s1+$0x7500] =	vst v14  }
0x150: {  	v13 =	vld [tilespmem:s1+$0x6D00];
	[tilespmem:s1+$0x7540] =	vst v11;
	v11 =	vmul.f32 $2.262741660e+01, v18  }
0x151: {  	v12 =	vld [tilespmem:s1+$0x6970];
	[tilespmem:s1+$0x6D30] =	vst v15;
	v18 =	vmul.f32 $2.262741660e+01, v9;
	v9 =	vmul.f32 $2.262741660e+01, v19  }
0x152: {  	v22 =	vld [tilespmem:s1+$0x7160];
	v21 =	vmul.f32 $2.262741660e+01, v7;
	v20 =	vmul.f32 $2.262741660e+01, v20;
	[tilespmem:s1+$0x6D20] =	vst v11  }
0x153: {  	v19 =	vld [tilespmem:s1+$0x7150];
	v11 =	vmul.f32 $2.262741660e+01, v6;
	[tilespmem:s1+$0x6D10] =	vst v9;
	v9 =	vmul.f32 $2.262741660e+01, v8  }
0x154: {  	v23 =	vld [tilespmem:s1+$0x7170];
	[tilespmem:s1+$0x6960] =	vst v20;
	v8 =	vmul.f32 $2.262741660e+01, v24;
	v7 =	vmul.f32 $2.262741660e+01, v10  }
0x155: {  	v14 =	vld [tilespmem:s1+$0x6910];
	[tilespmem:s1+$0x6D50] =	vst v21;
	v6 =	vmul.f32 $2.262741660e+01, v13;
	v10 =	vmul.f32 $2.262741660e+01, v3  }
0x156: {  	v15 =	vld [tilespmem:s1+$0x6940];
	[tilespmem:s1+$0x6D40] =	vst v18;
	v3 =	vmul.f32 $2.262741660e+01, v12;
	v12 =	vmul.f32 $2.262741660e+01, v4  }
0x157: {  	v13 =	vmul.f32 $2.262741660e+01, v5;
	v4 =	vmul.f32 $2.262741660e+01, v16;
	v16 =	vld [tilespmem:s1+$0x6920];
	[tilespmem:s1+$0x7520] =	vst v7  }
0x158: {  	[tilespmem:s1+$0x6D00] =	vst v6;
	v7 =	vmul.f32 $2.262741660e+01, v17;
	v5 =	vmul.f32 $2.262741660e+01, v19;
	v17 =	vld [tilespmem:s1+$0x6930]  }
0x159: {  	s17 =	simm.s32 $0x80;
	s16 =	simm.s32 $0x200;
	v18 =	vld [tilespmem:s1+$0x7530];
	[tilespmem:s1+$0x6970] =	vst v3;
	v6 =	vmul.f32 $2.262741660e+01, v22;
	v3 =	vmul.f32 $2.262741660e+01, v23  }
.LBB2_5:
0x15a: {  	s18 =	sand.u32 $0x7000, s16;
	s19 =	sand.u32 $0x380, s17;
	v14 =	vmul.f32 $2.262741660e+01, v14;
	[tilespmem:s1+$0x6D60] =	vst v11;
	v11 =	vld [tilespmem:s1+$0x7560]  }
0x15b: {  	p0 =	sne.s32 s16, $0x4E00;
	s16 =	sadd.s32 $0x200, s16;
	s18 =	sor.u32 s19, s18;
	v15 =	vmul.f32 $2.262741660e+01, v15;
	v19 =	vld [tilespmem:s1+$0x6950];
	[tilespmem:s1+$0x6D70] =	vst v10  }
0x15c: {  	v10 =	vld [tilespmem:s18+$0x6D70];
	v16 =	vmul.f32 $2.262741660e+01, v16;
	[tilespmem:s1+$0x7100] =	vst v12  }
0x15d: {  	v12 =	vld [tilespmem:s18+$0x7100];
	v17 =	vmul.f32 $2.262741660e+01, v17;
	[tilespmem:s1+$0x7110] =	vst v13  }
0x15e: {  	v13 =	vld [tilespmem:s18+$0x7110];
	[tilespmem:s1+$0x6920] =	vst v16;
	v16 =	vmul.f32 $2.262741660e+01, v18  }
0x15f: {  	v18 =	vld [tilespmem:s18+$0x6D60];
	[tilespmem:s1+$0x6930] =	vst v17;
	v11 =	vmul.f32 $2.262741660e+01, v11  }
0x160: {  	v17 =	vld [tilespmem:s18+$0x6D50];
	v19 =	vmul.f32 $2.262741660e+01, v19;
	[tilespmem:s1+$0x7120] =	vst v9  }
0x161: {  	v9 =	vld [tilespmem:s18+$0x7120];
	[tilespmem:s1+$0x7530] =	vst v16  }
0x162: {  	v16 =	vld [tilespmem:s18+$0x6D40];
	[tilespmem:s1+$0x6950] =	vst v19  }
0x163: {  	v19 =	vld [tilespmem:s18+$0x7570];
	[tilespmem:s1+$0x6940] =	vst v15  }
0x164: {  	v15 =	vld [tilespmem:s18+$0x7510];
	[tilespmem:s1+$0x7560] =	vst v11  }
0x165: {  	v11 =	vld [tilespmem:s18+$0x7550];
	[tilespmem:s1+$0x7130] =	vst v4  }
0x166: {  	v4 =	vld [tilespmem:s18+$0x7130];
	[tilespmem:s1+$0x7140] =	vst v7  }
0x167: {  	v7 =	vld [tilespmem:s18+$0x7140];
	[tilespmem:s1+$0x6910] =	vst v14  }
0x168: {  	v14 =	vld [tilespmem:s18+$0x7540];
	[tilespmem:s1+$0x7150] =	vst v5  }
0x169: {  	v19 =	vmul.f32 $2.262741660e+01, v19;
	v5 =	vld [tilespmem:s18+$0x7500];
	[tilespmem:s1+$0x7160] =	vst v6  }
0x16a: {  	v6 =	vld [tilespmem:s18+$0x6D30];
	[tilespmem:s1+$0x6900] =	vst v8  }
0x16b: {  	v15 =	vmul.f32 $2.262741660e+01, v15;
	v8 =	vld [tilespmem:s18+$0x6D20];
	[tilespmem:s1+$0x7170] =	vst v3;
	s1 =	smov.u32 s18  }
0x16c: {  	v11 =	vmul.f32 $2.262741660e+01, v11;
	v3 =	vld [tilespmem:s1+$0x6D10];
	[tilespmem:s1+$0x7570] =	vst v19  }
0x16d: {  	v19 =	vmul.f32 $2.262741660e+01, v16;
	[tilespmem:s1+$0x7510] =	vst v15;
	v15 =	vld [tilespmem:s1+$0x7520];
	v14 =	vmul.f32 $2.262741660e+01, v14  }
0x16e: {  	v20 =	vmul.f32 $2.262741660e+01, v17;
	v16 =	vld [tilespmem:s1+$0x6D00];
	v5 =	vmul.f32 $2.262741660e+01, v5;
	[tilespmem:s1+$0x7550] =	vst v11  }
0x16f: {  	v11 =	vmul.f32 $2.262741660e+01, v18;
	v17 =	vld [tilespmem:s1+$0x6970];
	v6 =	vmul.f32 $2.262741660e+01, v6;
	[tilespmem:s1+$0x7540] =	vst v14  }
0x170: {  	v10 =	vmul.f32 $2.262741660e+01, v10;
	v18 =	vld [tilespmem:s1+$0x6960];
	v8 =	vmul.f32 $2.262741660e+01, v8;
	[tilespmem:s1+$0x7500] =	vst v5  }
0x171: {  	v12 =	vmul.f32 $2.262741660e+01, v12;
	v3 =	vmul.f32 $2.262741660e+01, v3;
	[tilespmem:s1+$0x6D30] =	vst v6;
	v5 =	vld [tilespmem:s1+$0x7150]  }
0x172: {  	v13 =	vmul.f32 $2.262741660e+01, v13;
	[tilespmem:s1+$0x6D20] =	vst v8;
	v6 =	vld [tilespmem:s1+$0x7160];
	v8 =	vmul.f32 $2.262741660e+01, v15  }
0x173: {  	v9 =	vmul.f32 $2.262741660e+01, v9;
	v15 =	vmul.f32 $2.262741660e+01, v16;
	[tilespmem:s1+$0x6D10] =	vst v3;
	v3 =	vld [tilespmem:s1+$0x7170]  }
0x174: {  	v4 =	vmul.f32 $2.262741660e+01, v4;
	v21 =	vld [tilespmem:s1+$0x6900];
	v16 =	vmul.f32 $2.262741660e+01, v17;
	[tilespmem:s1+$0x7520] =	vst v8  }
.Ltmp1:
0x175: {  	v7 =	vmul.f32 $2.262741660e+01, v7;
	v14 =	vld [tilespmem:s1+$0x6910];
	v8 =	vmul.f32 $2.262741660e+01, v18;
	[tilespmem:s1+$0x6D00] =	vst v15;
	(pc) =	sbr.rel @p0 .LBB2_5-.Ltmp1, $4  }
0x176: {  	v15 =	vld [tilespmem:s1+$0x6940];
	[tilespmem:s1+$0x6970] =	vst v16;
	v5 =	vmul.f32 $2.262741660e+01, v5  }
0x177: {  	v16 =	vld [tilespmem:s1+$0x6920];
	[tilespmem:s1+$0x6960] =	vst v8;
	v6 =	vmul.f32 $2.262741660e+01, v6  }
0x178: {  	v17 =	vld [tilespmem:s1+$0x6930];
	[tilespmem:s1+$0x6D40] =	vst v19;
	v3 =	vmul.f32 $2.262741660e+01, v3  }
0x179: {  	s17 =	sadd.s32 $0x80, s17;
	v8 =	vmul.f32 $2.262741660e+01, v21;
	[tilespmem:s1+$0x6D50] =	vst v20;
	v18 =	vld [tilespmem:s1+$0x7530]  }
0x17a: {  	[tilespmem:s1+$0x6D60] =	vst v11  }
0x17b: {  	[tilespmem:s1+$0x6D70] =	vst v10  }
0x17c: {  	[tilespmem:s1+$0x7100] =	vst v12  }
0x17d: {  	[tilespmem:s1+$0x7110] =	vst v13  }
0x17e: {  	[tilespmem:s1+$0x7120] =	vst v9  }
0x17f: {  	[tilespmem:s1+$0x7130] =	vst v4  }
0x180: {  	[tilespmem:s1+$0x7140] =	vst v7  }
0x181: {  	[tilespmem:s1+$0x7150] =	vst v5  }
0x182: {  	[tilespmem:s1+$0x7160] =	vst v6  }
0x183: {  	v11 =	vld [tilespmem:s1+$0x6950];
	[tilespmem:s1+$0x7170] =	vst v3;
	v9 =	vmul.f32 $2.262741660e+01, v15  }
0x184: {  	v12 =	vld [tilespmem:s1+$0x7560];
	[tilespmem:s1+$0x6900] =	vst v8;
	v10 =	vmul.f32 $2.262741660e+01, v16  }
0x185: {  	v16 =	vmul.f32 $2.262741660e+01, v17;
	[tilespmem:s1+$0x6940] =	vst v9  }
0x186: {  	v9 =	vmul.f32 $2.262741660e+01, v14;
	[tilespmem:s1+$0x6920] =	vst v10  }
0x187: {  	v10 =	vmul.f32 $2.262741660e+01, v18;
	[tilespmem:s1+$0x6930] =	vst v16  }
0x188: {  	v11 =	vmul.f32 $2.262741660e+01, v11;
	[tilespmem:s1+$0x6910] =	vst v9  }
0x189: {  	s16 =	sadd.s32 s13, s8;
	[tilespmem:s1+$0x7530] =	vst v10;
	v10 =	vmul.f32 $2.262741660e+01, v12  }
0x18a: {  	p0 =	seq.s32 s29, $0x1F;
	s16 =	sshll.u32 s16, $0x6;
	[tilespmem:s1+$0x6950] =	vst v11  }
0x18b: {  	s18 =	sadd.s32 s3, s16;
	[tilespmem:s1+$0x7560] =	vst v10;
	s1 =	simm.s32 @!p0 $0x6  }
0x18c: {  	[hbm4b:s18+s5] =	stream.linear.scatter [tilespmem:s22], [sflag:$0x7], $0x5000, $0x38;
	[tilespmem:$0x1A900] =	vst v63  }
0x18d: {  	s16 =	smul.u32 @!p0 $0x320, s29;
	_ =	swait.ge @!p0 [sflag:s1], $0x5000  }
0x18e: {  	[sflag:s1] =	ssyncset.done @!p0 $0x0  }
0x18f: {  	[sflag:s1] =	ssyncadd.s32 @!p0 $0xFFFFB000;
	s1 =	sshra.s32 @!p0 s16, $0x2  }
0x190: {  	v3 =	vld @!p0 [tilespmem:s1+$0xC8];
	_ =	sdelay $0x4  }
0x191: {  	v4 =	vshll.u32 @!p0 v3, $0x2  }
0x192: {  	v5 =	vlaneseq.u32 @!p0;
	v3 =	vand.u32 @!p0 $0x7, v3;
	v4 =	vand.u32 @!p0 $0xFFFFFFE0, v4  }
0x193: {  	v6 =	vshrl.u32 @!p0 v5, $0x3;
	v3 =	vor.u32 @!p0 v3, v4;
	v4 =	vand.u32 @!p0 $0x7, v5  }
0x194: {  	v6 =	vmul.u32 @!p0 $0x8, v6;
	v7 =	vperm.xlane @!p0 v3, v4;
	_ =	sdelay $0x1  }
0x195: {  	v7 =	vadd.s32 @!p0 v6, v7  }
0x196: {  	v5 =	vor.u32 @!p0 $0x8, v5  }
0x197: {  	v3 =	vperm.xlane @!p0 v3, v5;
	_ =	sdelay $0x1  }
0x198: {  	vm1 =	vmmov @!p0 $0xffff;
	s17 =	simm.s32 @!p0 $0x1900;
	s16 =	simm.s32 @!p0 $0x0;
	v3 =	vadd.s32 @!p0 v6, v3  }
0x199: {  	[tilespmem:s17], [sflag:$0x1] =	stream.indirect_vreg.gather @!p0 [hbm4b:s2+s16], $0x80, v7, vm1, $0xb8;
	[tilespmem:$0x1A900] =	vst v63  }
0x19a: {  	s17 =	simm.s32 @!p0 $0x2100  }
0x19b: {  	[tilespmem:s17], [sflag:$0x1] =	stream.indirect_vreg.gather @!p0 [hbm4b:s7+s16], $0x80, v7, vm1, $0xb8;
	[tilespmem:$0x1A900] =	vst v63  }
0x19c: {  	s17 =	simm.s32 @!p0 $0x2900  }
0x19d: {  	[tilespmem:s17], [sflag:$0x1] =	stream.indirect_vreg.gather @!p0 [hbm4b:s2+s16], $0x80, v3, vm1, $0xb8;
	[tilespmem:$0x1A900] =	vst v63  }
0x19e: {  	s17 =	simm.s32 @!p0 $0x3100  }
0x19f: {  	[tilespmem:s17], [sflag:$0x1] =	stream.indirect_vreg.gather @!p0 [hbm4b:s7+s16], $0x80, v3, vm1, $0xb8;
	[tilespmem:$0x1A900] =	vst v63  }
0x1a0: {  	v3 =	vld @!p0 [tilespmem:s1+$0xD8];
	_ =	sdelay $0x4  }
0x1a1: {  	v7 =	vshll.u32 @!p0 v3, $0x2  }
0x1a2: {  	v3 =	vand.u32 @!p0 $0x7, v3;
	v7 =	vand.u32 @!p0 $0xFFFFFFE0, v7  }
0x1a3: {  	v3 =	vor.u32 @!p0 v3, v7  }
0x1a4: {  	v7 =	vperm.xlane @!p0 v3, v4;
	_ =	sdelay $0x1  }
0x1a5: {  	v7 =	vadd.s32 @!p0 v6, v7;
	_ =	sdelay $0x1  }
0x1a6: {  	v3 =	vperm.xlane @!p0 v3, v5;
	_ =	sdelay $0x1  }
0x1a7: {  	s17 =	simm.s32 @!p0 $0x3900;
	v3 =	vadd.s32 @!p0 v6, v3  }
0x1a8: {  	[tilespmem:s17], [sflag:$0x1] =	stream.indirect_vreg.gather @!p0 [hbm4b:s2+s16], $0x80, v7, vm1, $0xb8;
	[tilespmem:$0x1A900] =	vst v63  }
0x1a9: {  	s17 =	simm.s32 @!p0 $0x4100  }
0x1aa: {  	[tilespmem:s17], [sflag:$0x1] =	stream.indirect_vreg.gather @!p0 [hbm4b:s7+s16], $0x80, v7, vm1, $0xb8;
	[tilespmem:$0x1A900] =	vst v63  }
0x1ab: {  	s17 =	simm.s32 @!p0 $0x4900  }
0x1ac: {  	[tilespmem:s17], [sflag:$0x1] =	stream.indirect_vreg.gather @!p0 [hbm4b:s2+s16], $0x80, v3, vm1, $0xb8;
	[tilespmem:$0x1A900] =	vst v63  }
0x1ad: {  	s17 =	simm.s32 @!p0 $0x5100  }
0x1ae: {  	[tilespmem:s17], [sflag:$0x1] =	stream.indirect_vreg.gather @!p0 [hbm4b:s7+s16], $0x80, v3, vm1, $0xb8;
	[tilespmem:$0x1A900] =	vst v63  }
0x1af: {  	v3 =	vld.msk @!p0 [tilespmem:s1+$0xE8], $0xff;
	_ =	sdelay $0x4  }
0x1b0: {  	v5 =	vshll.u32 @!p0 v3, $0x2  }
0x1b1: {  	v3 =	vand.u32 @!p0 $0x7, v3;
	v5 =	vand.u32 @!p0 $0xFFFFFFE0, v5  }
0x1b2: {  	v3 =	vor.u32 @!p0 v3, v5  }
0x1b3: {  	v3 =	vperm.xlane @!p0 v3, v4;
	_ =	sdelay $0x1  }
0x1b4: {  	v3 =	vadd.s32 @!p0 v6, v3;
	_ =	sdelay $0x3  }
0x1b5: {  	s17 =	simm.s32 @!p0 $0x5900  }
0x1b6: {  	[tilespmem:s17], [sflag:$0x1] =	stream.indirect_vreg.gather @!p0 [hbm4b:s2+s16], $0x80, v3, vm1, $0xb8;
	[tilespmem:$0x1A900] =	vst v63  }
0x1b7: {  	s17 =	simm.s32 @!p0 $0x6100  }
0x1b8: {  	[tilespmem:s17], [sflag:$0x1] =	stream.indirect_vreg.gather @!p0 [hbm4b:s7+s16], $0x80, v3, vm1, $0xb8;
	[tilespmem:$0x1A900] =	vst v63  }
0x1b9: {  	s19 =	simm.s32 $0x0;
	_ =	swait.ge [sflag:s25], $0x5000  }
0x1ba: {  	s20 =	sand.u32 $0x7000, s19;
	s16 =	sand.u32 $0x380, s19;
	[sflag:s25] =	ssyncset.done $0x0  }
0x1bb: {  	s16 =	sor.u32 s16, s20;
	[sflag:s25] =	ssyncadd.s32 $0xFFFFB000  }
0x1bc: {  	v3 =	vld [tilespmem:s16+$0xBD70]  }
0x1bd: {  	v4 =	vld [tilespmem:s16+$0xC100]  }
0x1be: {  	v5 =	vld [tilespmem:s16+$0xC110]  }
0x1bf: {  	v6 =	vld [tilespmem:s16+$0xBD60]  }
0x1c0: {  	v7 =	vld [tilespmem:s16+$0xBD50]  }
0x1c1: {  	v8 =	vld [tilespmem:s16+$0xC120]  }
0x1c2: {  	v9 =	vld [tilespmem:s16+$0xBD40]  }
0x1c3: {  	v10 =	vld [tilespmem:s16+$0xC570]  }
0x1c4: {  	v11 =	vld [tilespmem:s16+$0xC510]  }
0x1c5: {  	v12 =	vld [tilespmem:s16+$0xC550]  }
0x1c6: {  	v16 =	vld [tilespmem:s16+$0xC130]  }
0x1c7: {  	v17 =	vld [tilespmem:s16+$0xC140]  }
0x1c8: {  	v14 =	vld [tilespmem:s16+$0xC500]  }
0x1c9: {  	v13 =	vld [tilespmem:s16+$0xC540]  }
0x1ca: {  	v15 =	vld [tilespmem:s16+$0xBD30];
	v11 =	vmul.f32 $2.262741660e+01, v11  }
0x1cb: {  	v18 =	vld [tilespmem:s16+$0xBD20];
	v10 =	vmul.f32 $2.262741660e+01, v10  }
0x1cc: {  	v19 =	vld [tilespmem:s16+$0xBD10];
	v12 =	vmul.f32 $2.262741660e+01, v12;
	[tilespmem:s16+$0xC510] =	vst v11  }
0x1cd: {  	v20 =	vld [tilespmem:s16+$0xB960];
	v14 =	vmul.f32 $2.262741660e+01, v14;
	[tilespmem:s16+$0xC570] =	vst v10  }
0x1ce: {  	v24 =	vld [tilespmem:s16+$0xB900];
	v11 =	vmul.f32 $2.262741660e+01, v13;
	[tilespmem:s16+$0xC550] =	vst v12  }
0x1cf: {  	v15 =	vmul.f32 $2.262741660e+01, v15;
	v10 =	vld [tilespmem:s16+$0xC520];
	[tilespmem:s16+$0xC500] =	vst v14  }
0x1d0: {  	v13 =	vld [tilespmem:s16+$0xBD00];
	[tilespmem:s16+$0xC540] =	vst v11;
	v11 =	vmul.f32 $2.262741660e+01, v18  }
0x1d1: {  	v12 =	vld [tilespmem:s16+$0xB970];
	[tilespmem:s16+$0xBD30] =	vst v15;
	v18 =	vmul.f32 $2.262741660e+01, v9;
	v9 =	vmul.f32 $2.262741660e+01, v19  }
0x1d2: {  	v22 =	vld [tilespmem:s16+$0xC160];
	v21 =	vmul.f32 $2.262741660e+01, v7;
	v20 =	vmul.f32 $2.262741660e+01, v20;
	[tilespmem:s16+$0xBD20] =	vst v11  }
0x1d3: {  	v19 =	vld [tilespmem:s16+$0xC150];
	v11 =	vmul.f32 $2.262741660e+01, v6;
	[tilespmem:s16+$0xBD10] =	vst v9;
	v9 =	vmul.f32 $2.262741660e+01, v8  }
0x1d4: {  	v23 =	vld [tilespmem:s16+$0xC170];
	[tilespmem:s16+$0xB960] =	vst v20;
	v8 =	vmul.f32 $2.262741660e+01, v24;
	v7 =	vmul.f32 $2.262741660e+01, v10  }
0x1d5: {  	v14 =	vld [tilespmem:s16+$0xB910];
	[tilespmem:s16+$0xBD50] =	vst v21;
	v6 =	vmul.f32 $2.262741660e+01, v13;
	v10 =	vmul.f32 $2.262741660e+01, v3  }
0x1d6: {  	v15 =	vld [tilespmem:s16+$0xB940];
	[tilespmem:s16+$0xBD40] =	vst v18;
	v3 =	vmul.f32 $2.262741660e+01, v12;
	v12 =	vmul.f32 $2.262741660e+01, v4  }
0x1d7: {  	v13 =	vmul.f32 $2.262741660e+01, v5;
	v4 =	vmul.f32 $2.262741660e+01, v16;
	v16 =	vld [tilespmem:s16+$0xB920];
	[tilespmem:s16+$0xC520] =	vst v7  }
0x1d8: {  	[tilespmem:s16+$0xBD00] =	vst v6;
	v7 =	vmul.f32 $2.262741660e+01, v17;
	v5 =	vmul.f32 $2.262741660e+01, v19;
	v17 =	vld [tilespmem:s16+$0xB930]  }
0x1d9: {  	s18 =	simm.s32 $0x80;
	s17 =	simm.s32 $0x200;
	v18 =	vld [tilespmem:s16+$0xC530];
	[tilespmem:s16+$0xB970] =	vst v3;
	v6 =	vmul.f32 $2.262741660e+01, v22;
	v3 =	vmul.f32 $2.262741660e+01, v23  }
.LBB2_7:
0x1da: {  	s19 =	sand.u32 $0x7000, s17;
	s20 =	sand.u32 $0x380, s18;
	v14 =	vmul.f32 $2.262741660e+01, v14;
	[tilespmem:s16+$0xBD60] =	vst v11;
	v11 =	vld [tilespmem:s16+$0xC560]  }
0x1db: {  	p1 =	sne.s32 s17, $0x4E00;
	s17 =	sadd.s32 $0x200, s17;
	s19 =	sor.u32 s20, s19;
	v15 =	vmul.f32 $2.262741660e+01, v15;
	v19 =	vld [tilespmem:s16+$0xB950];
	[tilespmem:s16+$0xBD70] =	vst v10  }
0x1dc: {  	v10 =	vld [tilespmem:s19+$0xBD70];
	v16 =	vmul.f32 $2.262741660e+01, v16;
	[tilespmem:s16+$0xC100] =	vst v12  }
0x1dd: {  	v12 =	vld [tilespmem:s19+$0xC100];
	v17 =	vmul.f32 $2.262741660e+01, v17;
	[tilespmem:s16+$0xC110] =	vst v13  }
0x1de: {  	v13 =	vld [tilespmem:s19+$0xC110];
	[tilespmem:s16+$0xB920] =	vst v16;
	v16 =	vmul.f32 $2.262741660e+01, v18  }
0x1df: {  	v18 =	vld [tilespmem:s19+$0xBD60];
	[tilespmem:s16+$0xB930] =	vst v17;
	v11 =	vmul.f32 $2.262741660e+01, v11  }
0x1e0: {  	v17 =	vld [tilespmem:s19+$0xBD50];
	v19 =	vmul.f32 $2.262741660e+01, v19;
	[tilespmem:s16+$0xC120] =	vst v9  }
0x1e1: {  	v9 =	vld [tilespmem:s19+$0xC120];
	[tilespmem:s16+$0xC530] =	vst v16  }
0x1e2: {  	v16 =	vld [tilespmem:s19+$0xBD40];
	[tilespmem:s16+$0xB950] =	vst v19  }
0x1e3: {  	v19 =	vld [tilespmem:s19+$0xC570];
	[tilespmem:s16+$0xB940] =	vst v15  }
0x1e4: {  	v15 =	vld [tilespmem:s19+$0xC510];
	[tilespmem:s16+$0xC560] =	vst v11  }
0x1e5: {  	v11 =	vld [tilespmem:s19+$0xC550];
	[tilespmem:s16+$0xC130] =	vst v4  }
0x1e6: {  	v4 =	vld [tilespmem:s19+$0xC130];
	[tilespmem:s16+$0xC140] =	vst v7  }
0x1e7: {  	v7 =	vld [tilespmem:s19+$0xC140];
	[tilespmem:s16+$0xB910] =	vst v14  }
0x1e8: {  	v14 =	vld [tilespmem:s19+$0xC540];
	[tilespmem:s16+$0xC150] =	vst v5  }
0x1e9: {  	v19 =	vmul.f32 $2.262741660e+01, v19;
	v5 =	vld [tilespmem:s19+$0xC500];
	[tilespmem:s16+$0xC160] =	vst v6  }
0x1ea: {  	v6 =	vld [tilespmem:s19+$0xBD30];
	[tilespmem:s16+$0xB900] =	vst v8  }
0x1eb: {  	v15 =	vmul.f32 $2.262741660e+01, v15;
	v8 =	vld [tilespmem:s19+$0xBD20];
	[tilespmem:s16+$0xC170] =	vst v3;
	s16 =	smov.u32 s19  }
0x1ec: {  	v11 =	vmul.f32 $2.262741660e+01, v11;
	v3 =	vld [tilespmem:s16+$0xBD10];
	[tilespmem:s16+$0xC570] =	vst v19  }
0x1ed: {  	v19 =	vmul.f32 $2.262741660e+01, v16;
	[tilespmem:s16+$0xC510] =	vst v15;
	v15 =	vld [tilespmem:s16+$0xC520];
	v14 =	vmul.f32 $2.262741660e+01, v14  }
0x1ee: {  	v20 =	vmul.f32 $2.262741660e+01, v17;
	v16 =	vld [tilespmem:s16+$0xBD00];
	v5 =	vmul.f32 $2.262741660e+01, v5;
	[tilespmem:s16+$0xC550] =	vst v11  }
0x1ef: {  	v11 =	vmul.f32 $2.262741660e+01, v18;
	v17 =	vld [tilespmem:s16+$0xB970];
	v6 =	vmul.f32 $2.262741660e+01, v6;
	[tilespmem:s16+$0xC540] =	vst v14  }
0x1f0: {  	v10 =	vmul.f32 $2.262741660e+01, v10;
	v18 =	vld [tilespmem:s16+$0xB960];
	v8 =	vmul.f32 $2.262741660e+01, v8;
	[tilespmem:s16+$0xC500] =	vst v5  }
0x1f1: {  	v12 =	vmul.f32 $2.262741660e+01, v12;
	v3 =	vmul.f32 $2.262741660e+01, v3;
	[tilespmem:s16+$0xBD30] =	vst v6;
	v5 =	vld [tilespmem:s16+$0xC150]  }
0x1f2: {  	v13 =	vmul.f32 $2.262741660e+01, v13;
	[tilespmem:s16+$0xBD20] =	vst v8;
	v6 =	vld [tilespmem:s16+$0xC160];
	v8 =	vmul.f32 $2.262741660e+01, v15  }
0x1f3: {  	v9 =	vmul.f32 $2.262741660e+01, v9;
	v15 =	vmul.f32 $2.262741660e+01, v16;
	[tilespmem:s16+$0xBD10] =	vst v3;
	v3 =	vld [tilespmem:s16+$0xC170]  }
0x1f4: {  	v4 =	vmul.f32 $2.262741660e+01, v4;
	v21 =	vld [tilespmem:s16+$0xB900];
	v16 =	vmul.f32 $2.262741660e+01, v17;
	[tilespmem:s16+$0xC520] =	vst v8  }
.Ltmp2:
0x1f5: {  	v7 =	vmul.f32 $2.262741660e+01, v7;
	v14 =	vld [tilespmem:s16+$0xB910];
	v8 =	vmul.f32 $2.262741660e+01, v18;
	[tilespmem:s16+$0xBD00] =	vst v15;
	(pc) =	sbr.rel @p1 .LBB2_7-.Ltmp2, $4  }
0x1f6: {  	v15 =	vld [tilespmem:s16+$0xB940];
	[tilespmem:s16+$0xB970] =	vst v16;
	v5 =	vmul.f32 $2.262741660e+01, v5  }
0x1f7: {  	v16 =	vld [tilespmem:s16+$0xB920];
	[tilespmem:s16+$0xB960] =	vst v8;
	v6 =	vmul.f32 $2.262741660e+01, v6  }
0x1f8: {  	v17 =	vld [tilespmem:s16+$0xB930];
	[tilespmem:s16+$0xBD40] =	vst v19;
	v3 =	vmul.f32 $2.262741660e+01, v3  }
0x1f9: {  	s18 =	sadd.s32 $0x80, s18;
	v8 =	vmul.f32 $2.262741660e+01, v21;
	[tilespmem:s16+$0xBD50] =	vst v20;
	v18 =	vld [tilespmem:s16+$0xC530]  }
0x1fa: {  	[tilespmem:s16+$0xBD60] =	vst v11  }
0x1fb: {  	[tilespmem:s16+$0xBD70] =	vst v10  }
0x1fc: {  	[tilespmem:s16+$0xC100] =	vst v12  }
0x1fd: {  	[tilespmem:s16+$0xC110] =	vst v13  }
0x1fe: {  	[tilespmem:s16+$0xC120] =	vst v9  }
0x1ff: {  	[tilespmem:s16+$0xC130] =	vst v4  }
0x200: {  	[tilespmem:s16+$0xC140] =	vst v7  }
0x201: {  	[tilespmem:s16+$0xC150] =	vst v5  }
0x202: {  	[tilespmem:s16+$0xC160] =	vst v6  }
0x203: {  	v11 =	vld [tilespmem:s16+$0xB950];
	[tilespmem:s16+$0xC170] =	vst v3;
	v9 =	vmul.f32 $2.262741660e+01, v15  }
0x204: {  	v12 =	vld [tilespmem:s16+$0xC560];
	[tilespmem:s16+$0xB900] =	vst v8;
	v10 =	vmul.f32 $2.262741660e+01, v16  }
0x205: {  	v16 =	vmul.f32 $2.262741660e+01, v17;
	[tilespmem:s16+$0xB940] =	vst v9  }
0x206: {  	v9 =	vmul.f32 $2.262741660e+01, v14;
	[tilespmem:s16+$0xB920] =	vst v10  }
0x207: {  	v10 =	vmul.f32 $2.262741660e+01, v18;
	[tilespmem:s16+$0xB930] =	vst v16  }
0x208: {  	v11 =	vmul.f32 $2.262741660e+01, v11;
	[tilespmem:s16+$0xB910] =	vst v9  }
0x209: {  	s13 =	sadd.s32 s13, s9;
	[tilespmem:s16+$0xC530] =	vst v10;
	v10 =	vmul.f32 $2.262741660e+01, v12  }
0x20a: {  	s13 =	sshll.u32 s13, $0x6;
	[tilespmem:s16+$0xB950] =	vst v11  }
0x20b: {  	s13 =	sadd.s32 s3, s13;
	[tilespmem:s16+$0xC560] =	vst v10  }
0x20c: {  	[hbm4b:s13+s5] =	stream.linear.scatter [tilespmem:s0], [sflag:$0x8], $0x5000, $0x38;
	[tilespmem:$0x1A900] =	vst v63  }
0x20d: {  	s13 =	simm.s32 @!p0 $0x7  }
0x20e: {  	_ =	swait.ge @!p0 [sflag:s13], $0x5000  }
0x20f: {  	[sflag:s13] =	ssyncset.done @!p0 $0x0  }
0x210: {  	[sflag:s13] =	ssyncadd.s32 @!p0 $0xFFFFB000  }
0x211: {  	v3 =	vld @!p0 [tilespmem:s1+$0xF0];
	_ =	sdelay $0x4  }
0x212: {  	v4 =	vshll.u32 @!p0 v3, $0x2  }
0x213: {  	v5 =	vlaneseq.u32 @!p0;
	v3 =	vand.u32 @!p0 $0x7, v3;
	v4 =	vand.u32 @!p0 $0xFFFFFFE0, v4  }
0x214: {  	v6 =	vshrl.u32 @!p0 v5, $0x3;
	v3 =	vor.u32 @!p0 v3, v4;
	v4 =	vand.u32 @!p0 $0x7, v5  }
0x215: {  	v6 =	vmul.u32 @!p0 $0x8, v6;
	v7 =	vperm.xlane @!p0 v3, v4;
	_ =	sdelay $0x1  }
0x216: {  	v7 =	vadd.s32 @!p0 v6, v7  }
0x217: {  	v5 =	vor.u32 @!p0 $0x8, v5  }
0x218: {  	v3 =	vperm.xlane @!p0 v3, v5;
	_ =	sdelay $0x1  }
0x219: {  	s16 =	simm.s32 @!p0 $0x6900;
	s13 =	simm.s32 @!p0 $0x0;
	v3 =	vadd.s32 @!p0 v6, v3  }
0x21a: {  	[tilespmem:s16], [sflag:$0x2] =	stream.indirect_vreg.gather @!p0 [hbm4b:s2+s13], $0x80, v7, vm1, $0xb8;
	[tilespmem:$0x1A900] =	vst v63  }
0x21b: {  	s16 =	simm.s32 @!p0 $0x7100  }
0x21c: {  	[tilespmem:s16], [sflag:$0x2] =	stream.indirect_vreg.gather @!p0 [hbm4b:s7+s13], $0x80, v7, vm1, $0xb8;
	[tilespmem:$0x1A900] =	vst v63  }
0x21d: {  	s16 =	simm.s32 @!p0 $0x7900  }
0x21e: {  	[tilespmem:s16], [sflag:$0x2] =	stream.indirect_vreg.gather @!p0 [hbm4b:s2+s13], $0x80, v3, vm1, $0xb8;
	[tilespmem:$0x1A900] =	vst v63  }
0x21f: {  	s16 =	simm.s32 @!p0 $0x8100  }
0x220: {  	[tilespmem:s16], [sflag:$0x2] =	stream.indirect_vreg.gather @!p0 [hbm4b:s7+s13], $0x80, v3, vm1, $0xb8;
	[tilespmem:$0x1A900] =	vst v63  }
0x221: {  	v3 =	vld @!p0 [tilespmem:s1+$0x100];
	_ =	sdelay $0x4  }
0x222: {  	v7 =	vshll.u32 @!p0 v3, $0x2  }
0x223: {  	v3 =	vand.u32 @!p0 $0x7, v3;
	v7 =	vand.u32 @!p0 $0xFFFFFFE0, v7  }
0x224: {  	v3 =	vor.u32 @!p0 v3, v7  }
0x225: {  	v7 =	vperm.xlane @!p0 v3, v4;
	_ =	sdelay $0x1  }
0x226: {  	v7 =	vadd.s32 @!p0 v6, v7;
	_ =	sdelay $0x1  }
0x227: {  	v3 =	vperm.xlane @!p0 v3, v5;
	_ =	sdelay $0x1  }
0x228: {  	s16 =	simm.s32 @!p0 $0x8900;
	v3 =	vadd.s32 @!p0 v6, v3  }
0x229: {  	[tilespmem:s16], [sflag:$0x2] =	stream.indirect_vreg.gather @!p0 [hbm4b:s2+s13], $0x80, v7, vm1, $0xb8;
	[tilespmem:$0x1A900] =	vst v63  }
0x22a: {  	s16 =	simm.s32 @!p0 $0x9100  }
0x22b: {  	[tilespmem:s16], [sflag:$0x2] =	stream.indirect_vreg.gather @!p0 [hbm4b:s7+s13], $0x80, v7, vm1, $0xb8;
	[tilespmem:$0x1A900] =	vst v63  }
0x22c: {  	s16 =	simm.s32 @!p0 $0x9900  }
0x22d: {  	[tilespmem:s16], [sflag:$0x2] =	stream.indirect_vreg.gather @!p0 [hbm4b:s2+s13], $0x80, v3, vm1, $0xb8;
	[tilespmem:$0x1A900] =	vst v63  }
0x22e: {  	s16 =	simm.s32 @!p0 $0xA100  }
0x22f: {  	[tilespmem:s16], [sflag:$0x2] =	stream.indirect_vreg.gather @!p0 [hbm4b:s7+s13], $0x80, v3, vm1, $0xb8;
	[tilespmem:$0x1A900] =	vst v63  }
0x230: {  	v3 =	vld.msk @!p0 [tilespmem:s1+$0x110], $0xff;
	_ =	sdelay $0x4  }
0x231: {  	v5 =	vshll.u32 @!p0 v3, $0x2  }
0x232: {  	v3 =	vand.u32 @!p0 $0x7, v3;
	v5 =	vand.u32 @!p0 $0xFFFFFFE0, v5  }
0x233: {  	v3 =	vor.u32 @!p0 v3, v5  }
0x234: {  	v3 =	vperm.xlane @!p0 v3, v4;
	_ =	sdelay $0x1  }
0x235: {  	v3 =	vadd.s32 @!p0 v6, v3;
	_ =	sdelay $0x3  }
0x236: {  	s16 =	simm.s32 @!p0 $0xA900  }
0x237: {  	[tilespmem:s16], [sflag:$0x2] =	stream.indirect_vreg.gather @!p0 [hbm4b:s2+s13], $0x80, v3, vm1, $0xb8;
	[tilespmem:$0x1A900] =	vst v63  }
0x238: {  	s16 =	simm.s32 @!p0 $0xB100  }
0x239: {  	[tilespmem:s16], [sflag:$0x2] =	stream.indirect_vreg.gather @!p0 [hbm4b:s7+s13], $0x80, v3, vm1, $0xb8;
	[tilespmem:$0x1A900] =	vst v63  }
0x23a: {  	s19 =	simm.s32 $0x0;
	_ =	swait.ge [sflag:s26], $0x5000  }
0x23b: {  	s20 =	sand.u32 $0x7000, s19;
	s13 =	sand.u32 $0x380, s19;
	[sflag:s26] =	ssyncset.done $0x0  }
0x23c: {  	s16 =	sor.u32 s13, s20;
	[sflag:s26] =	ssyncadd.s32 $0xFFFFB000  }
0x23d: {  	s13 =	sadd.s32 $0x10900, s16;
	v3 =	vld [tilespmem:s16+$0x10900]  }
0x23e: {  	v4 =	vld [tilespmem:s13+$0x810]  }
0x23f: {  	v5 =	vld [tilespmem:s13+$0x800]  }
0x240: {  	v6 =	vld [tilespmem:s13+$0x470]  }
0x241: {  	v7 =	vld [tilespmem:s13+$0x450]  }
0x242: {  	v8 =	vld [tilespmem:s13+$0x440]  }
0x243: {  	v9 =	vld [tilespmem:s13+$0x430]  }
0x244: {  	v10 =	vld [tilespmem:s13+$0x420]  }
0x245: {  	v11 =	vld [tilespmem:s13+$0x410]  }
0x246: {  	v12 =	vld [tilespmem:s13+$0xC70]  }
0x247: {  	v13 =	vld [tilespmem:s13+$0x400]  }
0x248: {  	v14 =	vld [tilespmem:s13+$0xC20]  }
0x249: {  	v15 =	vld [tilespmem:s13+$0xC40];
	v3 =	vmul.f32 $2.262741660e+01, v3  }
0x24a: {  	v17 =	vld [tilespmem:s13+$0x460];
	v10 =	vmul.f32 $2.262741660e+01, v10  }
0x24b: {  	v18 =	vld [tilespmem:s13+$0x830];
	v11 =	vmul.f32 $2.262741660e+01, v11;
	[tilespmem:s16+$0x10900] =	vst v3  }
0x24c: {  	v13 =	vmul.f32 $2.262741660e+01, v13;
	v3 =	vld [tilespmem:s13+$0x70];
	[tilespmem:s13+$0x420] =	vst v10  }
0x24d: {  	v14 =	vmul.f32 $2.262741660e+01, v14;
	[tilespmem:s13+$0x410] =	vst v11;
	v16 =	vld [tilespmem:s13+$0x30]  }
0x24e: {  	v9 =	vmul.f32 $2.262741660e+01, v9;
	v10 =	vmul.f32 $2.262741660e+01, v12;
	[tilespmem:s13+$0x400] =	vst v13;
	v12 =	vld [tilespmem:s13+$0x20]  }
0x24f: {  	v8 =	vmul.f32 $2.262741660e+01, v8;
	[tilespmem:s13+$0xC20] =	vst v14;
	v11 =	vld [tilespmem:s13+$0x10]  }
0x250: {  	v20 =	vld [tilespmem:s13+$0x40];
	[tilespmem:s13+$0x430] =	vst v9  }
0x251: {  	v14 =	vld [tilespmem:s13+$0x840];
	[tilespmem:s13+$0x440] =	vst v8;
	v3 =	vmul.f32 $2.262741660e+01, v3  }
0x252: {  	[tilespmem:s13+$0xC70] =	vst v10;
	v10 =	vld [tilespmem:s13+$0x820];
	v13 =	vmul.f32 $2.262741660e+01, v16  }
0x253: {  	v12 =	vmul.f32 $2.262741660e+01, v12;
	[tilespmem:s13+$0x70] =	vst v3;
	v3 =	vld [tilespmem:s13+$0x850]  }
0x254: {  	v11 =	vmul.f32 $2.262741660e+01, v11;
	[tilespmem:s13+$0x30] =	vst v13;
	v13 =	vmul.f32 $2.262741660e+01, v15;
	v15 =	vld [tilespmem:s13+$0x860]  }
0x255: {  	v19 =	vmul.f32 $2.262741660e+01, v7;
	v17 =	vmul.f32 $2.262741660e+01, v17;
	[tilespmem:s13+$0x20] =	vst v12;
	v12 =	vld [tilespmem:s13+$0x870]  }
0x256: {  	v21 =	vmul.f32 $2.262741660e+01, v6;
	v7 =	vmul.f32 $2.262741660e+01, v5;
	[tilespmem:s13+$0x10] =	vst v11;
	v11 =	vld [tilespmem:s13+$0xC00]  }
0x257: {  	v6 =	vmul.f32 $2.262741660e+01, v4;
	v8 =	vmul.f32 $2.262741660e+01, v18;
	[tilespmem:s13+$0xC40] =	vst v13;
	v13 =	vld [tilespmem:s13+$0x50]  }
0x258: {  	[tilespmem:s13+$0x450] =	vst v19;
	v5 =	vmul.f32 $2.262741660e+01, v14;
	v16 =	vld [tilespmem:s13+$0x60];
	v4 =	vmul.f32 $2.262741660e+01, v10  }
0x259: {  	[tilespmem:s13+$0x460] =	vst v17;
	v14 =	vld [tilespmem:s13+$0xC10];
	v9 =	vmul.f32 $2.262741660e+01, v3;
	v10 =	vmul.f32 $2.262741660e+01, v15  }
0x25a: {  	s17 =	simm.s32 $0x80;
	s16 =	simm.s32 $0x200;
	[tilespmem:s13+$0x470] =	vst v21;
	v3 =	vmul.f32 $2.262741660e+01, v12;
	v12 =	vmul.f32 $2.262741660e+01, v20;
	v15 =	vld [tilespmem:s13+$0xC30]  }
.LBB2_9:
0x25b: {  	s18 =	sand.u32 $0x7000, s16;
	s19 =	sand.u32 $0x380, s17;
	[tilespmem:s13+$0x800] =	vst v7;
	v7 =	vmul.f32 $2.262741660e+01, v11;
	v11 =	vld [tilespmem:s13+$0xC50]  }
0x25c: {  	p1 =	sne.s32 s16, $0x4E00;
	s16 =	sadd.s32 $0x200, s16;
	s18 =	sor.u32 s19, s18;
	v13 =	vmul.f32 $2.262741660e+01, v13;
	[tilespmem:s13+$0x810] =	vst v6;
	v6 =	vld [tilespmem:s13+$0xC60]  }
0x25d: {  	s19 =	sadd.s32 $0x10900, s18;
	v17 =	vld [tilespmem:s18+$0x10900];
	v16 =	vmul.f32 $2.262741660e+01, v16;
	[tilespmem:s13+$0x820] =	vst v4  }
0x25e: {  	v4 =	vld [tilespmem:s19+$0x810];
	[tilespmem:s13+$0x830] =	vst v8;
	v8 =	vmul.f32 $2.262741660e+01, v14  }
0x25f: {  	v14 =	vld [tilespmem:s19+$0x800];
	[tilespmem:s13+$0x840] =	vst v5;
	v5 =	vmul.f32 $2.262741660e+01, v15  }
0x260: {  	v15 =	vld [tilespmem:s19+$0x470];
	[tilespmem:s13+$0x850] =	vst v9;
	v9 =	vmul.f32 $2.262741660e+01, v11  }
0x261: {  	v11 =	vld [tilespmem:s19+$0x460];
	[tilespmem:s13+$0x860] =	vst v10;
	v6 =	vmul.f32 $2.262741660e+01, v6  }
0x262: {  	v10 =	vmul.f32 $2.262741660e+01, v17;
	v17 =	vld [tilespmem:s19+$0x450];
	[tilespmem:s13+$0x40] =	vst v12  }
0x263: {  	v12 =	vld [tilespmem:s19+$0x440];
	[tilespmem:s13+$0xC60] =	vst v6  }
0x264: {  	v6 =	vld [tilespmem:s19+$0x430];
	[tilespmem:s13+$0x60] =	vst v16  }
0x265: {  	v16 =	vld [tilespmem:s19+$0x420];
	[tilespmem:s13+$0x50] =	vst v13  }
0x266: {  	v13 =	vld [tilespmem:s19+$0x410];
	[tilespmem:s13+$0xC50] =	vst v9  }
0x267: {  	v9 =	vld [tilespmem:s19+$0xC70];
	[tilespmem:s13+$0xC00] =	vst v7  }
0x268: {  	v7 =	vld [tilespmem:s19+$0x400];
	[tilespmem:s13+$0x870] =	vst v3  }
0x269: {  	v3 =	vld [tilespmem:s19+$0xC20];
	[tilespmem:s13+$0xC10] =	vst v8  }
0x26a: {  	v8 =	vmul.f32 $2.262741660e+01, v16;
	v16 =	vld [tilespmem:s19+$0xC40];
	[tilespmem:s13+$0xC30] =	vst v5;
	s13 =	smov.u32 s19  }
0x26b: {  	[tilespmem:s18+$0x10900] =	vst v10;
	v5 =	vld [tilespmem:s13+$0x70];
	v10 =	vmul.f32 $2.262741660e+01, v13  }
0x26c: {  	v13 =	vld [tilespmem:s13+$0x30];
	[tilespmem:s13+$0x420] =	vst v8;
	v8 =	vmul.f32 $2.262741660e+01, v9  }
0x26d: {  	v9 =	vld [tilespmem:s13+$0x20];
	v7 =	vmul.f32 $2.262741660e+01, v7;
	[tilespmem:s13+$0x410] =	vst v10;
	v10 =	vmul.f32 $2.262741660e+01, v6  }
0x26e: {  	v12 =	vmul.f32 $2.262741660e+01, v12;
	v6 =	vld [tilespmem:s13+$0x10];
	v3 =	vmul.f32 $2.262741660e+01, v3;
	[tilespmem:s13+$0xC70] =	vst v8  }
0x26f: {  	v17 =	vmul.f32 $2.262741660e+01, v17;
	[tilespmem:s13+$0x400] =	vst v7;
	v8 =	vld [tilespmem:s13+$0x820];
	v7 =	vmul.f32 $2.262741660e+01, v16  }
0x270: {  	v18 =	vmul.f32 $2.262741660e+01, v11;
	v5 =	vmul.f32 $2.262741660e+01, v5;
	v11 =	vld [tilespmem:s13+$0x830];
	[tilespmem:s13+$0xC20] =	vst v3  }
0x271: {  	v15 =	vmul.f32 $2.262741660e+01, v15;
	v3 =	vmul.f32 $2.262741660e+01, v13;
	v13 =	vld [tilespmem:s13+$0x840];
	[tilespmem:s13+$0xC40] =	vst v7  }
0x272: {  	v7 =	vmul.f32 $2.262741660e+01, v14;
	v9 =	vmul.f32 $2.262741660e+01, v9;
	[tilespmem:s13+$0x70] =	vst v5;
	v14 =	vld [tilespmem:s13+$0x850]  }
0x273: {  	v5 =	vmul.f32 $2.262741660e+01, v6;
	[tilespmem:s13+$0x30] =	vst v3;
	v6 =	vmul.f32 $2.262741660e+01, v4;
	v3 =	vld [tilespmem:s13+$0x860]  }
0x274: {  	[tilespmem:s13+$0x20] =	vst v9;
	v4 =	vmul.f32 $2.262741660e+01, v8;
	v19 =	vld [tilespmem:s13+$0x870]  }
0x275: {  	[tilespmem:s13+$0x10] =	vst v5;
	v20 =	vld [tilespmem:s13+$0x40];
	v8 =	vmul.f32 $2.262741660e+01, v11  }
.Ltmp3:
0x276: {  	[tilespmem:s13+$0x430] =	vst v10;
	v5 =	vmul.f32 $2.262741660e+01, v13;
	v11 =	vld [tilespmem:s13+$0xC00];
	(pc) =	sbr.rel @p1 .LBB2_9-.Ltmp3, $4  }
0x277: {  	v13 =	vld [tilespmem:s13+$0x50];
	[tilespmem:s13+$0x440] =	vst v12;
	v9 =	vmul.f32 $2.262741660e+01, v14  }
0x278: {  	v16 =	vld [tilespmem:s13+$0x60];
	[tilespmem:s13+$0x450] =	vst v17;
	v10 =	vmul.f32 $2.262741660e+01, v3  }
0x279: {  	[tilespmem:s13+$0x460] =	vst v18;
	v3 =	vmul.f32 $2.262741660e+01, v19;
	v14 =	vld [tilespmem:s13+$0xC10]  }
0x27a: {  	s17 =	sadd.s32 $0x80, s17;
	v12 =	vmul.f32 $2.262741660e+01, v20;
	[tilespmem:s13+$0x470] =	vst v15;
	v15 =	vld [tilespmem:s13+$0xC30]  }
0x27b: {  	[tilespmem:s13+$0x800] =	vst v7  }
0x27c: {  	[tilespmem:s13+$0x810] =	vst v6  }
0x27d: {  	[tilespmem:s13+$0x820] =	vst v4  }
0x27e: {  	v6 =	vld [tilespmem:s13+$0xC60];
	[tilespmem:s13+$0x830] =	vst v8  }
0x27f: {  	[tilespmem:s13+$0x840] =	vst v5  }
0x280: {  	v4 =	vld [tilespmem:s13+$0xC50];
	[tilespmem:s13+$0x850] =	vst v9  }
0x281: {  	[tilespmem:s13+$0x860] =	vst v10  }
0x282: {  	[tilespmem:s13+$0x870] =	vst v3;
	v7 =	vmul.f32 $2.262741660e+01, v13  }
0x283: {  	[tilespmem:s13+$0x40] =	vst v12;
	v5 =	vmul.f32 $2.262741660e+01, v6  }
0x284: {  	[tilespmem:s13+$0x50] =	vst v7;
	v6 =	vmul.f32 $2.262741660e+01, v16  }
0x285: {  	v4 =	vmul.f32 $2.262741660e+01, v4;
	[tilespmem:s13+$0xC60] =	vst v5  }
0x286: {  	s16 =	smul.u32 $0x28, s31;
	[tilespmem:s13+$0x60] =	vst v6;
	v5 =	vmul.f32 $2.262741660e+01, v11  }
0x287: {  	[tilespmem:s13+$0xC50] =	vst v4;
	v4 =	vmul.f32 $2.262741660e+01, v14  }
0x288: {  	s16 =	sadd.s32 s4, s16;
	[tilespmem:s13+$0xC00] =	vst v5;
	v5 =	vmul.f32 $2.262741660e+01, v15  }
0x289: {  	s16 =	sshll.u32 s16, $0x6;
	[tilespmem:s13+$0xC10] =	vst v4  }
0x28a: {  	s19 =	sadd.s32 s3, s16;
	[tilespmem:s13+$0xC30] =	vst v5;
	s13 =	simm.s32 @!p0 $0x8  }
0x28b: {  	[hbm4b:s19+s5] =	stream.linear.scatter [tilespmem:s23], [sflag:$0x9], $0x5000, $0x38;
	[tilespmem:$0x1A900] =	vst v63  }
0x28c: {  	_ =	swait.ge @!p0 [sflag:s13], $0x5000  }
0x28d: {  	[sflag:s13] =	ssyncset.done @!p0 $0x0  }
0x28e: {  	[sflag:s13] =	ssyncadd.s32 @!p0 $0xFFFFB000  }
0x28f: {  	v3 =	vld @!p0 [tilespmem:s1+$0x118];
	_ =	sdelay $0x4  }
0x290: {  	v4 =	vshll.u32 @!p0 v3, $0x2  }
0x291: {  	v5 =	vlaneseq.u32 @!p0;
	v3 =	vand.u32 @!p0 $0x7, v3;
	v4 =	vand.u32 @!p0 $0xFFFFFFE0, v4  }
0x292: {  	v6 =	vshrl.u32 @!p0 v5, $0x3;
	v3 =	vor.u32 @!p0 v3, v4;
	v4 =	vand.u32 @!p0 $0x7, v5  }
0x293: {  	v6 =	vmul.u32 @!p0 $0x8, v6;
	v7 =	vperm.xlane @!p0 v3, v4;
	_ =	sdelay $0x1  }
0x294: {  	v7 =	vadd.s32 @!p0 v6, v7  }
0x295: {  	v5 =	vor.u32 @!p0 $0x8, v5  }
0x296: {  	v3 =	vperm.xlane @!p0 v3, v5;
	_ =	sdelay $0x1  }
0x297: {  	s16 =	simm.s32 @!p0 $0xB900;
	s13 =	simm.s32 @!p0 $0x0;
	v3 =	vadd.s32 @!p0 v6, v3  }
0x298: {  	[tilespmem:s16], [sflag:$0x3] =	stream.indirect_vreg.gather @!p0 [hbm4b:s2+s13], $0x80, v7, vm1, $0xb8;
	[tilespmem:$0x1A900] =	vst v63  }
0x299: {  	s16 =	simm.s32 @!p0 $0xC100  }
0x29a: {  	[tilespmem:s16], [sflag:$0x3] =	stream.indirect_vreg.gather @!p0 [hbm4b:s7+s13], $0x80, v7, vm1, $0xb8;
	[tilespmem:$0x1A900] =	vst v63  }
0x29b: {  	s16 =	simm.s32 @!p0 $0xC900  }
0x29c: {  	[tilespmem:s16], [sflag:$0x3] =	stream.indirect_vreg.gather @!p0 [hbm4b:s2+s13], $0x80, v3, vm1, $0xb8;
	[tilespmem:$0x1A900] =	vst v63  }
0x29d: {  	s16 =	simm.s32 @!p0 $0xD100  }
0x29e: {  	[tilespmem:s16], [sflag:$0x3] =	stream.indirect_vreg.gather @!p0 [hbm4b:s7+s13], $0x80, v3, vm1, $0xb8;
	[tilespmem:$0x1A900] =	vst v63  }
0x29f: {  	v3 =	vld @!p0 [tilespmem:s1+$0x128];
	_ =	sdelay $0x4  }
0x2a0: {  	v7 =	vshll.u32 @!p0 v3, $0x2  }
0x2a1: {  	v3 =	vand.u32 @!p0 $0x7, v3;
	v7 =	vand.u32 @!p0 $0xFFFFFFE0, v7  }
0x2a2: {  	v3 =	vor.u32 @!p0 v3, v7  }
0x2a3: {  	v7 =	vperm.xlane @!p0 v3, v4;
	_ =	sdelay $0x1  }
0x2a4: {  	v7 =	vadd.s32 @!p0 v6, v7;
	_ =	sdelay $0x1  }
0x2a5: {  	v3 =	vperm.xlane @!p0 v3, v5;
	_ =	sdelay $0x1  }
0x2a6: {  	s16 =	simm.s32 @!p0 $0xD900;
	v3 =	vadd.s32 @!p0 v6, v3  }
0x2a7: {  	[tilespmem:s16], [sflag:$0x3] =	stream.indirect_vreg.gather @!p0 [hbm4b:s2+s13], $0x80, v7, vm1, $0xb8;
	[tilespmem:$0x1A900] =	vst v63  }
0x2a8: {  	s16 =	simm.s32 @!p0 $0xE100  }
0x2a9: {  	[tilespmem:s16], [sflag:$0x3] =	stream.indirect_vreg.gather @!p0 [hbm4b:s7+s13], $0x80, v7, vm1, $0xb8;
	[tilespmem:$0x1A900] =	vst v63  }
0x2aa: {  	s16 =	simm.s32 @!p0 $0xE900  }
0x2ab: {  	[tilespmem:s16], [sflag:$0x3] =	stream.indirect_vreg.gather @!p0 [hbm4b:s2+s13], $0x80, v3, vm1, $0xb8;
	[tilespmem:$0x1A900] =	vst v63  }
0x2ac: {  	s16 =	simm.s32 @!p0 $0xF100  }
0x2ad: {  	[tilespmem:s16], [sflag:$0x3] =	stream.indirect_vreg.gather @!p0 [hbm4b:s7+s13], $0x80, v3, vm1, $0xb8;
	[tilespmem:$0x1A900] =	vst v63  }
0x2ae: {  	v3 =	vld.msk @!p0 [tilespmem:s1+$0x138], $0xff;
	_ =	sdelay $0x4  }
0x2af: {  	v5 =	vshll.u32 @!p0 v3, $0x2  }
0x2b0: {  	v3 =	vand.u32 @!p0 $0x7, v3;
	v5 =	vand.u32 @!p0 $0xFFFFFFE0, v5  }
0x2b1: {  	v3 =	vor.u32 @!p0 v3, v5  }
0x2b2: {  	v3 =	vperm.xlane @!p0 v3, v4;
	_ =	sdelay $0x1  }
0x2b3: {  	v3 =	vadd.s32 @!p0 v6, v3;
	_ =	sdelay $0x3  }
0x2b4: {  	s1 =	simm.s32 @!p0 $0xF900  }
0x2b5: {  	[tilespmem:s1], [sflag:$0x3] =	stream.indirect_vreg.gather @!p0 [hbm4b:s2+s13], $0x80, v3, vm1, $0xb8;
	[tilespmem:$0x1A900] =	vst v63  }
0x2b6: {  	s1 =	simm.s32 @!p0 $0x10100  }
0x2b7: {  	[tilespmem:s1], [sflag:$0x3] =	stream.indirect_vreg.gather @!p0 [hbm4b:s7+s13], $0x80, v3, vm1, $0xb8;
	[tilespmem:$0x1A900] =	vst v63  }
0x2b8: {  	s20 =	simm.s32 $0x0;
	_ =	swait.ge [sflag:s28], $0x5000  }
0x2b9: {  	s31 =	sand.u32 $0x7000, s20;
	s1 =	sand.u32 $0x380, s20;
	[sflag:s28] =	ssyncset.done $0x0  }
0x2ba: {  	s13 =	sor.u32 s1, s31;
	[sflag:s28] =	ssyncadd.s32 $0xFFFFB000  }
0x2bb: {  	s1 =	sadd.s32 $0x15900, s13;
	v3 =	vld [tilespmem:s13+$0x15900]  }
0x2bc: {  	v4 =	vld [tilespmem:s1+$0x810]  }
0x2bd: {  	v5 =	vld [tilespmem:s1+$0x800]  }
0x2be: {  	v6 =	vld [tilespmem:s1+$0x470]  }
0x2bf: {  	v7 =	vld [tilespmem:s1+$0x450]  }
0x2c0: {  	v8 =	vld [tilespmem:s1+$0x440]  }
0x2c1: {  	v9 =	vld [tilespmem:s1+$0x430]  }
0x2c2: {  	v10 =	vld [tilespmem:s1+$0x420]  }
0x2c3: {  	v11 =	vld [tilespmem:s1+$0x410]  }
0x2c4: {  	v12 =	vld [tilespmem:s1+$0xC70]  }
0x2c5: {  	v13 =	vld [tilespmem:s1+$0x400]  }
0x2c6: {  	v14 =	vld [tilespmem:s1+$0xC20]  }
0x2c7: {  	v15 =	vld [tilespmem:s1+$0xC40];
	v3 =	vmul.f32 $2.262741660e+01, v3  }
0x2c8: {  	v17 =	vld [tilespmem:s1+$0x460];
	v10 =	vmul.f32 $2.262741660e+01, v10  }
0x2c9: {  	v18 =	vld [tilespmem:s1+$0x830];
	v11 =	vmul.f32 $2.262741660e+01, v11;
	[tilespmem:s13+$0x15900] =	vst v3  }
0x2ca: {  	v13 =	vmul.f32 $2.262741660e+01, v13;
	v3 =	vld [tilespmem:s1+$0x70];
	[tilespmem:s1+$0x420] =	vst v10  }
0x2cb: {  	v14 =	vmul.f32 $2.262741660e+01, v14;
	[tilespmem:s1+$0x410] =	vst v11;
	v16 =	vld [tilespmem:s1+$0x30]  }
0x2cc: {  	v9 =	vmul.f32 $2.262741660e+01, v9;
	v10 =	vmul.f32 $2.262741660e+01, v12;
	[tilespmem:s1+$0x400] =	vst v13;
	v12 =	vld [tilespmem:s1+$0x20]  }
0x2cd: {  	v8 =	vmul.f32 $2.262741660e+01, v8;
	[tilespmem:s1+$0xC20] =	vst v14;
	v11 =	vld [tilespmem:s1+$0x10]  }
0x2ce: {  	v20 =	vld [tilespmem:s1+$0x40];
	[tilespmem:s1+$0x430] =	vst v9  }
0x2cf: {  	v14 =	vld [tilespmem:s1+$0x840];
	[tilespmem:s1+$0x440] =	vst v8;
	v3 =	vmul.f32 $2.262741660e+01, v3  }
0x2d0: {  	[tilespmem:s1+$0xC70] =	vst v10;
	v10 =	vld [tilespmem:s1+$0x820];
	v13 =	vmul.f32 $2.262741660e+01, v16  }
0x2d1: {  	v12 =	vmul.f32 $2.262741660e+01, v12;
	[tilespmem:s1+$0x70] =	vst v3;
	v3 =	vld [tilespmem:s1+$0x850]  }
0x2d2: {  	v11 =	vmul.f32 $2.262741660e+01, v11;
	[tilespmem:s1+$0x30] =	vst v13;
	v13 =	vmul.f32 $2.262741660e+01, v15;
	v15 =	vld [tilespmem:s1+$0x860]  }
0x2d3: {  	v19 =	vmul.f32 $2.262741660e+01, v7;
	v17 =	vmul.f32 $2.262741660e+01, v17;
	[tilespmem:s1+$0x20] =	vst v12;
	v12 =	vld [tilespmem:s1+$0x870]  }
0x2d4: {  	v21 =	vmul.f32 $2.262741660e+01, v6;
	v7 =	vmul.f32 $2.262741660e+01, v5;
	[tilespmem:s1+$0x10] =	vst v11;
	v11 =	vld [tilespmem:s1+$0xC00]  }
0x2d5: {  	v6 =	vmul.f32 $2.262741660e+01, v4;
	v8 =	vmul.f32 $2.262741660e+01, v18;
	[tilespmem:s1+$0xC40] =	vst v13;
	v13 =	vld [tilespmem:s1+$0x50]  }
0x2d6: {  	[tilespmem:s1+$0x450] =	vst v19;
	v5 =	vmul.f32 $2.262741660e+01, v14;
	v16 =	vld [tilespmem:s1+$0x60];
	v4 =	vmul.f32 $2.262741660e+01, v10  }
0x2d7: {  	[tilespmem:s1+$0x460] =	vst v17;
	v14 =	vld [tilespmem:s1+$0xC10];
	v9 =	vmul.f32 $2.262741660e+01, v3;
	v10 =	vmul.f32 $2.262741660e+01, v15  }
0x2d8: {  	s16 =	simm.s32 $0x80;
	s13 =	simm.s32 $0x200;
	[tilespmem:s1+$0x470] =	vst v21;
	v3 =	vmul.f32 $2.262741660e+01, v12;
	v12 =	vmul.f32 $2.262741660e+01, v20;
	v15 =	vld [tilespmem:s1+$0xC30]  }
.LBB2_11:
0x2d9: {  	s17 =	sand.u32 $0x7000, s13;
	s18 =	sand.u32 $0x380, s16;
	[tilespmem:s1+$0x800] =	vst v7;
	v7 =	vmul.f32 $2.262741660e+01, v11;
	v11 =	vld [tilespmem:s1+$0xC50]  }
0x2da: {  	p0 =	sne.s32 s13, $0x4E00;
	s13 =	sadd.s32 $0x200, s13;
	s17 =	sor.u32 s18, s17;
	v13 =	vmul.f32 $2.262741660e+01, v13;
	[tilespmem:s1+$0x810] =	vst v6;
	v6 =	vld [tilespmem:s1+$0xC60]  }
0x2db: {  	s18 =	sadd.s32 $0x15900, s17;
	v17 =	vld [tilespmem:s17+$0x15900];
	v16 =	vmul.f32 $2.262741660e+01, v16;
	[tilespmem:s1+$0x820] =	vst v4  }
0x2dc: {  	v4 =	vld [tilespmem:s18+$0x810];
	[tilespmem:s1+$0x830] =	vst v8;
	v8 =	vmul.f32 $2.262741660e+01, v14  }
0x2dd: {  	v14 =	vld [tilespmem:s18+$0x800];
	[tilespmem:s1+$0x840] =	vst v5;
	v5 =	vmul.f32 $2.262741660e+01, v15  }
0x2de: {  	v15 =	vld [tilespmem:s18+$0x470];
	[tilespmem:s1+$0x850] =	vst v9;
	v9 =	vmul.f32 $2.262741660e+01, v11  }
0x2df: {  	v11 =	vld [tilespmem:s18+$0x460];
	[tilespmem:s1+$0x860] =	vst v10;
	v6 =	vmul.f32 $2.262741660e+01, v6  }
0x2e0: {  	v10 =	vmul.f32 $2.262741660e+01, v17;
	v17 =	vld [tilespmem:s18+$0x450];
	[tilespmem:s1+$0x40] =	vst v12  }
0x2e1: {  	v12 =	vld [tilespmem:s18+$0x440];
	[tilespmem:s1+$0xC60] =	vst v6  }
0x2e2: {  	v6 =	vld [tilespmem:s18+$0x430];
	[tilespmem:s1+$0x60] =	vst v16  }
0x2e3: {  	v16 =	vld [tilespmem:s18+$0x420];
	[tilespmem:s1+$0x50] =	vst v13  }
0x2e4: {  	v13 =	vld [tilespmem:s18+$0x410];
	[tilespmem:s1+$0xC50] =	vst v9  }
0x2e5: {  	v9 =	vld [tilespmem:s18+$0xC70];
	[tilespmem:s1+$0xC00] =	vst v7  }
0x2e6: {  	v7 =	vld [tilespmem:s18+$0x400];
	[tilespmem:s1+$0x870] =	vst v3  }
0x2e7: {  	v3 =	vld [tilespmem:s18+$0xC20];
	[tilespmem:s1+$0xC10] =	vst v8  }
0x2e8: {  	v8 =	vmul.f32 $2.262741660e+01, v16;
	v16 =	vld [tilespmem:s18+$0xC40];
	[tilespmem:s1+$0xC30] =	vst v5;
	s1 =	smov.u32 s18  }
0x2e9: {  	[tilespmem:s17+$0x15900] =	vst v10;
	v5 =	vld [tilespmem:s1+$0x70];
	v10 =	vmul.f32 $2.262741660e+01, v13  }
0x2ea: {  	v13 =	vld [tilespmem:s1+$0x30];
	[tilespmem:s1+$0x420] =	vst v8;
	v8 =	vmul.f32 $2.262741660e+01, v9  }
0x2eb: {  	v9 =	vld [tilespmem:s1+$0x20];
	v7 =	vmul.f32 $2.262741660e+01, v7;
	[tilespmem:s1+$0x410] =	vst v10;
	v10 =	vmul.f32 $2.262741660e+01, v6  }
0x2ec: {  	v12 =	vmul.f32 $2.262741660e+01, v12;
	v6 =	vld [tilespmem:s1+$0x10];
	v3 =	vmul.f32 $2.262741660e+01, v3;
	[tilespmem:s1+$0xC70] =	vst v8  }
0x2ed: {  	v17 =	vmul.f32 $2.262741660e+01, v17;
	[tilespmem:s1+$0x400] =	vst v7;
	v8 =	vld [tilespmem:s1+$0x820];
	v7 =	vmul.f32 $2.262741660e+01, v16  }
0x2ee: {  	v18 =	vmul.f32 $2.262741660e+01, v11;
	v5 =	vmul.f32 $2.262741660e+01, v5;
	v11 =	vld [tilespmem:s1+$0x830];
	[tilespmem:s1+$0xC20] =	vst v3  }
0x2ef: {  	v15 =	vmul.f32 $2.262741660e+01, v15;
	v3 =	vmul.f32 $2.262741660e+01, v13;
	v13 =	vld [tilespmem:s1+$0x840];
	[tilespmem:s1+$0xC40] =	vst v7  }
0x2f0: {  	v7 =	vmul.f32 $2.262741660e+01, v14;
	v9 =	vmul.f32 $2.262741660e+01, v9;
	[tilespmem:s1+$0x70] =	vst v5;
	v14 =	vld [tilespmem:s1+$0x850]  }
0x2f1: {  	v5 =	vmul.f32 $2.262741660e+01, v6;
	[tilespmem:s1+$0x30] =	vst v3;
	v6 =	vmul.f32 $2.262741660e+01, v4;
	v3 =	vld [tilespmem:s1+$0x860]  }
0x2f2: {  	[tilespmem:s1+$0x20] =	vst v9;
	v4 =	vmul.f32 $2.262741660e+01, v8;
	v19 =	vld [tilespmem:s1+$0x870]  }
0x2f3: {  	[tilespmem:s1+$0x10] =	vst v5;
	v20 =	vld [tilespmem:s1+$0x40];
	v8 =	vmul.f32 $2.262741660e+01, v11  }
.Ltmp4:
0x2f4: {  	[tilespmem:s1+$0x430] =	vst v10;
	v5 =	vmul.f32 $2.262741660e+01, v13;
	v11 =	vld [tilespmem:s1+$0xC00];
	(pc) =	sbr.rel @p0 .LBB2_11-.Ltmp4, $4  }
0x2f5: {  	v13 =	vld [tilespmem:s1+$0x50];
	[tilespmem:s1+$0x440] =	vst v12;
	v9 =	vmul.f32 $2.262741660e+01, v14  }
0x2f6: {  	v16 =	vld [tilespmem:s1+$0x60];
	[tilespmem:s1+$0x450] =	vst v17;
	v10 =	vmul.f32 $2.262741660e+01, v3  }
0x2f7: {  	[tilespmem:s1+$0x460] =	vst v18;
	v3 =	vmul.f32 $2.262741660e+01, v19;
	v14 =	vld [tilespmem:s1+$0xC10]  }
0x2f8: {  	s16 =	sadd.s32 $0x80, s16;
	v12 =	vmul.f32 $2.262741660e+01, v20;
	[tilespmem:s1+$0x470] =	vst v15;
	v15 =	vld [tilespmem:s1+$0xC30]  }
0x2f9: {  	[tilespmem:s1+$0x800] =	vst v7  }
0x2fa: {  	[tilespmem:s1+$0x810] =	vst v6  }
0x2fb: {  	[tilespmem:s1+$0x820] =	vst v4  }
0x2fc: {  	[tilespmem:s1+$0x830] =	vst v8  }
0x2fd: {  	[tilespmem:s1+$0x840] =	vst v5  }
0x2fe: {  	[tilespmem:s1+$0x850] =	vst v9  }
0x2ff: {  	[tilespmem:s1+$0x860] =	vst v10  }
0x300: {  	v56 =	vld [tilespmem:s1+$0xC60];
	v61 =	vmul.f32 $2.262741660e+01, v11;
	[tilespmem:s1+$0x870] =	vst v3  }
0x301: {  	v57 =	vld [tilespmem:s1+$0xC50];
	[tilespmem:s1+$0x40] =	vst v12;
	v60 =	vmul.f32 $2.262741660e+01, v13  }
0x302: {  	v59 =	vmul.f32 $2.262741660e+01, v16;
	[tilespmem:s1+$0xC00] =	vst v61  }
0x303: {  	s29 =	sadd.s32 $0x1, s29;
	[tilespmem:s1+$0x50] =	vst v60;
	v62 =	vmul.f32 $2.262741660e+01, v14  }
0x304: {  	s13 =	smul.u32 $0x28, s30;
	p0 =	sne.s32 s29, $0x20;
	[tilespmem:s1+$0x60] =	vst v59;
	v63 =	vmul.f32 $2.262741660e+01, v15  }
.Ltmp5:
0x305: {  	v58 =	vmul.f32 $2.262741660e+01, v56;
	[tilespmem:s1+$0xC10] =	vst v62;
	(pc) =	sbr.rel @p0 .LBB2_2-.Ltmp5, $4  }
0x306: {  	s13 =	sadd.s32 s4, s13;
	v4 =	vmul.f32 $2.262741660e+01, v57;
	[tilespmem:s1+$0xC30] =	vst v63  }
0x307: {  	s13 =	sshll.u32 s13, $0x6;
	[tilespmem:s1+$0xC60] =	vst v58  }
0x308: {  	s31 =	sadd.s32 s3, s13;
	[tilespmem:s1+$0xC50] =	vst v4  }
0x309: {  	[hbm4b:s31+s5] =	stream.linear.scatter [tilespmem:s15], [sflag:$0xA], $0x5000, $0x38;
	[tilespmem:$0x1A900] =	vst v63  }
0x30a: {  	s1 =	simm.s32 $0x6  }
0x30b: {  	_ =	swait.ge [sflag:s1], $0x5000  }
0x30c: {  	[sflag:s1] =	ssyncset.done $0x0  }
0x30d: {  	s20 =	simm.s32 $0x7;
	[sflag:s1] =	ssyncadd.s32 $0xFFFFB000  }
0x30e: {  	_ =	swait.ge [sflag:s20], $0x5000  }
0x30f: {  	[sflag:s20] =	ssyncset.done $0x0  }
0x310: {  	s29 =	simm.s32 $0x8;
	[sflag:s20] =	ssyncadd.s32 $0xFFFFB000  }
0x311: {  	_ =	swait.ge [sflag:s29], $0x5000  }
0x312: {  	[sflag:s29] =	ssyncset.done $0x0  }
0x313: {  	s30 =	simm.s32 $0x9;
	[sflag:s29] =	ssyncadd.s32 $0xFFFFB000  }
0x314: {  	_ =	swait.ge [sflag:s30], $0x5000  }
0x315: {  	[sflag:s30] =	ssyncset.done $0x0  }
0x316: {  	s13 =	simm.s32 $0xA;
	[sflag:s30] =	ssyncadd.s32 $0xFFFFB000  }
0x317: {  	_ =	swait.ge [sflag:s13], $0x5000  }
0x318: {  	s16 =	rddreg [dreg:$0x6]  }
0x319: {  	s31 =	rddreg [dreg:$0x5];
	s16 =	sadd.s32 $0x1, s16  }
0x31a: {  	p0 =	sne.s32 s16, s31  }
.Ltmp6:
0x31b: {  	_ = 	snop;
	(pc) =	sbr.rel @p0 .LBB2_1-.Ltmp6, $3  }
0x31c: {  	_ =	sdelay $0x1  }
0x31d: {  	[sflag:s13] =	ssyncset.done $0x0  }
0x31e: {  	[sflag:s13] =	ssyncadd.s32 $0xFFFFB000  }
0x31f: {  	_ =	sfence.sel $0x180000  }
0x320: {  	[bflag:$0x0] =	sbarrier.arrive $0xFFFF  }
0x321: {  	_ =	strace $0x90000047  }
0x322: {  	s0 =	stileid.u32;
	[bflag:$0x2] =	sbarrier.arrive $0xFFFF  }
0x323: {  	p0 =	sne.s32 s0, $0x0;
	s0 =	rddreg [dreg:$0x3]  }
0x324: {  	s0 =	sadd.s32 @!p0 $0x100000, s0  }
0x325: {  	[sflag:s0] =	ssyncadd.tile.s32 @!p0 $0x1;
	_ =	shalt  }
.Lfunc_end2:
_tile_overlayer_lowered:
.L_overlay_start_2:
0x326: {  	(tag) =	ssettag $0x2  }
0x327: {  	s0 =	rddreg [dreg:$0x0];
	s2 =	stileid.u32  }
0x328: {  	s1 =	rddreg [dreg:$0x1];
	p0 =	sne.s32 s2, $0x0  }
0x329: {  	s3 =	rddreg [dreg:$0x2];
	[bflag:$0x3] =	sbarrier.arrive $0xFFFF;
	s2 =	simm.s32 @!p0 $0x1C0B  }
0x32a: {  	[timem:s3], [sflag:s2] =	dma.local @!p0 [hbm:s0], s1  }
0x32b: {  	s0 =	simm.s32 @!p0 $0xB  }
0x32c: {  	_ =	swait.ge @!p0 [sflag:s0], s1  }
0x32d: {  	s1 =	ssub.s32 @!p0 $0x0, s1;
	[sflag:s0] =	ssyncset.done @!p0 $0x0  }
0x32e: {  	[sflag:s0] =	ssyncadd.s32 @!p0 s1  }
0x32f: {  	[bflag:$0x3] =	sbarrier.arrive $0xFFFF  }
0x330: {  	_ =	shalt  }

</sc_bundles>
